<compile_context>
chip_gen: v7x
topology: tpu7x:2x2x1
jax: 0.10.2.dev20260603
libtpu: 0.0.44.dev20260713+nightly
codegen_flags: <defaults>
</compile_context>

<pallas_src>
import functools

import jax
import jax.numpy as jnp
from jax import lax
from jax.experimental import pallas as pl
from jax.experimental.pallas import tpu as pltpu
from jax.experimental.pallas import tpu_sc as plsc

N_NODES = 10000
N_EDGES = 160000
D_IN, D_H, D_OUT = 256, 512, 256

N_TILES = 16
N_PAD = 10240
HALF = 5120
ACC_N = 5248
ACC_PER_TILE = ACC_N // N_TILES
CHUNK = 128
CHUNKS = 80
E_PAD = N_TILES * CHUNKS * CHUNK
E_PER_TILE = CHUNKS * CHUNK

BM = 512

_MESH = plsc.VectorSubcoreMesh(core_axis_name="c", subcore_axis_name="s")


@functools.partial(
    pl.kernel,
    mesh=_MESH,
    out_type=jax.ShapeDtypeStruct((2, ACC_N, 128), jnp.float32),
    scratch_types=[
        pltpu.VMEM((CHUNKS, CHUNK), jnp.int32),
        pltpu.VMEM((CHUNKS, CHUNK), jnp.int32),
        pltpu.VMEM((CHUNK, 128), jnp.float32),
        pltpu.VMEM((CHUNK, 128), jnp.float32),
        pltpu.VMEM_SHARED((ACC_N, 128), jnp.float32),
        pltpu.SemaphoreType.DMA,
        pltpu.SemaphoreType.DMA,
    ],
)
def _agg(ta_hbm, tb_hbm, src_hbm, dst_hbm, zrows_hbm, out_hbm,
         src_v, dst_v, rows0, rows1, acc, sem0, sem1):
  c = lax.axis_index("c")
  s = lax.axis_index("s")
  row0 = s * ACC_PER_TILE
  pltpu.sync_copy(zrows_hbm, acc.at[pl.ds(row0, ACC_PER_TILE)])
  pltpu.sync_copy(src_hbm.at[s], src_v)
  pltpu.sync_copy(dst_hbm.at[s], dst_v)
  plsc.subcore_barrier()

  def run(table):
    pltpu.make_async_copy(table.at[src_v.at[0]], rows0, sem0).start()

    def body(i, carry):
      j0 = 2 * i
      pltpu.make_async_copy(table.at[src_v.at[j0]], rows0, sem0).wait()
      pltpu.make_async_copy(table.at[src_v.at[j0 + 1]], rows1, sem1).start()
      pltpu.sync_copy(rows0, acc.at[dst_v.at[j0]], add=True)

      @pl.when(j0 + 2 < CHUNKS)
      def _():
        pltpu.make_async_copy(table.at[src_v.at[j0 + 2]], rows0, sem0).start()

      pltpu.make_async_copy(table.at[src_v.at[j0 + 1]], rows1, sem1).wait()
      pltpu.sync_copy(rows1, acc.at[dst_v.at[j0 + 1]], add=True)
      return carry

    lax.fori_loop(0, CHUNKS // 2, body, 0)

  @pl.when(c == 0)
  def _():
    run(ta_hbm)

  @pl.when(c == 1)
  def _():
    run(tb_hbm)

  plsc.subcore_barrier()
  pltpu.sync_copy(acc.at[pl.ds(row0, ACC_PER_TILE)],
                  out_hbm.at[c, pl.ds(row0, ACC_PER_TILE)])


_CCHUNKS = CHUNKS // 2


@functools.partial(
    pl.kernel,
    mesh=_MESH,
    out_type=jax.ShapeDtypeStruct((2, ACC_N, 128), jnp.float32),
    scratch_types=[
        pltpu.VMEM((_CCHUNKS, CHUNK), jnp.int32),
        pltpu.VMEM((CHUNK, 128), jnp.float32),
        pltpu.VMEM_SHARED((ACC_N, 128), jnp.float32),
    ],
)
def _cnt(dst_hbm, ones_hbm, zrows_hbm, out_hbm, dst_v, ones_v, cnt2d):
  c = lax.axis_index("c")
  s = lax.axis_index("s")
  row0 = s * ACC_PER_TILE
  pltpu.sync_copy(zrows_hbm, cnt2d.at[pl.ds(row0, ACC_PER_TILE)])
  pltpu.sync_copy(dst_hbm.at[s, pl.ds(c * _CCHUNKS, _CCHUNKS)], dst_v)
  pltpu.sync_copy(ones_hbm, ones_v)
  plsc.subcore_barrier()

  def body(j, carry):
    pltpu.sync_copy(ones_v, cnt2d.at[dst_v.at[j]], add=True)
    return carry

  lax.fori_loop(0, _CCHUNKS, body, 0)

  plsc.subcore_barrier()
  pltpu.sync_copy(cnt2d.at[pl.ds(row0, ACC_PER_TILE)],
                  out_hbm.at[c, pl.ds(row0, ACC_PER_TILE)])


def _tc1(Sa, Sb, cnt, x, W1la, W1lb, W1r, b1, W2l, W2r):
  def body(sa, sb, cnt_r, x_r, w1la, w1lb, w1r, b1_r, w2l, w2r,
           ga_o, gb_o, hr_o):
    r = 1.0 / jnp.maximum(cnt_r[...], 1.0)
    h = jnp.tanh(
        jnp.dot(sa[...] * r, w1la[...], preferred_element_type=jnp.float32)
        + jnp.dot(sb[...] * r, w1lb[...], preferred_element_type=jnp.float32)
        + jnp.dot(x_r[...], w1r[...], preferred_element_type=jnp.float32)
        + b1_r[...])
    g = jnp.dot(h, w2l[...], preferred_element_type=jnp.float32)
    ga_o[...] = g[:, :128]
    gb_o[...] = g[:, 128:]
    hr_o[...] = jnp.dot(h, w2r[...], preferred_element_type=jnp.float32)

  grid = (N_PAD // BM,)
  full = lambda shape: pl.BlockSpec(shape, lambda i: (0, 0))
  return pl.pallas_call(
      body,
      grid=grid,
      in_specs=[
          pl.BlockSpec((BM, 128), lambda i: (i, 0)),
          pl.BlockSpec((BM, 128), lambda i: (i, 0)),
          pl.BlockSpec((BM, 1), lambda i: (i, 0)),
          pl.BlockSpec((BM, D_IN), lambda i: (i, 0)),
          full((128, D_H)),
          full((128, D_H)),
          full((D_IN, D_H)),
          full((1, D_H)),
          full((D_H, D_OUT)),
          full((D_H, D_OUT)),
      ],
      out_specs=[
          pl.BlockSpec((BM, 128), lambda i: (i, 0)),
          pl.BlockSpec((BM, 128), lambda i: (i, 0)),
          pl.BlockSpec((BM, D_OUT), lambda i: (i, 0)),
      ],
      out_shape=[
          jax.ShapeDtypeStruct((N_PAD, 128), jnp.float32),
          jax.ShapeDtypeStruct((N_PAD, 128), jnp.float32),
          jax.ShapeDtypeStruct((N_PAD, D_OUT), jnp.float32),
      ],
  )(Sa, Sb, cnt, x, W1la, W1lb, W1r, b1, W2l, W2r)


def _tc2(S2a, S2b, cnt, hr, b2):
  def body(sa, sb, cnt_r, hr_r, b2_r, out_o):
    r = 1.0 / jnp.maximum(cnt_r[...], 1.0)
    m = jnp.concatenate([sa[...] * r, sb[...] * r], axis=1)
    out_o[...] = m + hr_r[...] + b2_r[...]

  grid = (N_PAD // BM,)
  return pl.pallas_call(
      body,
      grid=grid,
      in_specs=[
          pl.BlockSpec((BM, 128), lambda i: (i, 0)),
          pl.BlockSpec((BM, 128), lambda i: (i, 0)),
          pl.BlockSpec((BM, 1), lambda i: (i, 0)),
          pl.BlockSpec((BM, D_OUT), lambda i: (i, 0)),
          pl.BlockSpec((1, D_OUT), lambda i: (0, 0)),
      ],
      out_specs=pl.BlockSpec((BM, D_OUT), lambda i: (i, 0)),
      out_shape=jax.ShapeDtypeStruct((N_PAD, D_OUT), jnp.float32),
  )(S2a, S2b, cnt, hr, b2)


def _aggregate(ta, tb, src_p, dstA_p, dstB_p, zrows):
  SA = _agg(ta, tb, src_p, dstA_p, zrows)
  SB = _agg(ta, tb, src_p, dstB_p, zrows)
  Sa = jnp.concatenate([SA[0, :HALF], SB[0, :HALF]], axis=0)
  Sb = jnp.concatenate([SA[1, :HALF], SB[1, :HALF]], axis=0)
  return Sa, Sb


def kernel(x, edge_index, W1_l, W1_r, b1, W2_l, W2_r, b2):
  src = edge_index[0].astype(jnp.int32)
  dst = edge_index[1].astype(jnp.int32)
  pad_e = E_PAD - N_EDGES
  src_p = jnp.concatenate(
      [src, jnp.full((pad_e,), N_NODES, jnp.int32)]).reshape(N_TILES, CHUNKS, CHUNK)
  dst_f = jnp.concatenate([dst, jnp.full((pad_e,), N_NODES, jnp.int32)])
  dstA_p = jnp.minimum(dst_f, HALF).reshape(N_TILES, CHUNKS, CHUNK)
  dstB_p = jnp.where(dst_f >= HALF, dst_f, N_NODES).reshape(
      N_TILES, CHUNKS, CHUNK) - HALF

  x_pad = jnp.concatenate(
      [x, jnp.zeros((N_PAD - N_NODES, D_IN), jnp.float32)], axis=0)
  zrows = jnp.zeros((ACC_PER_TILE, 128), jnp.float32)

  ones128 = jnp.ones((CHUNK, 128), jnp.float32)
  cA = _cnt(dstA_p, ones128, zrows)
  cB = _cnt(dstB_p, ones128, zrows)
  cnt = jnp.concatenate(
      [(cA[0, :HALF, 0] + cA[1, :HALF, 0]),
       (cB[0, :HALF, 0] + cB[1, :HALF, 0])]).reshape(N_PAD, 1)

  Sa, Sb = _aggregate(x_pad[:, :128], x_pad[:, 128:], src_p, dstA_p, dstB_p,
                      zrows)

  ga, gb, hr = _tc1(Sa, Sb, cnt, x_pad,
                    W1_l[:128], W1_l[128:], W1_r, b1.reshape(1, D_H),
                    W2_l, W2_r)

  S2a, S2b = _aggregate(ga, gb, src_p, dstA_p, dstB_p, zrows)

  out = _tc2(S2a, S2b, cnt, hr, b2.reshape(1, D_OUT))
  return out[:N_NODES]

# --- scband reference (transcript-rebuilt; emitter-appended) ---
"""Pipeline reference for scband-sparse-gnnmodel-10093173145977 (READ-ONLY COPY).

The authoritative reference and input builder live on the scoring server;
editing this copy changes nothing except your own understanding.
"""

import jax, jax.numpy as jnp
import numpy as np

N_NODES = 10000
N_EDGES = 160000
D_IN, D_H, D_OUT = 256, 512, 256


def sage_conv(x, edge_index, W_l, W_r, b):
    # PyG SAGEConv with mean aggregation:
    #   out = lin_l(mean_{j in N(i)} x_j) + lin_r(x_i)
    num_nodes = x.shape[0]
    src = edge_index[0]
    dst = edge_index[1]
    msg = x[src]  # gather source node features per edge
    summed = jax.ops.segment_sum(msg, dst, num_segments=num_nodes)
    cnt = jax.ops.segment_sum(jnp.ones((msg.shape[0], 1), x.dtype), dst, num_segments=num_nodes)
    mean = summed / jnp.maximum(cnt, 1.0)
    return mean @ W_l + x @ W_r + b


def setup_inputs(seed: int = 0) -> dict:
    key = jax.random.key(seed)
    ks = jax.random.split(key, 8)
    x = jax.random.normal(ks[0], (N_NODES, D_IN), dtype=jnp.float32)
    edge_index = jax.random.randint(ks[1], (2, N_EDGES), 0, N_NODES, dtype=jnp.int32)
    s1 = 1.0 / np.sqrt(D_IN)
    s2 = 1.0 / np.sqrt(D_H)
    W1_l = jax.random.uniform(ks[2], (D_IN, D_H), jnp.float32, -s1, s1)
    W1_r = jax.random.uniform(ks[3], (D_IN, D_H), jnp.float32, -s1, s1)
    b1 = jnp.zeros((D_H,), jnp.float32)
    W2_l = jax.random.uniform(ks[4], (D_H, D_OUT), jnp.float32, -s2, s2)
    W2_r = jax.random.uniform(ks[5], (D_H, D_OUT), jnp.float32, -s2, s2)
    b2 = jnp.zeros((D_OUT,), jnp.float32)
    return {"x": x, "edge_index": edge_index, "W1_l": W1_l, "W1_r": W1_r, "b1": b1, "W2_l": W2_l, "W2_r": W2_r, "b2": b2}


def reference(x, edge_index, W1_l, W1_r, b1, W2_l, W2_r, b2):
    h = sage_conv(x, edge_index, W1_l, W1_r, b1)
    h = jnp.tanh(h)
    out = sage_conv(h, edge_index, W2_l, W2_r, b2)
    return out

if __name__ == "__main__":
    import jax
    _d = setup_inputs()
    print(jax.jit(kernel)(*tuple(_d.values())))

</pallas_src>

<mosaic_0001>
#map = affine_map<(d0, d1) -> (0, 0)>
#map1 = affine_map<(d0, d1) -> (0, 0, 0)>
module attributes {stable_mosaic.version = 14 : i64} {
  func.func @_agg(%arg0: i32, %arg1: i32, %arg2: memref<10240x128xf32, #tpu.memory_space<hbm>>, %arg3: memref<10240x128xf32, #tpu.memory_space<hbm>>, %arg4: memref<16x80x128xi32, #tpu.memory_space<hbm>>, %arg5: memref<16x80x128xi32, #tpu.memory_space<hbm>>, %arg6: memref<328x128xf32, #tpu.memory_space<hbm>>, %arg7: memref<2x5248x128xf32, #tpu.memory_space<hbm>>, %arg8: memref<80x128xi32, #tpu.memory_space<vmem>>, %arg9: memref<80x128xi32, #tpu.memory_space<vmem>>, %arg10: memref<128x128xf32, #tpu.memory_space<vmem>>, %arg11: memref<128x128xf32, #tpu.memory_space<vmem>>, %arg12: memref<5248x128xf32, #tpu.memory_space<vmem_shared>>, %arg13: memref<!tpu.dma_semaphore, #tpu.memory_space<semaphore_mem>>, %arg14: memref<!tpu.dma_semaphore, #tpu.memory_space<semaphore_mem>>) attributes {dimension_semantics = [#tpu.dimension_semantics<core_parallel>, #tpu.dimension_semantics<subcore_parallel>], iteration_bounds = array<i64: 2, 16>, scalar_prefetch = 0 : i64, scratch_operands = 7 : i64, tpu.core_type = #tpu.core_type<sc_vector_subcore>, window_params = [{transform_indices = #map}, {transform_indices = #map}, {transform_indices = #map1}, {transform_indices = #map1}, {transform_indices = #map}, {transform_indices = #map1}]} {
    %mul3A = arith.constant 328 : i32
    %mul3A_0 = arith.muli %arg1, %mul3A : i32
    "tpu.region"() ({
      %run_scoped3A = tpu.sem_alloc : memref<!tpu.dma_semaphore, #tpu.memory_space<semaphore_mem>>
      %dma_start3A = arith.constant 0 : i32
      %dma_start3A_9 = tpu.memref_slice %arg12[%mul3A_0, %dma_start3A] : memref<5248x128xf32, #tpu.memory_space<vmem_shared>> -> memref<328x128xf32, #tpu.memory_space<vmem_shared>>
      tpu.enqueue_dma source(%arg6 : memref<328x128xf32, #tpu.memory_space<hbm>>) target(%dma_start3A_9 : memref<328x128xf32, #tpu.memory_space<vmem_shared>>) target_semaphore(%run_scoped3A : memref<!tpu.dma_semaphore, #tpu.memory_space<semaphore_mem>>)
      %dma_wait3A = arith.constant 0 : i32
      %dma_wait3A_10 = tpu.memref_slice %arg12[%mul3A_0, %dma_wait3A] : memref<5248x128xf32, #tpu.memory_space<vmem_shared>> -> memref<328x128xf32, #tpu.memory_space<vmem_shared>>
      tpu.wait_dma2 semaphore(%run_scoped3A : memref<!tpu.dma_semaphore, #tpu.memory_space<semaphore_mem>>) src(%arg6 : memref<328x128xf32, #tpu.memory_space<hbm>>) dst(%dma_wait3A_10 : memref<328x128xf32, #tpu.memory_space<vmem_shared>>)
      tpu.yield
    }) : () -> ()
    "tpu.region"() ({
      %run_scoped3A = tpu.sem_alloc : memref<!tpu.dma_semaphore, #tpu.memory_space<semaphore_mem>>
      %dma_start3A = arith.constant 0 : i32
      %dma_start3A_9 = arith.constant 0 : i32
      %dma_start3A_10 = tpu.memref_slice %arg4[%arg1, %dma_start3A, %dma_start3A_9] : memref<16x80x128xi32, #tpu.memory_space<hbm>> -> memref<1x80x128xi32, #tpu.memory_space<hbm>>
      %dma_start3A_11 = tpu.memref_squeeze %dma_start3A_10 : memref<1x80x128xi32, #tpu.memory_space<hbm>> -> memref<80x128xi32, #tpu.memory_space<hbm>>
      %dma_start3A_12 = arith.constant 0 : i32
      %dma_start3A_13 = arith.constant 0 : i32
      %dma_start3A_14 = tpu.memref_slice %arg4[%arg1, %dma_start3A_12, %dma_start3A_13] : memref<16x80x128xi32, #tpu.memory_space<hbm>> -> memref<1x80x128xi32, #tpu.memory_space<hbm>>
      %dma_start3A_15 = tpu.memref_squeeze %dma_start3A_14 : memref<1x80x128xi32, #tpu.memory_space<hbm>> -> memref<80x128xi32, #tpu.memory_space<hbm>>
      tpu.enqueue_dma source(%dma_start3A_15 : memref<80x128xi32, #tpu.memory_space<hbm>>) target(%arg8 : memref<80x128xi32, #tpu.memory_space<vmem>>) target_semaphore(%run_scoped3A : memref<!tpu.dma_semaphore, #tpu.memory_space<semaphore_mem>>)
      %dma_wait3A = arith.constant 0 : i32
      %dma_wait3A_16 = arith.constant 0 : i32
      %dma_wait3A_17 = tpu.memref_slice %arg4[%arg1, %dma_wait3A, %dma_wait3A_16] : memref<16x80x128xi32, #tpu.memory_space<hbm>> -> memref<1x80x128xi32, #tpu.memory_space<hbm>>
      %dma_wait3A_18 = tpu.memref_squeeze %dma_wait3A_17 : memref<1x80x128xi32, #tpu.memory_space<hbm>> -> memref<80x128xi32, #tpu.memory_space<hbm>>
      %dma_wait3A_19 = arith.constant 0 : i32
      %dma_wait3A_20 = arith.constant 0 : i32
      %dma_wait3A_21 = tpu.memref_slice %arg4[%arg1, %dma_wait3A_19, %dma_wait3A_20] : memref<16x80x128xi32, #tpu.memory_space<hbm>> -> memref<1x80x128xi32, #tpu.memory_space<hbm>>
      %dma_wait3A_22 = tpu.memref_squeeze %dma_wait3A_21 : memref<1x80x128xi32, #tpu.memory_space<hbm>> -> memref<80x128xi32, #tpu.memory_space<hbm>>
      tpu.wait_dma2 semaphore(%run_scoped3A : memref<!tpu.dma_semaphore, #tpu.memory_space<semaphore_mem>>) src(%dma_wait3A_22 : memref<80x128xi32, #tpu.memory_space<hbm>>) dst(%arg8 : memref<80x128xi32, #tpu.memory_space<vmem>>)
      tpu.yield
    }) : () -> ()
    "tpu.region"() ({
      %run_scoped3A = tpu.sem_alloc : memref<!tpu.dma_semaphore, #tpu.memory_space<semaphore_mem>>
      %dma_start3A = arith.constant 0 : i32
      %dma_start3A_9 = arith.constant 0 : i32
      %dma_start3A_10 = tpu.memref_slice %arg5[%arg1, %dma_start3A, %dma_start3A_9] : memref<16x80x128xi32, #tpu.memory_space<hbm>> -> memref<1x80x128xi32, #tpu.memory_space<hbm>>
      %dma_start3A_11 = tpu.memref_squeeze %dma_start3A_10 : memref<1x80x128xi32, #tpu.memory_space<hbm>> -> memref<80x128xi32, #tpu.memory_space<hbm>>
      %dma_start3A_12 = arith.constant 0 : i32
      %dma_start3A_13 = arith.constant 0 : i32
      %dma_start3A_14 = tpu.memref_slice %arg5[%arg1, %dma_start3A_12, %dma_start3A_13] : memref<16x80x128xi32, #tpu.memory_space<hbm>> -> memref<1x80x128xi32, #tpu.memory_space<hbm>>
      %dma_start3A_15 = tpu.memref_squeeze %dma_start3A_14 : memref<1x80x128xi32, #tpu.memory_space<hbm>> -> memref<80x128xi32, #tpu.memory_space<hbm>>
      tpu.enqueue_dma source(%dma_start3A_15 : memref<80x128xi32, #tpu.memory_space<hbm>>) target(%arg9 : memref<80x128xi32, #tpu.memory_space<vmem>>) target_semaphore(%run_scoped3A : memref<!tpu.dma_semaphore, #tpu.memory_space<semaphore_mem>>)
      %dma_wait3A = arith.constant 0 : i32
      %dma_wait3A_16 = arith.constant 0 : i32
      %dma_wait3A_17 = tpu.memref_slice %arg5[%arg1, %dma_wait3A, %dma_wait3A_16] : memref<16x80x128xi32, #tpu.memory_space<hbm>> -> memref<1x80x128xi32, #tpu.memory_space<hbm>>
      %dma_wait3A_18 = tpu.memref_squeeze %dma_wait3A_17 : memref<1x80x128xi32, #tpu.memory_space<hbm>> -> memref<80x128xi32, #tpu.memory_space<hbm>>
      %dma_wait3A_19 = arith.constant 0 : i32
      %dma_wait3A_20 = arith.constant 0 : i32
      %dma_wait3A_21 = tpu.memref_slice %arg5[%arg1, %dma_wait3A_19, %dma_wait3A_20] : memref<16x80x128xi32, #tpu.memory_space<hbm>> -> memref<1x80x128xi32, #tpu.memory_space<hbm>>
      %dma_wait3A_22 = tpu.memref_squeeze %dma_wait3A_21 : memref<1x80x128xi32, #tpu.memory_space<hbm>> -> memref<80x128xi32, #tpu.memory_space<hbm>>
      tpu.wait_dma2 semaphore(%run_scoped3A : memref<!tpu.dma_semaphore, #tpu.memory_space<semaphore_mem>>) src(%dma_wait3A_22 : memref<80x128xi32, #tpu.memory_space<hbm>>) dst(%arg9 : memref<80x128xi32, #tpu.memory_space<vmem>>)
      tpu.yield
    }) : () -> ()
    %barrier3A = arith.constant 0 : index
    tpu.barrier barrier_id(%barrier3A)
    %eq3A = arith.constant 0 : i32
    %eq3A_1 = arith.cmpi eq, %arg0, %eq3A : i32
    %convert_element_type3A = arith.extui %eq3A_1 : i1 to i32
    %cond3A = arith.constant 0 : i32
    %cond3A_2 = arith.cmpi ne, %convert_element_type3A, %cond3A : i32
    scf.if %cond3A_2 {
      %dma_start3A = arith.constant 0 : i32
      %dma_start3A_9 = arith.constant 0 : i32
      %dma_start3A_10 = tpu.memref_slice %arg8[%dma_start3A, %dma_start3A_9] : memref<80x128xi32, #tpu.memory_space<vmem>> -> memref<1x128xi32, #tpu.memory_space<vmem>>
      %dma_start3A_11 = tpu.memref_squeeze %dma_start3A_10 : memref<1x128xi32, #tpu.memory_space<vmem>> -> memref<128xi32, #tpu.memory_space<vmem>>
      %dma_start3A_12 = arith.constant 0 : i32
      %dma_start3A_13 = arith.constant 0 : i32
      %dma_start3A_14 = tpu.memref_slice %arg2[%dma_start3A_12, %dma_start3A_13] : memref<10240x128xf32, #tpu.memory_space<hbm>> -> memref<10240x128xf32, #tpu.memory_space<hbm>>
      tpu.enqueue_indirect_dma source(%dma_start3A_14 : memref<10240x128xf32, #tpu.memory_space<hbm>>) target(%arg10 : memref<128x128xf32, #tpu.memory_space<vmem>>) offsets(%dma_start3A_11 : memref<128xi32, #tpu.memory_space<vmem>>) semaphore(%arg13 : memref<!tpu.dma_semaphore, #tpu.memory_space<semaphore_mem>>)
      %scan3A = arith.constant 0 : i32
      %scan3A_15 = arith.constant 0 : i32
      %scan3A_16 = arith.constant 40 : i32
      %scan3A_17 = arith.addi %scan3A_15, %scan3A_16 : i32
      %scan3A_18 = arith.constant 1 : i32
      scf.for %scan3A_20 = %scan3A_15 to %scan3A_17 step %scan3A_18  : i32 {
        %mul3A_21 = arith.constant 2 : i32
        %mul3A_22 = arith.muli %mul3A_21, %scan3A_20 : i32
        %dma_wait3A = arith.constant 0 : i32
        %dma_wait3A_23 = tpu.memref_slice %arg8[%mul3A_22, %dma_wait3A] : memref<80x128xi32, #tpu.memory_space<vmem>> -> memref<1x128xi32, #tpu.memory_space<vmem>>
        %dma_wait3A_24 = tpu.memref_squeeze %dma_wait3A_23 : memref<1x128xi32, #tpu.memory_space<vmem>> -> memref<128xi32, #tpu.memory_space<vmem>>
        %dma_wait3A_25 = arith.constant 0 : i32
        %dma_wait3A_26 = arith.constant 0 : i32
        %dma_wait3A_27 = tpu.memref_slice %arg2[%dma_wait3A_25, %dma_wait3A_26] : memref<10240x128xf32, #tpu.memory_space<hbm>> -> memref<10240x128xf32, #tpu.memory_space<hbm>>
        tpu.wait_indirect_dma semaphore(%arg13 : memref<!tpu.dma_semaphore, #tpu.memory_space<semaphore_mem>>) src(%dma_wait3A_27 : memref<10240x128xf32, #tpu.memory_space<hbm>>) dst(%arg10 : memref<128x128xf32, #tpu.memory_space<vmem>>)
        %add3A = arith.constant 1 : i32
        %add3A_28 = arith.addi %mul3A_22, %add3A : i32
        %dma_start3A_29 = arith.constant 0 : i32
        %dma_start3A_30 = tpu.memref_slice %arg8[%add3A_28, %dma_start3A_29] : memref<80x128xi32, #tpu.memory_space<vmem>> -> memref<1x128xi32, #tpu.memory_space<vmem>>
        %dma_start3A_31 = tpu.memref_squeeze %dma_start3A_30 : memref<1x128xi32, #tpu.memory_space<vmem>> -> memref<128xi32, #tpu.memory_space<vmem>>
        %dma_start3A_32 = arith.constant 0 : i32
        %dma_start3A_33 = arith.constant 0 : i32
        %dma_start3A_34 = tpu.memref_slice %arg2[%dma_start3A_32, %dma_start3A_33] : memref<10240x128xf32, #tpu.memory_space<hbm>> -> memref<10240x128xf32, #tpu.memory_space<hbm>>
        tpu.enqueue_indirect_dma source(%dma_start3A_34 : memref<10240x128xf32, #tpu.memory_space<hbm>>) target(%arg11 : memref<128x128xf32, #tpu.memory_space<vmem>>) offsets(%dma_start3A_31 : memref<128xi32, #tpu.memory_space<vmem>>) semaphore(%arg14 : memref<!tpu.dma_semaphore, #tpu.memory_space<semaphore_mem>>)
        "tpu.region"() ({
          %run_scoped3A = tpu.sem_alloc : memref<!tpu.dma_semaphore, #tpu.memory_space<semaphore_mem>>
          %dma_start3A_51 = arith.constant 0 : i32
          %dma_start3A_52 = tpu.memref_slice %arg9[%mul3A_22, %dma_start3A_51] : memref<80x128xi32, #tpu.memory_space<vmem>> -> memref<1x128xi32, #tpu.memory_space<vmem>>
          %dma_start3A_53 = tpu.memref_squeeze %dma_start3A_52 : memref<1x128xi32, #tpu.memory_space<vmem>> -> memref<128xi32, #tpu.memory_space<vmem>>
          %dma_start3A_54 = arith.constant 0 : i32
          %dma_start3A_55 = arith.constant 0 : i32
          %dma_start3A_56 = tpu.memref_slice %arg12[%dma_start3A_54, %dma_start3A_55] : memref<5248x128xf32, #tpu.memory_space<vmem_shared>> -> memref<5248x128xf32, #tpu.memory_space<vmem_shared>>
          tpu.enqueue_indirect_dma source(%arg10 : memref<128x128xf32, #tpu.memory_space<vmem>>) target(%dma_start3A_56 : memref<5248x128xf32, #tpu.memory_space<vmem_shared>>) offsets(%dma_start3A_53 : memref<128xi32, #tpu.memory_space<vmem>>) semaphore(%run_scoped3A : memref<!tpu.dma_semaphore, #tpu.memory_space<semaphore_mem>>) {add = true}
          %dma_wait3A_57 = arith.constant 0 : i32
          %dma_wait3A_58 = tpu.memref_slice %arg9[%mul3A_22, %dma_wait3A_57] : memref<80x128xi32, #tpu.memory_space<vmem>> -> memref<1x128xi32, #tpu.memory_space<vmem>>
          %dma_wait3A_59 = tpu.memref_squeeze %dma_wait3A_58 : memref<1x128xi32, #tpu.memory_space<vmem>> -> memref<128xi32, #tpu.memory_space<vmem>>
          %dma_wait3A_60 = arith.constant 0 : i32
          %dma_wait3A_61 = arith.constant 0 : i32
          %dma_wait3A_62 = tpu.memref_slice %arg12[%dma_wait3A_60, %dma_wait3A_61] : memref<5248x128xf32, #tpu.memory_space<vmem_shared>> -> memref<5248x128xf32, #tpu.memory_space<vmem_shared>>
          tpu.wait_indirect_dma semaphore(%run_scoped3A : memref<!tpu.dma_semaphore, #tpu.memory_space<semaphore_mem>>) src(%arg10 : memref<128x128xf32, #tpu.memory_space<vmem>>) dst(%dma_wait3A_62 : memref<5248x128xf32, #tpu.memory_space<vmem_shared>>)
          tpu.yield
        }) : () -> ()
        %add3A_35 = arith.constant 2 : i32
        %add3A_36 = arith.addi %mul3A_22, %add3A_35 : i32
        %lt3A = arith.constant 80 : i32
        %lt3A_37 = arith.cmpi slt, %add3A_36, %lt3A : i32
        %convert_element_type3A_38 = arith.extui %lt3A_37 : i1 to i32
        %cond3A_39 = arith.constant 0 : i32
        %cond3A_40 = arith.cmpi ne, %convert_element_type3A_38, %cond3A_39 : i32
        scf.if %cond3A_40 {
          %add3A_51 = arith.constant 2 : i32
          %add3A_52 = arith.addi %mul3A_22, %add3A_51 : i32
          %dma_start3A_53 = arith.constant 0 : i32
          %dma_start3A_54 = tpu.memref_slice %arg8[%add3A_52, %dma_start3A_53] : memref<80x128xi32, #tpu.memory_space<vmem>> -> memref<1x128xi32, #tpu.memory_space<vmem>>
          %dma_start3A_55 = tpu.memref_squeeze %dma_start3A_54 : memref<1x128xi32, #tpu.memory_space<vmem>> -> memref<128xi32, #tpu.memory_space<vmem>>
          %dma_start3A_56 = arith.constant 0 : i32
          %dma_start3A_57 = arith.constant 0 : i32
          %dma_start3A_58 = tpu.memref_slice %arg2[%dma_start3A_56, %dma_start3A_57] : memref<10240x128xf32, #tpu.memory_space<hbm>> -> memref<10240x128xf32, #tpu.memory_space<hbm>>
          tpu.enqueue_indirect_dma source(%dma_start3A_58 : memref<10240x128xf32, #tpu.memory_space<hbm>>) target(%arg10 : memref<128x128xf32, #tpu.memory_space<vmem>>) offsets(%dma_start3A_55 : memref<128xi32, #tpu.memory_space<vmem>>) semaphore(%arg13 : memref<!tpu.dma_semaphore, #tpu.memory_space<semaphore_mem>>)
        } else {
        }
        %add3A_41 = arith.constant 1 : i32
        %add3A_42 = arith.addi %mul3A_22, %add3A_41 : i32
        %dma_wait3A_43 = arith.constant 0 : i32
        %dma_wait3A_44 = tpu.memref_slice %arg8[%add3A_42, %dma_wait3A_43] : memref<80x128xi32, #tpu.memory_space<vmem>> -> memref<1x128xi32, #tpu.memory_space<vmem>>
        %dma_wait3A_45 = tpu.memref_squeeze %dma_wait3A_44 : memref<1x128xi32, #tpu.memory_space<vmem>> -> memref<128xi32, #tpu.memory_space<vmem>>
        %dma_wait3A_46 = arith.constant 0 : i32
        %dma_wait3A_47 = arith.constant 0 : i32
        %dma_wait3A_48 = tpu.memref_slice %arg2[%dma_wait3A_46, %dma_wait3A_47] : memref<10240x128xf32, #tpu.memory_space<hbm>> -> memref<10240x128xf32, #tpu.memory_space<hbm>>
        tpu.wait_indirect_dma semaphore(%arg14 : memref<!tpu.dma_semaphore, #tpu.memory_space<semaphore_mem>>) src(%dma_wait3A_48 : memref<10240x128xf32, #tpu.memory_space<hbm>>) dst(%arg11 : memref<128x128xf32, #tpu.memory_space<vmem>>)
        %add3A_49 = arith.constant 1 : i32
        %add3A_50 = arith.addi %mul3A_22, %add3A_49 : i32
        "tpu.region"() ({
          %run_scoped3A = tpu.sem_alloc : memref<!tpu.dma_semaphore, #tpu.memory_space<semaphore_mem>>
          %dma_start3A_51 = arith.constant 0 : i32
          %dma_start3A_52 = tpu.memref_slice %arg9[%add3A_50, %dma_start3A_51] : memref<80x128xi32, #tpu.memory_space<vmem>> -> memref<1x128xi32, #tpu.memory_space<vmem>>
          %dma_start3A_53 = tpu.memref_squeeze %dma_start3A_52 : memref<1x128xi32, #tpu.memory_space<vmem>> -> memref<128xi32, #tpu.memory_space<vmem>>
          %dma_start3A_54 = arith.constant 0 : i32
          %dma_start3A_55 = arith.constant 0 : i32
          %dma_start3A_56 = tpu.memref_slice %arg12[%dma_start3A_54, %dma_start3A_55] : memref<5248x128xf32, #tpu.memory_space<vmem_shared>> -> memref<5248x128xf32, #tpu.memory_space<vmem_shared>>
          tpu.enqueue_indirect_dma source(%arg11 : memref<128x128xf32, #tpu.memory_space<vmem>>) target(%dma_start3A_56 : memref<5248x128xf32, #tpu.memory_space<vmem_shared>>) offsets(%dma_start3A_53 : memref<128xi32, #tpu.memory_space<vmem>>) semaphore(%run_scoped3A : memref<!tpu.dma_semaphore, #tpu.memory_space<semaphore_mem>>) {add = true}
          %dma_wait3A_57 = arith.constant 0 : i32
          %dma_wait3A_58 = tpu.memref_slice %arg9[%add3A_50, %dma_wait3A_57] : memref<80x128xi32, #tpu.memory_space<vmem>> -> memref<1x128xi32, #tpu.memory_space<vmem>>
          %dma_wait3A_59 = tpu.memref_squeeze %dma_wait3A_58 : memref<1x128xi32, #tpu.memory_space<vmem>> -> memref<128xi32, #tpu.memory_space<vmem>>
          %dma_wait3A_60 = arith.constant 0 : i32
          %dma_wait3A_61 = arith.constant 0 : i32
          %dma_wait3A_62 = tpu.memref_slice %arg12[%dma_wait3A_60, %dma_wait3A_61] : memref<5248x128xf32, #tpu.memory_space<vmem_shared>> -> memref<5248x128xf32, #tpu.memory_space<vmem_shared>>
          tpu.wait_indirect_dma semaphore(%run_scoped3A : memref<!tpu.dma_semaphore, #tpu.memory_space<semaphore_mem>>) src(%arg11 : memref<128x128xf32, #tpu.memory_space<vmem>>) dst(%dma_wait3A_62 : memref<5248x128xf32, #tpu.memory_space<vmem_shared>>)
          tpu.yield
        }) : () -> ()
      }
      %scan3A_19 = arith.constant 40 : i32
    } else {
    }
    %eq3A_3 = arith.constant 1 : i32
    %eq3A_4 = arith.cmpi eq, %arg0, %eq3A_3 : i32
    %convert_element_type3A_5 = arith.extui %eq3A_4 : i1 to i32
    %cond3A_6 = arith.constant 0 : i32
    %cond3A_7 = arith.cmpi ne, %convert_element_type3A_5, %cond3A_6 : i32
    scf.if %cond3A_7 {
      %dma_start3A = arith.constant 0 : i32
      %dma_start3A_9 = arith.constant 0 : i32
      %dma_start3A_10 = tpu.memref_slice %arg8[%dma_start3A, %dma_start3A_9] : memref<80x128xi32, #tpu.memory_space<vmem>> -> memref<1x128xi32, #tpu.memory_space<vmem>>
      %dma_start3A_11 = tpu.memref_squeeze %dma_start3A_10 : memref<1x128xi32, #tpu.memory_space<vmem>> -> memref<128xi32, #tpu.memory_space<vmem>>
      %dma_start3A_12 = arith.constant 0 : i32
      %dma_start3A_13 = arith.constant 0 : i32
      %dma_start3A_14 = tpu.memref_slice %arg3[%dma_start3A_12, %dma_start3A_13] : memref<10240x128xf32, #tpu.memory_space<hbm>> -> memref<10240x128xf32, #tpu.memory_space<hbm>>
      tpu.enqueue_indirect_dma source(%dma_start3A_14 : memref<10240x128xf32, #tpu.memory_space<hbm>>) target(%arg10 : memref<128x128xf32, #tpu.memory_space<vmem>>) offsets(%dma_start3A_11 : memref<128xi32, #tpu.memory_space<vmem>>) semaphore(%arg13 : memref<!tpu.dma_semaphore, #tpu.memory_space<semaphore_mem>>)
      %scan3A = arith.constant 0 : i32
      %scan3A_15 = arith.constant 0 : i32
      %scan3A_16 = arith.constant 40 : i32
      %scan3A_17 = arith.addi %scan3A_15, %scan3A_16 : i32
      %scan3A_18 = arith.constant 1 : i32
      scf.for %scan3A_20 = %scan3A_15 to %scan3A_17 step %scan3A_18  : i32 {
        %mul3A_21 = arith.constant 2 : i32
        %mul3A_22 = arith.muli %mul3A_21, %scan3A_20 : i32
        %dma_wait3A = arith.constant 0 : i32
        %dma_wait3A_23 = tpu.memref_slice %arg8[%mul3A_22, %dma_wait3A] : memref<80x128xi32, #tpu.memory_space<vmem>> -> memref<1x128xi32, #tpu.memory_space<vmem>>
        %dma_wait3A_24 = tpu.memref_squeeze %dma_wait3A_23 : memref<1x128xi32, #tpu.memory_space<vmem>> -> memref<128xi32, #tpu.memory_space<vmem>>
        %dma_wait3A_25 = arith.constant 0 : i32
        %dma_wait3A_26 = arith.constant 0 : i32
        %dma_wait3A_27 = tpu.memref_slice %arg3[%dma_wait3A_25, %dma_wait3A_26] : memref<10240x128xf32, #tpu.memory_space<hbm>> -> memref<10240x128xf32, #tpu.memory_space<hbm>>
        tpu.wait_indirect_dma semaphore(%arg13 : memref<!tpu.dma_semaphore, #tpu.memory_space<semaphore_mem>>) src(%dma_wait3A_27 : memref<10240x128xf32, #tpu.memory_space<hbm>>) dst(%arg10 : memref<128x128xf32, #tpu.memory_space<vmem>>)
        %add3A = arith.constant 1 : i32
        %add3A_28 = arith.addi %mul3A_22, %add3A : i32
        %dma_start3A_29 = arith.constant 0 : i32
        %dma_start3A_30 = tpu.memref_slice %arg8[%add3A_28, %dma_start3A_29] : memref<80x128xi32, #tpu.memory_space<vmem>> -> memref<1x128xi32, #tpu.memory_space<vmem>>
        %dma_start3A_31 = tpu.memref_squeeze %dma_start3A_30 : memref<1x128xi32, #tpu.memory_space<vmem>> -> memref<128xi32, #tpu.memory_space<vmem>>
        %dma_start3A_32 = arith.constant 0 : i32
        %dma_start3A_33 = arith.constant 0 : i32
        %dma_start3A_34 = tpu.memref_slice %arg3[%dma_start3A_32, %dma_start3A_33] : memref<10240x128xf32, #tpu.memory_space<hbm>> -> memref<10240x128xf32, #tpu.memory_space<hbm>>
        tpu.enqueue_indirect_dma source(%dma_start3A_34 : memref<10240x128xf32, #tpu.memory_space<hbm>>) target(%arg11 : memref<128x128xf32, #tpu.memory_space<vmem>>) offsets(%dma_start3A_31 : memref<128xi32, #tpu.memory_space<vmem>>) semaphore(%arg14 : memref<!tpu.dma_semaphore, #tpu.memory_space<semaphore_mem>>)
        "tpu.region"() ({
          %run_scoped3A = tpu.sem_alloc : memref<!tpu.dma_semaphore, #tpu.memory_space<semaphore_mem>>
          %dma_start3A_51 = arith.constant 0 : i32
          %dma_start3A_52 = tpu.memref_slice %arg9[%mul3A_22, %dma_start3A_51] : memref<80x128xi32, #tpu.memory_space<vmem>> -> memref<1x128xi32, #tpu.memory_space<vmem>>
          %dma_start3A_53 = tpu.memref_squeeze %dma_start3A_52 : memref<1x128xi32, #tpu.memory_space<vmem>> -> memref<128xi32, #tpu.memory_space<vmem>>
          %dma_start3A_54 = arith.constant 0 : i32
          %dma_start3A_55 = arith.constant 0 : i32
          %dma_start3A_56 = tpu.memref_slice %arg12[%dma_start3A_54, %dma_start3A_55] : memref<5248x128xf32, #tpu.memory_space<vmem_shared>> -> memref<5248x128xf32, #tpu.memory_space<vmem_shared>>
          tpu.enqueue_indirect_dma source(%arg10 : memref<128x128xf32, #tpu.memory_space<vmem>>) target(%dma_start3A_56 : memref<5248x128xf32, #tpu.memory_space<vmem_shared>>) offsets(%dma_start3A_53 : memref<128xi32, #tpu.memory_space<vmem>>) semaphore(%run_scoped3A : memref<!tpu.dma_semaphore, #tpu.memory_space<semaphore_mem>>) {add = true}
          %dma_wait3A_57 = arith.constant 0 : i32
          %dma_wait3A_58 = tpu.memref_slice %arg9[%mul3A_22, %dma_wait3A_57] : memref<80x128xi32, #tpu.memory_space<vmem>> -> memref<1x128xi32, #tpu.memory_space<vmem>>
          %dma_wait3A_59 = tpu.memref_squeeze %dma_wait3A_58 : memref<1x128xi32, #tpu.memory_space<vmem>> -> memref<128xi32, #tpu.memory_space<vmem>>
          %dma_wait3A_60 = arith.constant 0 : i32
          %dma_wait3A_61 = arith.constant 0 : i32
          %dma_wait3A_62 = tpu.memref_slice %arg12[%dma_wait3A_60, %dma_wait3A_61] : memref<5248x128xf32, #tpu.memory_space<vmem_shared>> -> memref<5248x128xf32, #tpu.memory_space<vmem_shared>>
          tpu.wait_indirect_dma semaphore(%run_scoped3A : memref<!tpu.dma_semaphore, #tpu.memory_space<semaphore_mem>>) src(%arg10 : memref<128x128xf32, #tpu.memory_space<vmem>>) dst(%dma_wait3A_62 : memref<5248x128xf32, #tpu.memory_space<vmem_shared>>)
          tpu.yield
        }) : () -> ()
        %add3A_35 = arith.constant 2 : i32
        %add3A_36 = arith.addi %mul3A_22, %add3A_35 : i32
        %lt3A = arith.constant 80 : i32
        %lt3A_37 = arith.cmpi slt, %add3A_36, %lt3A : i32
        %convert_element_type3A_38 = arith.extui %lt3A_37 : i1 to i32
        %cond3A_39 = arith.constant 0 : i32
        %cond3A_40 = arith.cmpi ne, %convert_element_type3A_38, %cond3A_39 : i32
        scf.if %cond3A_40 {
          %add3A_51 = arith.constant 2 : i32
          %add3A_52 = arith.addi %mul3A_22, %add3A_51 : i32
          %dma_start3A_53 = arith.constant 0 : i32
          %dma_start3A_54 = tpu.memref_slice %arg8[%add3A_52, %dma_start3A_53] : memref<80x128xi32, #tpu.memory_space<vmem>> -> memref<1x128xi32, #tpu.memory_space<vmem>>
          %dma_start3A_55 = tpu.memref_squeeze %dma_start3A_54 : memref<1x128xi32, #tpu.memory_space<vmem>> -> memref<128xi32, #tpu.memory_space<vmem>>
          %dma_start3A_56 = arith.constant 0 : i32
          %dma_start3A_57 = arith.constant 0 : i32
          %dma_start3A_58 = tpu.memref_slice %arg3[%dma_start3A_56, %dma_start3A_57] : memref<10240x128xf32, #tpu.memory_space<hbm>> -> memref<10240x128xf32, #tpu.memory_space<hbm>>
          tpu.enqueue_indirect_dma source(%dma_start3A_58 : memref<10240x128xf32, #tpu.memory_space<hbm>>) target(%arg10 : memref<128x128xf32, #tpu.memory_space<vmem>>) offsets(%dma_start3A_55 : memref<128xi32, #tpu.memory_space<vmem>>) semaphore(%arg13 : memref<!tpu.dma_semaphore, #tpu.memory_space<semaphore_mem>>)
        } else {
        }
        %add3A_41 = arith.constant 1 : i32
        %add3A_42 = arith.addi %mul3A_22, %add3A_41 : i32
        %dma_wait3A_43 = arith.constant 0 : i32
        %dma_wait3A_44 = tpu.memref_slice %arg8[%add3A_42, %dma_wait3A_43] : memref<80x128xi32, #tpu.memory_space<vmem>> -> memref<1x128xi32, #tpu.memory_space<vmem>>
        %dma_wait3A_45 = tpu.memref_squeeze %dma_wait3A_44 : memref<1x128xi32, #tpu.memory_space<vmem>> -> memref<128xi32, #tpu.memory_space<vmem>>
        %dma_wait3A_46 = arith.constant 0 : i32
        %dma_wait3A_47 = arith.constant 0 : i32
        %dma_wait3A_48 = tpu.memref_slice %arg3[%dma_wait3A_46, %dma_wait3A_47] : memref<10240x128xf32, #tpu.memory_space<hbm>> -> memref<10240x128xf32, #tpu.memory_space<hbm>>
        tpu.wait_indirect_dma semaphore(%arg14 : memref<!tpu.dma_semaphore, #tpu.memory_space<semaphore_mem>>) src(%dma_wait3A_48 : memref<10240x128xf32, #tpu.memory_space<hbm>>) dst(%arg11 : memref<128x128xf32, #tpu.memory_space<vmem>>)
        %add3A_49 = arith.constant 1 : i32
        %add3A_50 = arith.addi %mul3A_22, %add3A_49 : i32
        "tpu.region"() ({
          %run_scoped3A = tpu.sem_alloc : memref<!tpu.dma_semaphore, #tpu.memory_space<semaphore_mem>>
          %dma_start3A_51 = arith.constant 0 : i32
          %dma_start3A_52 = tpu.memref_slice %arg9[%add3A_50, %dma_start3A_51] : memref<80x128xi32, #tpu.memory_space<vmem>> -> memref<1x128xi32, #tpu.memory_space<vmem>>
          %dma_start3A_53 = tpu.memref_squeeze %dma_start3A_52 : memref<1x128xi32, #tpu.memory_space<vmem>> -> memref<128xi32, #tpu.memory_space<vmem>>
          %dma_start3A_54 = arith.constant 0 : i32
          %dma_start3A_55 = arith.constant 0 : i32
          %dma_start3A_56 = tpu.memref_slice %arg12[%dma_start3A_54, %dma_start3A_55] : memref<5248x128xf32, #tpu.memory_space<vmem_shared>> -> memref<5248x128xf32, #tpu.memory_space<vmem_shared>>
          tpu.enqueue_indirect_dma source(%arg11 : memref<128x128xf32, #tpu.memory_space<vmem>>) target(%dma_start3A_56 : memref<5248x128xf32, #tpu.memory_space<vmem_shared>>) offsets(%dma_start3A_53 : memref<128xi32, #tpu.memory_space<vmem>>) semaphore(%run_scoped3A : memref<!tpu.dma_semaphore, #tpu.memory_space<semaphore_mem>>) {add = true}
          %dma_wait3A_57 = arith.constant 0 : i32
          %dma_wait3A_58 = tpu.memref_slice %arg9[%add3A_50, %dma_wait3A_57] : memref<80x128xi32, #tpu.memory_space<vmem>> -> memref<1x128xi32, #tpu.memory_space<vmem>>
          %dma_wait3A_59 = tpu.memref_squeeze %dma_wait3A_58 : memref<1x128xi32, #tpu.memory_space<vmem>> -> memref<128xi32, #tpu.memory_space<vmem>>
          %dma_wait3A_60 = arith.constant 0 : i32
          %dma_wait3A_61 = arith.constant 0 : i32
          %dma_wait3A_62 = tpu.memref_slice %arg12[%dma_wait3A_60, %dma_wait3A_61] : memref<5248x128xf32, #tpu.memory_space<vmem_shared>> -> memref<5248x128xf32, #tpu.memory_space<vmem_shared>>
          tpu.wait_indirect_dma semaphore(%run_scoped3A : memref<!tpu.dma_semaphore, #tpu.memory_space<semaphore_mem>>) src(%arg11 : memref<128x128xf32, #tpu.memory_space<vmem>>) dst(%dma_wait3A_62 : memref<5248x128xf32, #tpu.memory_space<vmem_shared>>)
          tpu.yield
        }) : () -> ()
      }
      %scan3A_19 = arith.constant 40 : i32
    } else {
    }
    %barrier3A_8 = arith.constant 0 : index
    tpu.barrier barrier_id(%barrier3A_8)
    "tpu.region"() ({
      %run_scoped3A = tpu.sem_alloc : memref<!tpu.dma_semaphore, #tpu.memory_space<semaphore_mem>>
      %dma_start3A = arith.constant 0 : i32
      %dma_start3A_9 = tpu.memref_slice %arg7[%arg0, %mul3A_0, %dma_start3A] : memref<2x5248x128xf32, #tpu.memory_space<hbm>> -> memref<1x328x128xf32, #tpu.memory_space<hbm>>
      %dma_start3A_10 = tpu.memref_squeeze %dma_start3A_9 : memref<1x328x128xf32, #tpu.memory_space<hbm>> -> memref<328x128xf32, #tpu.memory_space<hbm>>
      %dma_start3A_11 = arith.constant 0 : i32
      %dma_start3A_12 = tpu.memref_slice %arg12[%mul3A_0, %dma_start3A_11] : memref<5248x128xf32, #tpu.memory_space<vmem_shared>> -> memref<328x128xf32, #tpu.memory_space<vmem_shared>>
      tpu.enqueue_dma source(%dma_start3A_12 : memref<328x128xf32, #tpu.memory_space<vmem_shared>>) target(%dma_start3A_10 : memref<328x128xf32, #tpu.memory_space<hbm>>) target_semaphore(%run_scoped3A : memref<!tpu.dma_semaphore, #tpu.memory_space<semaphore_mem>>)
      %dma_wait3A = arith.constant 0 : i32
      %dma_wait3A_13 = tpu.memref_slice %arg7[%arg0, %mul3A_0, %dma_wait3A] : memref<2x5248x128xf32, #tpu.memory_space<hbm>> -> memref<1x328x128xf32, #tpu.memory_space<hbm>>
      %dma_wait3A_14 = tpu.memref_squeeze %dma_wait3A_13 : memref<1x328x128xf32, #tpu.memory_space<hbm>> -> memref<328x128xf32, #tpu.memory_space<hbm>>
      %dma_wait3A_15 = arith.constant 0 : i32
      %dma_wait3A_16 = tpu.memref_slice %arg12[%mul3A_0, %dma_wait3A_15] : memref<5248x128xf32, #tpu.memory_space<vmem_shared>> -> memref<328x128xf32, #tpu.memory_space<vmem_shared>>
      tpu.wait_dma2 semaphore(%run_scoped3A : memref<!tpu.dma_semaphore, #tpu.memory_space<semaphore_mem>>) src(%dma_wait3A_16 : memref<328x128xf32, #tpu.memory_space<vmem_shared>>) dst(%dma_wait3A_14 : memref<328x128xf32, #tpu.memory_space<hbm>>)
      tpu.yield
    }) : () -> ()
    return
  }
}

#map = affine_map<(d0, d1) -> (0, 0, 0)>
#map1 = affine_map<(d0, d1) -> (0, 0)>
module attributes {stable_mosaic.version = 14 : i64} {
  func.func @_cnt(%arg0: i32, %arg1: i32, %arg2: memref<16x80x128xi32, #tpu.memory_space<hbm>>, %arg3: memref<128x128xf32, #tpu.memory_space<hbm>>, %arg4: memref<328x128xf32, #tpu.memory_space<hbm>>, %arg5: memref<2x5248x128xf32, #tpu.memory_space<hbm>>, %arg6: memref<40x128xi32, #tpu.memory_space<vmem>>, %arg7: memref<128x128xf32, #tpu.memory_space<vmem>>, %arg8: memref<5248x128xf32, #tpu.memory_space<vmem_shared>>) attributes {dimension_semantics = [#tpu.dimension_semantics<core_parallel>, #tpu.dimension_semantics<subcore_parallel>], iteration_bounds = array<i64: 2, 16>, scalar_prefetch = 0 : i64, scratch_operands = 3 : i64, tpu.core_type = #tpu.core_type<sc_vector_subcore>, window_params = [{transform_indices = #map}, {transform_indices = #map1}, {transform_indices = #map1}, {transform_indices = #map}]} {
    %mul3A = arith.constant 328 : i32
    %mul3A_0 = arith.muli %arg1, %mul3A : i32
    "tpu.region"() ({
      %run_scoped3A = tpu.sem_alloc : memref<!tpu.dma_semaphore, #tpu.memory_space<semaphore_mem>>
      %dma_start3A = arith.constant 0 : i32
      %dma_start3A_9 = tpu.memref_slice %arg8[%mul3A_0, %dma_start3A] : memref<5248x128xf32, #tpu.memory_space<vmem_shared>> -> memref<328x128xf32, #tpu.memory_space<vmem_shared>>
      tpu.enqueue_dma source(%arg4 : memref<328x128xf32, #tpu.memory_space<hbm>>) target(%dma_start3A_9 : memref<328x128xf32, #tpu.memory_space<vmem_shared>>) target_semaphore(%run_scoped3A : memref<!tpu.dma_semaphore, #tpu.memory_space<semaphore_mem>>)
      %dma_wait3A = arith.constant 0 : i32
      %dma_wait3A_10 = tpu.memref_slice %arg8[%mul3A_0, %dma_wait3A] : memref<5248x128xf32, #tpu.memory_space<vmem_shared>> -> memref<328x128xf32, #tpu.memory_space<vmem_shared>>
      tpu.wait_dma2 semaphore(%run_scoped3A : memref<!tpu.dma_semaphore, #tpu.memory_space<semaphore_mem>>) src(%arg4 : memref<328x128xf32, #tpu.memory_space<hbm>>) dst(%dma_wait3A_10 : memref<328x128xf32, #tpu.memory_space<vmem_shared>>)
      tpu.yield
    }) : () -> ()
    %mul3A_1 = arith.constant 40 : i32
    %mul3A_2 = arith.muli %arg0, %mul3A_1 : i32
    "tpu.region"() ({
      %run_scoped3A = tpu.sem_alloc : memref<!tpu.dma_semaphore, #tpu.memory_space<semaphore_mem>>
      %dma_start3A = arith.constant 0 : i32
      %dma_start3A_9 = tpu.memref_slice %arg2[%arg1, %mul3A_2, %dma_start3A] : memref<16x80x128xi32, #tpu.memory_space<hbm>> -> memref<1x40x128xi32, #tpu.memory_space<hbm>>
      %dma_start3A_10 = tpu.memref_squeeze %dma_start3A_9 : memref<1x40x128xi32, #tpu.memory_space<hbm>> -> memref<40x128xi32, #tpu.memory_space<hbm>>
      %dma_start3A_11 = arith.constant 0 : i32
      %dma_start3A_12 = tpu.memref_slice %arg2[%arg1, %mul3A_2, %dma_start3A_11] : memref<16x80x128xi32, #tpu.memory_space<hbm>> -> memref<1x40x128xi32, #tpu.memory_space<hbm>>
      %dma_start3A_13 = tpu.memref_squeeze %dma_start3A_12 : memref<1x40x128xi32, #tpu.memory_space<hbm>> -> memref<40x128xi32, #tpu.memory_space<hbm>>
      tpu.enqueue_dma source(%dma_start3A_13 : memref<40x128xi32, #tpu.memory_space<hbm>>) target(%arg6 : memref<40x128xi32, #tpu.memory_space<vmem>>) target_semaphore(%run_scoped3A : memref<!tpu.dma_semaphore, #tpu.memory_space<semaphore_mem>>)
      %dma_wait3A = arith.constant 0 : i32
      %dma_wait3A_14 = tpu.memref_slice %arg2[%arg1, %mul3A_2, %dma_wait3A] : memref<16x80x128xi32, #tpu.memory_space<hbm>> -> memref<1x40x128xi32, #tpu.memory_space<hbm>>
      %dma_wait3A_15 = tpu.memref_squeeze %dma_wait3A_14 : memref<1x40x128xi32, #tpu.memory_space<hbm>> -> memref<40x128xi32, #tpu.memory_space<hbm>>
      %dma_wait3A_16 = arith.constant 0 : i32
      %dma_wait3A_17 = tpu.memref_slice %arg2[%arg1, %mul3A_2, %dma_wait3A_16] : memref<16x80x128xi32, #tpu.memory_space<hbm>> -> memref<1x40x128xi32, #tpu.memory_space<hbm>>
      %dma_wait3A_18 = tpu.memref_squeeze %dma_wait3A_17 : memref<1x40x128xi32, #tpu.memory_space<hbm>> -> memref<40x128xi32, #tpu.memory_space<hbm>>
      tpu.wait_dma2 semaphore(%run_scoped3A : memref<!tpu.dma_semaphore, #tpu.memory_space<semaphore_mem>>) src(%dma_wait3A_18 : memref<40x128xi32, #tpu.memory_space<hbm>>) dst(%arg6 : memref<40x128xi32, #tpu.memory_space<vmem>>)
      tpu.yield
    }) : () -> ()
    "tpu.region"() ({
      %run_scoped3A = tpu.sem_alloc : memref<!tpu.dma_semaphore, #tpu.memory_space<semaphore_mem>>
      tpu.enqueue_dma source(%arg3 : memref<128x128xf32, #tpu.memory_space<hbm>>) target(%arg7 : memref<128x128xf32, #tpu.memory_space<vmem>>) target_semaphore(%run_scoped3A : memref<!tpu.dma_semaphore, #tpu.memory_space<semaphore_mem>>)
      tpu.wait_dma2 semaphore(%run_scoped3A : memref<!tpu.dma_semaphore, #tpu.memory_space<semaphore_mem>>) src(%arg3 : memref<128x128xf32, #tpu.memory_space<hbm>>) dst(%arg7 : memref<128x128xf32, #tpu.memory_space<vmem>>)
      tpu.yield
    }) : () -> ()
    %barrier3A = arith.constant 0 : index
    tpu.barrier barrier_id(%barrier3A)
    %scan3A = arith.constant 0 : i32
    %scan3A_3 = arith.constant 0 : i32
    %scan3A_4 = arith.constant 40 : i32
    %scan3A_5 = arith.addi %scan3A_3, %scan3A_4 : i32
    %scan3A_6 = arith.constant 1 : i32
    scf.for %scan3A_9 = %scan3A_3 to %scan3A_5 step %scan3A_6  : i32 {
      "tpu.region"() ({
        %run_scoped3A = tpu.sem_alloc : memref<!tpu.dma_semaphore, #tpu.memory_space<semaphore_mem>>
        %dma_start3A = arith.constant 0 : i32
        %dma_start3A_10 = tpu.memref_slice %arg6[%scan3A_9, %dma_start3A] : memref<40x128xi32, #tpu.memory_space<vmem>> -> memref<1x128xi32, #tpu.memory_space<vmem>>
        %dma_start3A_11 = tpu.memref_squeeze %dma_start3A_10 : memref<1x128xi32, #tpu.memory_space<vmem>> -> memref<128xi32, #tpu.memory_space<vmem>>
        %dma_start3A_12 = arith.constant 0 : i32
        %dma_start3A_13 = arith.constant 0 : i32
        %dma_start3A_14 = tpu.memref_slice %arg8[%dma_start3A_12, %dma_start3A_13] : memref<5248x128xf32, #tpu.memory_space<vmem_shared>> -> memref<5248x128xf32, #tpu.memory_space<vmem_shared>>
        tpu.enqueue_indirect_dma source(%arg7 : memref<128x128xf32, #tpu.memory_space<vmem>>) target(%dma_start3A_14 : memref<5248x128xf32, #tpu.memory_space<vmem_shared>>) offsets(%dma_start3A_11 : memref<128xi32, #tpu.memory_space<vmem>>) semaphore(%run_scoped3A : memref<!tpu.dma_semaphore, #tpu.memory_space<semaphore_mem>>) {add = true}
        %dma_wait3A = arith.constant 0 : i32
        %dma_wait3A_15 = tpu.memref_slice %arg6[%scan3A_9, %dma_wait3A] : memref<40x128xi32, #tpu.memory_space<vmem>> -> memref<1x128xi32, #tpu.memory_space<vmem>>
        %dma_wait3A_16 = tpu.memref_squeeze %dma_wait3A_15 : memref<1x128xi32, #tpu.memory_space<vmem>> -> memref<128xi32, #tpu.memory_space<vmem>>
        %dma_wait3A_17 = arith.constant 0 : i32
        %dma_wait3A_18 = arith.constant 0 : i32
        %dma_wait3A_19 = tpu.memref_slice %arg8[%dma_wait3A_17, %dma_wait3A_18] : memref<5248x128xf32, #tpu.memory_space<vmem_shared>> -> memref<5248x128xf32, #tpu.memory_space<vmem_shared>>
        tpu.wait_indirect_dma semaphore(%run_scoped3A : memref<!tpu.dma_semaphore, #tpu.memory_space<semaphore_mem>>) src(%arg7 : memref<128x128xf32, #tpu.memory_space<vmem>>) dst(%dma_wait3A_19 : memref<5248x128xf32, #tpu.memory_space<vmem_shared>>)
        tpu.yield
      }) : () -> ()
    }
    %scan3A_7 = arith.constant 40 : i32
    %barrier3A_8 = arith.constant 0 : index
    tpu.barrier barrier_id(%barrier3A_8)
    "tpu.region"() ({
      %run_scoped3A = tpu.sem_alloc : memref<!tpu.dma_semaphore, #tpu.memory_space<semaphore_mem>>
      %dma_start3A = arith.constant 0 : i32
      %dma_start3A_9 = tpu.memref_slice %arg5[%arg0, %mul3A_0, %dma_start3A] : memref<2x5248x128xf32, #tpu.memory_space<hbm>> -> memref<1x328x128xf32, #tpu.memory_space<hbm>>
      %dma_start3A_10 = tpu.memref_squeeze %dma_start3A_9 : memref<1x328x128xf32, #tpu.memory_space<hbm>> -> memref<328x128xf32, #tpu.memory_space<hbm>>
      %dma_start3A_11 = arith.constant 0 : i32
      %dma_start3A_12 = tpu.memref_slice %arg8[%mul3A_0, %dma_start3A_11] : memref<5248x128xf32, #tpu.memory_space<vmem_shared>> -> memref<328x128xf32, #tpu.memory_space<vmem_shared>>
      tpu.enqueue_dma source(%dma_start3A_12 : memref<328x128xf32, #tpu.memory_space<vmem_shared>>) target(%dma_start3A_10 : memref<328x128xf32, #tpu.memory_space<hbm>>) target_semaphore(%run_scoped3A : memref<!tpu.dma_semaphore, #tpu.memory_space<semaphore_mem>>)
      %dma_wait3A = arith.constant 0 : i32
      %dma_wait3A_13 = tpu.memref_slice %arg5[%arg0, %mul3A_0, %dma_wait3A] : memref<2x5248x128xf32, #tpu.memory_space<hbm>> -> memref<1x328x128xf32, #tpu.memory_space<hbm>>
      %dma_wait3A_14 = tpu.memref_squeeze %dma_wait3A_13 : memref<1x328x128xf32, #tpu.memory_space<hbm>> -> memref<328x128xf32, #tpu.memory_space<hbm>>
      %dma_wait3A_15 = arith.constant 0 : i32
      %dma_wait3A_16 = tpu.memref_slice %arg8[%mul3A_0, %dma_wait3A_15] : memref<5248x128xf32, #tpu.memory_space<vmem_shared>> -> memref<328x128xf32, #tpu.memory_space<vmem_shared>>
      tpu.wait_dma2 semaphore(%run_scoped3A : memref<!tpu.dma_semaphore, #tpu.memory_space<semaphore_mem>>) src(%dma_wait3A_16 : memref<328x128xf32, #tpu.memory_space<vmem_shared>>) dst(%dma_wait3A_14 : memref<328x128xf32, #tpu.memory_space<hbm>>)
      tpu.yield
    }) : () -> ()
    return
  }
}

#map = affine_map<(d0, d1) -> (0, 0, 0)>
#map1 = affine_map<(d0, d1) -> (0, 0)>
module attributes {stable_mosaic.version = 14 : i64} {
  func.func @_cnt(%arg0: i32, %arg1: i32, %arg2: memref<16x80x128xi32, #tpu.memory_space<hbm>>, %arg3: memref<128x128xf32, #tpu.memory_space<hbm>>, %arg4: memref<328x128xf32, #tpu.memory_space<hbm>>, %arg5: memref<2x5248x128xf32, #tpu.memory_space<hbm>>, %arg6: memref<40x128xi32, #tpu.memory_space<vmem>>, %arg7: memref<128x128xf32, #tpu.memory_space<vmem>>, %arg8: memref<5248x128xf32, #tpu.memory_space<vmem_shared>>) attributes {dimension_semantics = [#tpu.dimension_semantics<core_parallel>, #tpu.dimension_semantics<subcore_parallel>], iteration_bounds = array<i64: 2, 16>, scalar_prefetch = 0 : i64, scratch_operands = 3 : i64, tpu.core_type = #tpu.core_type<sc_vector_subcore>, window_params = [{transform_indices = #map}, {transform_indices = #map1}, {transform_indices = #map1}, {transform_indices = #map}]} {
    %mul3A = arith.constant 328 : i32
    %mul3A_0 = arith.muli %arg1, %mul3A : i32
    "tpu.region"() ({
      %run_scoped3A = tpu.sem_alloc : memref<!tpu.dma_semaphore, #tpu.memory_space<semaphore_mem>>
      %dma_start3A = arith.constant 0 : i32
      %dma_start3A_9 = tpu.memref_slice %arg8[%mul3A_0, %dma_start3A] : memref<5248x128xf32, #tpu.memory_space<vmem_shared>> -> memref<328x128xf32, #tpu.memory_space<vmem_shared>>
      tpu.enqueue_dma source(%arg4 : memref<328x128xf32, #tpu.memory_space<hbm>>) target(%dma_start3A_9 : memref<328x128xf32, #tpu.memory_space<vmem_shared>>) target_semaphore(%run_scoped3A : memref<!tpu.dma_semaphore, #tpu.memory_space<semaphore_mem>>)
      %dma_wait3A = arith.constant 0 : i32
      %dma_wait3A_10 = tpu.memref_slice %arg8[%mul3A_0, %dma_wait3A] : memref<5248x128xf32, #tpu.memory_space<vmem_shared>> -> memref<328x128xf32, #tpu.memory_space<vmem_shared>>
      tpu.wait_dma2 semaphore(%run_scoped3A : memref<!tpu.dma_semaphore, #tpu.memory_space<semaphore_mem>>) src(%arg4 : memref<328x128xf32, #tpu.memory_space<hbm>>) dst(%dma_wait3A_10 : memref<328x128xf32, #tpu.memory_space<vmem_shared>>)
      tpu.yield
    }) : () -> ()
    %mul3A_1 = arith.constant 40 : i32
    %mul3A_2 = arith.muli %arg0, %mul3A_1 : i32
    "tpu.region"() ({
      %run_scoped3A = tpu.sem_alloc : memref<!tpu.dma_semaphore, #tpu.memory_space<semaphore_mem>>
      %dma_start3A = arith.constant 0 : i32
      %dma_start3A_9 = tpu.memref_slice %arg2[%arg1, %mul3A_2, %dma_start3A] : memref<16x80x128xi32, #tpu.memory_space<hbm>> -> memref<1x40x128xi32, #tpu.memory_space<hbm>>
      %dma_start3A_10 = tpu.memref_squeeze %dma_start3A_9 : memref<1x40x128xi32, #tpu.memory_space<hbm>> -> memref<40x128xi32, #tpu.memory_space<hbm>>
      %dma_start3A_11 = arith.constant 0 : i32
      %dma_start3A_12 = tpu.memref_slice %arg2[%arg1, %mul3A_2, %dma_start3A_11] : memref<16x80x128xi32, #tpu.memory_space<hbm>> -> memref<1x40x128xi32, #tpu.memory_space<hbm>>
      %dma_start3A_13 = tpu.memref_squeeze %dma_start3A_12 : memref<1x40x128xi32, #tpu.memory_space<hbm>> -> memref<40x128xi32, #tpu.memory_space<hbm>>
      tpu.enqueue_dma source(%dma_start3A_13 : memref<40x128xi32, #tpu.memory_space<hbm>>) target(%arg6 : memref<40x128xi32, #tpu.memory_space<vmem>>) target_semaphore(%run_scoped3A : memref<!tpu.dma_semaphore, #tpu.memory_space<semaphore_mem>>)
      %dma_wait3A = arith.constant 0 : i32
      %dma_wait3A_14 = tpu.memref_slice %arg2[%arg1, %mul3A_2, %dma_wait3A] : memref<16x80x128xi32, #tpu.memory_space<hbm>> -> memref<1x40x128xi32, #tpu.memory_space<hbm>>
      %dma_wait3A_15 = tpu.memref_squeeze %dma_wait3A_14 : memref<1x40x128xi32, #tpu.memory_space<hbm>> -> memref<40x128xi32, #tpu.memory_space<hbm>>
      %dma_wait3A_16 = arith.constant 0 : i32
      %dma_wait3A_17 = tpu.memref_slice %arg2[%arg1, %mul3A_2, %dma_wait3A_16] : memref<16x80x128xi32, #tpu.memory_space<hbm>> -> memref<1x40x128xi32, #tpu.memory_space<hbm>>
      %dma_wait3A_18 = tpu.memref_squeeze %dma_wait3A_17 : memref<1x40x128xi32, #tpu.memory_space<hbm>> -> memref<40x128xi32, #tpu.memory_space<hbm>>
      tpu.wait_dma2 semaphore(%run_scoped3A : memref<!tpu.dma_semaphore, #tpu.memory_space<semaphore_mem>>) src(%dma_wait3A_18 : memref<40x128xi32, #tpu.memory_space<hbm>>) dst(%arg6 : memref<40x128xi32, #tpu.memory_space<vmem>>)
      tpu.yield
    }) : () -> ()
    "tpu.region"() ({
      %run_scoped3A = tpu.sem_alloc : memref<!tpu.dma_semaphore, #tpu.memory_space<semaphore_mem>>
      tpu.enqueue_dma source(%arg3 : memref<128x128xf32, #tpu.memory_space<hbm>>) target(%arg7 : memref<128x128xf32, #tpu.memory_space<vmem>>) target_semaphore(%run_scoped3A : memref<!tpu.dma_semaphore, #tpu.memory_space<semaphore_mem>>)
      tpu.wait_dma2 semaphore(%run_scoped3A : memref<!tpu.dma_semaphore, #tpu.memory_space<semaphore_mem>>) src(%arg3 : memref<128x128xf32, #tpu.memory_space<hbm>>) dst(%arg7 : memref<128x128xf32, #tpu.memory_space<vmem>>)
      tpu.yield
    }) : () -> ()
    %barrier3A = arith.constant 0 : index
    tpu.barrier barrier_id(%barrier3A)
    %scan3A = arith.constant 0 : i32
    %scan3A_3 = arith.constant 0 : i32
    %scan3A_4 = arith.constant 40 : i32
    %scan3A_5 = arith.addi %scan3A_3, %scan3A_4 : i32
    %scan3A_6 = arith.constant 1 : i32
    scf.for %scan3A_9 = %scan3A_3 to %scan3A_5 step %scan3A_6  : i32 {
      "tpu.region"() ({
        %run_scoped3A = tpu.sem_alloc : memref<!tpu.dma_semaphore, #tpu.memory_space<semaphore_mem>>
        %dma_start3A = arith.constant 0 : i32
        %dma_start3A_10 = tpu.memref_slice %arg6[%scan3A_9, %dma_start3A] : memref<40x128xi32, #tpu.memory_space<vmem>> -> memref<1x128xi32, #tpu.memory_space<vmem>>
        %dma_start3A_11 = tpu.memref_squeeze %dma_start3A_10 : memref<1x128xi32, #tpu.memory_space<vmem>> -> memref<128xi32, #tpu.memory_space<vmem>>
        %dma_start3A_12 = arith.constant 0 : i32
        %dma_start3A_13 = arith.constant 0 : i32
        %dma_start3A_14 = tpu.memref_slice %arg8[%dma_start3A_12, %dma_start3A_13] : memref<5248x128xf32, #tpu.memory_space<vmem_shared>> -> memref<5248x128xf32, #tpu.memory_space<vmem_shared>>
        tpu.enqueue_indirect_dma source(%arg7 : memref<128x128xf32, #tpu.memory_space<vmem>>) target(%dma_start3A_14 : memref<5248x128xf32, #tpu.memory_space<vmem_shared>>) offsets(%dma_start3A_11 : memref<128xi32, #tpu.memory_space<vmem>>) semaphore(%run_scoped3A : memref<!tpu.dma_semaphore, #tpu.memory_space<semaphore_mem>>) {add = true}
        %dma_wait3A = arith.constant 0 : i32
        %dma_wait3A_15 = tpu.memref_slice %arg6[%scan3A_9, %dma_wait3A] : memref<40x128xi32, #tpu.memory_space<vmem>> -> memref<1x128xi32, #tpu.memory_space<vmem>>
        %dma_wait3A_16 = tpu.memref_squeeze %dma_wait3A_15 : memref<1x128xi32, #tpu.memory_space<vmem>> -> memref<128xi32, #tpu.memory_space<vmem>>
        %dma_wait3A_17 = arith.constant 0 : i32
        %dma_wait3A_18 = arith.constant 0 : i32
        %dma_wait3A_19 = tpu.memref_slice %arg8[%dma_wait3A_17, %dma_wait3A_18] : memref<5248x128xf32, #tpu.memory_space<vmem_shared>> -> memref<5248x128xf32, #tpu.memory_space<vmem_shared>>
        tpu.wait_indirect_dma semaphore(%run_scoped3A : memref<!tpu.dma_semaphore, #tpu.memory_space<semaphore_mem>>) src(%arg7 : memref<128x128xf32, #tpu.memory_space<vmem>>) dst(%dma_wait3A_19 : memref<5248x128xf32, #tpu.memory_space<vmem_shared>>)
        tpu.yield
      }) : () -> ()
    }
    %scan3A_7 = arith.constant 40 : i32
    %barrier3A_8 = arith.constant 0 : index
    tpu.barrier barrier_id(%barrier3A_8)
    "tpu.region"() ({
      %run_scoped3A = tpu.sem_alloc : memref<!tpu.dma_semaphore, #tpu.memory_space<semaphore_mem>>
      %dma_start3A = arith.constant 0 : i32
      %dma_start3A_9 = tpu.memref_slice %arg5[%arg0, %mul3A_0, %dma_start3A] : memref<2x5248x128xf32, #tpu.memory_space<hbm>> -> memref<1x328x128xf32, #tpu.memory_space<hbm>>
      %dma_start3A_10 = tpu.memref_squeeze %dma_start3A_9 : memref<1x328x128xf32, #tpu.memory_space<hbm>> -> memref<328x128xf32, #tpu.memory_space<hbm>>
      %dma_start3A_11 = arith.constant 0 : i32
      %dma_start3A_12 = tpu.memref_slice %arg8[%mul3A_0, %dma_start3A_11] : memref<5248x128xf32, #tpu.memory_space<vmem_shared>> -> memref<328x128xf32, #tpu.memory_space<vmem_shared>>
      tpu.enqueue_dma source(%dma_start3A_12 : memref<328x128xf32, #tpu.memory_space<vmem_shared>>) target(%dma_start3A_10 : memref<328x128xf32, #tpu.memory_space<hbm>>) target_semaphore(%run_scoped3A : memref<!tpu.dma_semaphore, #tpu.memory_space<semaphore_mem>>)
      %dma_wait3A = arith.constant 0 : i32
      %dma_wait3A_13 = tpu.memref_slice %arg5[%arg0, %mul3A_0, %dma_wait3A] : memref<2x5248x128xf32, #tpu.memory_space<hbm>> -> memref<1x328x128xf32, #tpu.memory_space<hbm>>
      %dma_wait3A_14 = tpu.memref_squeeze %dma_wait3A_13 : memref<1x328x128xf32, #tpu.memory_space<hbm>> -> memref<328x128xf32, #tpu.memory_space<hbm>>
      %dma_wait3A_15 = arith.constant 0 : i32
      %dma_wait3A_16 = tpu.memref_slice %arg8[%mul3A_0, %dma_wait3A_15] : memref<5248x128xf32, #tpu.memory_space<vmem_shared>> -> memref<328x128xf32, #tpu.memory_space<vmem_shared>>
      tpu.wait_dma2 semaphore(%run_scoped3A : memref<!tpu.dma_semaphore, #tpu.memory_space<semaphore_mem>>) src(%dma_wait3A_16 : memref<328x128xf32, #tpu.memory_space<vmem_shared>>) dst(%dma_wait3A_14 : memref<328x128xf32, #tpu.memory_space<hbm>>)
      tpu.yield
    }) : () -> ()
    return
  }
}

#map = affine_map<(d0, d1) -> (0, 0)>
#map1 = affine_map<(d0, d1) -> (0, 0, 0)>
module attributes {stable_mosaic.version = 14 : i64} {
  func.func @_agg(%arg0: i32, %arg1: i32, %arg2: memref<10240x128xf32, #tpu.memory_space<hbm>>, %arg3: memref<10240x128xf32, #tpu.memory_space<hbm>>, %arg4: memref<16x80x128xi32, #tpu.memory_space<hbm>>, %arg5: memref<16x80x128xi32, #tpu.memory_space<hbm>>, %arg6: memref<328x128xf32, #tpu.memory_space<hbm>>, %arg7: memref<2x5248x128xf32, #tpu.memory_space<hbm>>, %arg8: memref<80x128xi32, #tpu.memory_space<vmem>>, %arg9: memref<80x128xi32, #tpu.memory_space<vmem>>, %arg10: memref<128x128xf32, #tpu.memory_space<vmem>>, %arg11: memref<128x128xf32, #tpu.memory_space<vmem>>, %arg12: memref<5248x128xf32, #tpu.memory_space<vmem_shared>>, %arg13: memref<!tpu.dma_semaphore, #tpu.memory_space<semaphore_mem>>, %arg14: memref<!tpu.dma_semaphore, #tpu.memory_space<semaphore_mem>>) attributes {dimension_semantics = [#tpu.dimension_semantics<core_parallel>, #tpu.dimension_semantics<subcore_parallel>], iteration_bounds = array<i64: 2, 16>, scalar_prefetch = 0 : i64, scratch_operands = 7 : i64, tpu.core_type = #tpu.core_type<sc_vector_subcore>, window_params = [{transform_indices = #map}, {transform_indices = #map}, {transform_indices = #map1}, {transform_indices = #map1}, {transform_indices = #map}, {transform_indices = #map1}]} {
    %mul3A = arith.constant 328 : i32
    %mul3A_0 = arith.muli %arg1, %mul3A : i32
    "tpu.region"() ({
      %run_scoped3A = tpu.sem_alloc : memref<!tpu.dma_semaphore, #tpu.memory_space<semaphore_mem>>
      %dma_start3A = arith.constant 0 : i32
      %dma_start3A_9 = tpu.memref_slice %arg12[%mul3A_0, %dma_start3A] : memref<5248x128xf32, #tpu.memory_space<vmem_shared>> -> memref<328x128xf32, #tpu.memory_space<vmem_shared>>
      tpu.enqueue_dma source(%arg6 : memref<328x128xf32, #tpu.memory_space<hbm>>) target(%dma_start3A_9 : memref<328x128xf32, #tpu.memory_space<vmem_shared>>) target_semaphore(%run_scoped3A : memref<!tpu.dma_semaphore, #tpu.memory_space<semaphore_mem>>)
      %dma_wait3A = arith.constant 0 : i32
      %dma_wait3A_10 = tpu.memref_slice %arg12[%mul3A_0, %dma_wait3A] : memref<5248x128xf32, #tpu.memory_space<vmem_shared>> -> memref<328x128xf32, #tpu.memory_space<vmem_shared>>
      tpu.wait_dma2 semaphore(%run_scoped3A : memref<!tpu.dma_semaphore, #tpu.memory_space<semaphore_mem>>) src(%arg6 : memref<328x128xf32, #tpu.memory_space<hbm>>) dst(%dma_wait3A_10 : memref<328x128xf32, #tpu.memory_space<vmem_shared>>)
      tpu.yield
    }) : () -> ()
    "tpu.region"() ({
      %run_scoped3A = tpu.sem_alloc : memref<!tpu.dma_semaphore, #tpu.memory_space<semaphore_mem>>
      %dma_start3A = arith.constant 0 : i32
      %dma_start3A_9 = arith.constant 0 : i32
      %dma_start3A_10 = tpu.memref_slice %arg4[%arg1, %dma_start3A, %dma_start3A_9] : memref<16x80x128xi32, #tpu.memory_space<hbm>> -> memref<1x80x128xi32, #tpu.memory_space<hbm>>
      %dma_start3A_11 = tpu.memref_squeeze %dma_start3A_10 : memref<1x80x128xi32, #tpu.memory_space<hbm>> -> memref<80x128xi32, #tpu.memory_space<hbm>>
      %dma_start3A_12 = arith.constant 0 : i32
      %dma_start3A_13 = arith.constant 0 : i32
      %dma_start3A_14 = tpu.memref_slice %arg4[%arg1, %dma_start3A_12, %dma_start3A_13] : memref<16x80x128xi32, #tpu.memory_space<hbm>> -> memref<1x80x128xi32, #tpu.memory_space<hbm>>
      %dma_start3A_15 = tpu.memref_squeeze %dma_start3A_14 : memref<1x80x128xi32, #tpu.memory_space<hbm>> -> memref<80x128xi32, #tpu.memory_space<hbm>>
      tpu.enqueue_dma source(%dma_start3A_15 : memref<80x128xi32, #tpu.memory_space<hbm>>) target(%arg8 : memref<80x128xi32, #tpu.memory_space<vmem>>) target_semaphore(%run_scoped3A : memref<!tpu.dma_semaphore, #tpu.memory_space<semaphore_mem>>)
      %dma_wait3A = arith.constant 0 : i32
      %dma_wait3A_16 = arith.constant 0 : i32
      %dma_wait3A_17 = tpu.memref_slice %arg4[%arg1, %dma_wait3A, %dma_wait3A_16] : memref<16x80x128xi32, #tpu.memory_space<hbm>> -> memref<1x80x128xi32, #tpu.memory_space<hbm>>
      %dma_wait3A_18 = tpu.memref_squeeze %dma_wait3A_17 : memref<1x80x128xi32, #tpu.memory_space<hbm>> -> memref<80x128xi32, #tpu.memory_space<hbm>>
      %dma_wait3A_19 = arith.constant 0 : i32
      %dma_wait3A_20 = arith.constant 0 : i32
      %dma_wait3A_21 = tpu.memref_slice %arg4[%arg1, %dma_wait3A_19, %dma_wait3A_20] : memref<16x80x128xi32, #tpu.memory_space<hbm>> -> memref<1x80x128xi32, #tpu.memory_space<hbm>>
      %dma_wait3A_22 = tpu.memref_squeeze %dma_wait3A_21 : memref<1x80x128xi32, #tpu.memory_space<hbm>> -> memref<80x128xi32, #tpu.memory_space<hbm>>
      tpu.wait_dma2 semaphore(%run_scoped3A : memref<!tpu.dma_semaphore, #tpu.memory_space<semaphore_mem>>) src(%dma_wait3A_22 : memref<80x128xi32, #tpu.memory_space<hbm>>) dst(%arg8 : memref<80x128xi32, #tpu.memory_space<vmem>>)
      tpu.yield
    }) : () -> ()
    "tpu.region"() ({
      %run_scoped3A = tpu.sem_alloc : memref<!tpu.dma_semaphore, #tpu.memory_space<semaphore_mem>>
      %dma_start3A = arith.constant 0 : i32
      %dma_start3A_9 = arith.constant 0 : i32
      %dma_start3A_10 = tpu.memref_slice %arg5[%arg1, %dma_start3A, %dma_start3A_9] : memref<16x80x128xi32, #tpu.memory_space<hbm>> -> memref<1x80x128xi32, #tpu.memory_space<hbm>>
      %dma_start3A_11 = tpu.memref_squeeze %dma_start3A_10 : memref<1x80x128xi32, #tpu.memory_space<hbm>> -> memref<80x128xi32, #tpu.memory_space<hbm>>
      %dma_start3A_12 = arith.constant 0 : i32
      %dma_start3A_13 = arith.constant 0 : i32
      %dma_start3A_14 = tpu.memref_slice %arg5[%arg1, %dma_start3A_12, %dma_start3A_13] : memref<16x80x128xi32, #tpu.memory_space<hbm>> -> memref<1x80x128xi32, #tpu.memory_space<hbm>>
      %dma_start3A_15 = tpu.memref_squeeze %dma_start3A_14 : memref<1x80x128xi32, #tpu.memory_space<hbm>> -> memref<80x128xi32, #tpu.memory_space<hbm>>
      tpu.enqueue_dma source(%dma_start3A_15 : memref<80x128xi32, #tpu.memory_space<hbm>>) target(%arg9 : memref<80x128xi32, #tpu.memory_space<vmem>>) target_semaphore(%run_scoped3A : memref<!tpu.dma_semaphore, #tpu.memory_space<semaphore_mem>>)
      %dma_wait3A = arith.constant 0 : i32
      %dma_wait3A_16 = arith.constant 0 : i32
      %dma_wait3A_17 = tpu.memref_slice %arg5[%arg1, %dma_wait3A, %dma_wait3A_16] : memref<16x80x128xi32, #tpu.memory_space<hbm>> -> memref<1x80x128xi32, #tpu.memory_space<hbm>>
      %dma_wait3A_18 = tpu.memref_squeeze %dma_wait3A_17 : memref<1x80x128xi32, #tpu.memory_space<hbm>> -> memref<80x128xi32, #tpu.memory_space<hbm>>
      %dma_wait3A_19 = arith.constant 0 : i32
      %dma_wait3A_20 = arith.constant 0 : i32
      %dma_wait3A_21 = tpu.memref_slice %arg5[%arg1, %dma_wait3A_19, %dma_wait3A_20] : memref<16x80x128xi32, #tpu.memory_space<hbm>> -> memref<1x80x128xi32, #tpu.memory_space<hbm>>
      %dma_wait3A_22 = tpu.memref_squeeze %dma_wait3A_21 : memref<1x80x128xi32, #tpu.memory_space<hbm>> -> memref<80x128xi32, #tpu.memory_space<hbm>>
      tpu.wait_dma2 semaphore(%run_scoped3A : memref<!tpu.dma_semaphore, #tpu.memory_space<semaphore_mem>>) src(%dma_wait3A_22 : memref<80x128xi32, #tpu.memory_space<hbm>>) dst(%arg9 : memref<80x128xi32, #tpu.memory_space<vmem>>)
      tpu.yield
    }) : () -> ()
    %barrier3A = arith.constant 0 : index
    tpu.barrier barrier_id(%barrier3A)
    %eq3A = arith.constant 0 : i32
    %eq3A_1 = arith.cmpi eq, %arg0, %eq3A : i32
    %convert_element_type3A = arith.extui %eq3A_1 : i1 to i32
    %cond3A = arith.constant 0 : i32
    %cond3A_2 = arith.cmpi ne, %convert_element_type3A, %cond3A : i32
    scf.if %cond3A_2 {
      %dma_start3A = arith.constant 0 : i32
      %dma_start3A_9 = arith.constant 0 : i32
      %dma_start3A_10 = tpu.memref_slice %arg8[%dma_start3A, %dma_start3A_9] : memref<80x128xi32, #tpu.memory_space<vmem>> -> memref<1x128xi32, #tpu.memory_space<vmem>>
      %dma_start3A_11 = tpu.memref_squeeze %dma_start3A_10 : memref<1x128xi32, #tpu.memory_space<vmem>> -> memref<128xi32, #tpu.memory_space<vmem>>
      %dma_start3A_12 = arith.constant 0 : i32
      %dma_start3A_13 = arith.constant 0 : i32
      %dma_start3A_14 = tpu.memref_slice %arg2[%dma_start3A_12, %dma_start3A_13] : memref<10240x128xf32, #tpu.memory_space<hbm>> -> memref<10240x128xf32, #tpu.memory_space<hbm>>
      tpu.enqueue_indirect_dma source(%dma_start3A_14 : memref<10240x128xf32, #tpu.memory_space<hbm>>) target(%arg10 : memref<128x128xf32, #tpu.memory_space<vmem>>) offsets(%dma_start3A_11 : memref<128xi32, #tpu.memory_space<vmem>>) semaphore(%arg13 : memref<!tpu.dma_semaphore, #tpu.memory_space<semaphore_mem>>)
      %scan3A = arith.constant 0 : i32
      %scan3A_15 = arith.constant 0 : i32
      %scan3A_16 = arith.constant 40 : i32
      %scan3A_17 = arith.addi %scan3A_15, %scan3A_16 : i32
      %scan3A_18 = arith.constant 1 : i32
      scf.for %scan3A_20 = %scan3A_15 to %scan3A_17 step %scan3A_18  : i32 {
        %mul3A_21 = arith.constant 2 : i32
        %mul3A_22 = arith.muli %mul3A_21, %scan3A_20 : i32
        %dma_wait3A = arith.constant 0 : i32
        %dma_wait3A_23 = tpu.memref_slice %arg8[%mul3A_22, %dma_wait3A] : memref<80x128xi32, #tpu.memory_space<vmem>> -> memref<1x128xi32, #tpu.memory_space<vmem>>
        %dma_wait3A_24 = tpu.memref_squeeze %dma_wait3A_23 : memref<1x128xi32, #tpu.memory_space<vmem>> -> memref<128xi32, #tpu.memory_space<vmem>>
        %dma_wait3A_25 = arith.constant 0 : i32
        %dma_wait3A_26 = arith.constant 0 : i32
        %dma_wait3A_27 = tpu.memref_slice %arg2[%dma_wait3A_25, %dma_wait3A_26] : memref<10240x128xf32, #tpu.memory_space<hbm>> -> memref<10240x128xf32, #tpu.memory_space<hbm>>
        tpu.wait_indirect_dma semaphore(%arg13 : memref<!tpu.dma_semaphore, #tpu.memory_space<semaphore_mem>>) src(%dma_wait3A_27 : memref<10240x128xf32, #tpu.memory_space<hbm>>) dst(%arg10 : memref<128x128xf32, #tpu.memory_space<vmem>>)
        %add3A = arith.constant 1 : i32
        %add3A_28 = arith.addi %mul3A_22, %add3A : i32
        %dma_start3A_29 = arith.constant 0 : i32
        %dma_start3A_30 = tpu.memref_slice %arg8[%add3A_28, %dma_start3A_29] : memref<80x128xi32, #tpu.memory_space<vmem>> -> memref<1x128xi32, #tpu.memory_space<vmem>>
        %dma_start3A_31 = tpu.memref_squeeze %dma_start3A_30 : memref<1x128xi32, #tpu.memory_space<vmem>> -> memref<128xi32, #tpu.memory_space<vmem>>
        %dma_start3A_32 = arith.constant 0 : i32
        %dma_start3A_33 = arith.constant 0 : i32
        %dma_start3A_34 = tpu.memref_slice %arg2[%dma_start3A_32, %dma_start3A_33] : memref<10240x128xf32, #tpu.memory_space<hbm>> -> memref<10240x128xf32, #tpu.memory_space<hbm>>
        tpu.enqueue_indirect_dma source(%dma_start3A_34 : memref<10240x128xf32, #tpu.memory_space<hbm>>) target(%arg11 : memref<128x128xf32, #tpu.memory_space<vmem>>) offsets(%dma_start3A_31 : memref<128xi32, #tpu.memory_space<vmem>>) semaphore(%arg14 : memref<!tpu.dma_semaphore, #tpu.memory_space<semaphore_mem>>)
        "tpu.region"() ({
          %run_scoped3A = tpu.sem_alloc : memref<!tpu.dma_semaphore, #tpu.memory_space<semaphore_mem>>
          %dma_start3A_51 = arith.constant 0 : i32
          %dma_start3A_52 = tpu.memref_slice %arg9[%mul3A_22, %dma_start3A_51] : memref<80x128xi32, #tpu.memory_space<vmem>> -> memref<1x128xi32, #tpu.memory_space<vmem>>
          %dma_start3A_53 = tpu.memref_squeeze %dma_start3A_52 : memref<1x128xi32, #tpu.memory_space<vmem>> -> memref<128xi32, #tpu.memory_space<vmem>>
          %dma_start3A_54 = arith.constant 0 : i32
          %dma_start3A_55 = arith.constant 0 : i32
          %dma_start3A_56 = tpu.memref_slice %arg12[%dma_start3A_54, %dma_start3A_55] : memref<5248x128xf32, #tpu.memory_space<vmem_shared>> -> memref<5248x128xf32, #tpu.memory_space<vmem_shared>>
          tpu.enqueue_indirect_dma source(%arg10 : memref<128x128xf32, #tpu.memory_space<vmem>>) target(%dma_start3A_56 : memref<5248x128xf32, #tpu.memory_space<vmem_shared>>) offsets(%dma_start3A_53 : memref<128xi32, #tpu.memory_space<vmem>>) semaphore(%run_scoped3A : memref<!tpu.dma_semaphore, #tpu.memory_space<semaphore_mem>>) {add = true}
          %dma_wait3A_57 = arith.constant 0 : i32
          %dma_wait3A_58 = tpu.memref_slice %arg9[%mul3A_22, %dma_wait3A_57] : memref<80x128xi32, #tpu.memory_space<vmem>> -> memref<1x128xi32, #tpu.memory_space<vmem>>
          %dma_wait3A_59 = tpu.memref_squeeze %dma_wait3A_58 : memref<1x128xi32, #tpu.memory_space<vmem>> -> memref<128xi32, #tpu.memory_space<vmem>>
          %dma_wait3A_60 = arith.constant 0 : i32
          %dma_wait3A_61 = arith.constant 0 : i32
          %dma_wait3A_62 = tpu.memref_slice %arg12[%dma_wait3A_60, %dma_wait3A_61] : memref<5248x128xf32, #tpu.memory_space<vmem_shared>> -> memref<5248x128xf32, #tpu.memory_space<vmem_shared>>
          tpu.wait_indirect_dma semaphore(%run_scoped3A : memref<!tpu.dma_semaphore, #tpu.memory_space<semaphore_mem>>) src(%arg10 : memref<128x128xf32, #tpu.memory_space<vmem>>) dst(%dma_wait3A_62 : memref<5248x128xf32, #tpu.memory_space<vmem_shared>>)
          tpu.yield
        }) : () -> ()
        %add3A_35 = arith.constant 2 : i32
        %add3A_36 = arith.addi %mul3A_22, %add3A_35 : i32
        %lt3A = arith.constant 80 : i32
        %lt3A_37 = arith.cmpi slt, %add3A_36, %lt3A : i32
        %convert_element_type3A_38 = arith.extui %lt3A_37 : i1 to i32
        %cond3A_39 = arith.constant 0 : i32
        %cond3A_40 = arith.cmpi ne, %convert_element_type3A_38, %cond3A_39 : i32
        scf.if %cond3A_40 {
          %add3A_51 = arith.constant 2 : i32
          %add3A_52 = arith.addi %mul3A_22, %add3A_51 : i32
          %dma_start3A_53 = arith.constant 0 : i32
          %dma_start3A_54 = tpu.memref_slice %arg8[%add3A_52, %dma_start3A_53] : memref<80x128xi32, #tpu.memory_space<vmem>> -> memref<1x128xi32, #tpu.memory_space<vmem>>
          %dma_start3A_55 = tpu.memref_squeeze %dma_start3A_54 : memref<1x128xi32, #tpu.memory_space<vmem>> -> memref<128xi32, #tpu.memory_space<vmem>>
          %dma_start3A_56 = arith.constant 0 : i32
          %dma_start3A_57 = arith.constant 0 : i32
          %dma_start3A_58 = tpu.memref_slice %arg2[%dma_start3A_56, %dma_start3A_57] : memref<10240x128xf32, #tpu.memory_space<hbm>> -> memref<10240x128xf32, #tpu.memory_space<hbm>>
          tpu.enqueue_indirect_dma source(%dma_start3A_58 : memref<10240x128xf32, #tpu.memory_space<hbm>>) target(%arg10 : memref<128x128xf32, #tpu.memory_space<vmem>>) offsets(%dma_start3A_55 : memref<128xi32, #tpu.memory_space<vmem>>) semaphore(%arg13 : memref<!tpu.dma_semaphore, #tpu.memory_space<semaphore_mem>>)
        } else {
        }
        %add3A_41 = arith.constant 1 : i32
        %add3A_42 = arith.addi %mul3A_22, %add3A_41 : i32
        %dma_wait3A_43 = arith.constant 0 : i32
        %dma_wait3A_44 = tpu.memref_slice %arg8[%add3A_42, %dma_wait3A_43] : memref<80x128xi32, #tpu.memory_space<vmem>> -> memref<1x128xi32, #tpu.memory_space<vmem>>
        %dma_wait3A_45 = tpu.memref_squeeze %dma_wait3A_44 : memref<1x128xi32, #tpu.memory_space<vmem>> -> memref<128xi32, #tpu.memory_space<vmem>>
        %dma_wait3A_46 = arith.constant 0 : i32
        %dma_wait3A_47 = arith.constant 0 : i32
        %dma_wait3A_48 = tpu.memref_slice %arg2[%dma_wait3A_46, %dma_wait3A_47] : memref<10240x128xf32, #tpu.memory_space<hbm>> -> memref<10240x128xf32, #tpu.memory_space<hbm>>
        tpu.wait_indirect_dma semaphore(%arg14 : memref<!tpu.dma_semaphore, #tpu.memory_space<semaphore_mem>>) src(%dma_wait3A_48 : memref<10240x128xf32, #tpu.memory_space<hbm>>) dst(%arg11 : memref<128x128xf32, #tpu.memory_space<vmem>>)
        %add3A_49 = arith.constant 1 : i32
        %add3A_50 = arith.addi %mul3A_22, %add3A_49 : i32
        "tpu.region"() ({
          %run_scoped3A = tpu.sem_alloc : memref<!tpu.dma_semaphore, #tpu.memory_space<semaphore_mem>>
          %dma_start3A_51 = arith.constant 0 : i32
          %dma_start3A_52 = tpu.memref_slice %arg9[%add3A_50, %dma_start3A_51] : memref<80x128xi32, #tpu.memory_space<vmem>> -> memref<1x128xi32, #tpu.memory_space<vmem>>
          %dma_start3A_53 = tpu.memref_squeeze %dma_start3A_52 : memref<1x128xi32, #tpu.memory_space<vmem>> -> memref<128xi32, #tpu.memory_space<vmem>>
          %dma_start3A_54 = arith.constant 0 : i32
          %dma_start3A_55 = arith.constant 0 : i32
          %dma_start3A_56 = tpu.memref_slice %arg12[%dma_start3A_54, %dma_start3A_55] : memref<5248x128xf32, #tpu.memory_space<vmem_shared>> -> memref<5248x128xf32, #tpu.memory_space<vmem_shared>>
          tpu.enqueue_indirect_dma source(%arg11 : memref<128x128xf32, #tpu.memory_space<vmem>>) target(%dma_start3A_56 : memref<5248x128xf32, #tpu.memory_space<vmem_shared>>) offsets(%dma_start3A_53 : memref<128xi32, #tpu.memory_space<vmem>>) semaphore(%run_scoped3A : memref<!tpu.dma_semaphore, #tpu.memory_space<semaphore_mem>>) {add = true}
          %dma_wait3A_57 = arith.constant 0 : i32
          %dma_wait3A_58 = tpu.memref_slice %arg9[%add3A_50, %dma_wait3A_57] : memref<80x128xi32, #tpu.memory_space<vmem>> -> memref<1x128xi32, #tpu.memory_space<vmem>>
          %dma_wait3A_59 = tpu.memref_squeeze %dma_wait3A_58 : memref<1x128xi32, #tpu.memory_space<vmem>> -> memref<128xi32, #tpu.memory_space<vmem>>
          %dma_wait3A_60 = arith.constant 0 : i32
          %dma_wait3A_61 = arith.constant 0 : i32
          %dma_wait3A_62 = tpu.memref_slice %arg12[%dma_wait3A_60, %dma_wait3A_61] : memref<5248x128xf32, #tpu.memory_space<vmem_shared>> -> memref<5248x128xf32, #tpu.memory_space<vmem_shared>>
          tpu.wait_indirect_dma semaphore(%run_scoped3A : memref<!tpu.dma_semaphore, #tpu.memory_space<semaphore_mem>>) src(%arg11 : memref<128x128xf32, #tpu.memory_space<vmem>>) dst(%dma_wait3A_62 : memref<5248x128xf32, #tpu.memory_space<vmem_shared>>)
          tpu.yield
        }) : () -> ()
      }
      %scan3A_19 = arith.constant 40 : i32
    } else {
    }
    %eq3A_3 = arith.constant 1 : i32
    %eq3A_4 = arith.cmpi eq, %arg0, %eq3A_3 : i32
    %convert_element_type3A_5 = arith.extui %eq3A_4 : i1 to i32
    %cond3A_6 = arith.constant 0 : i32
    %cond3A_7 = arith.cmpi ne, %convert_element_type3A_5, %cond3A_6 : i32
    scf.if %cond3A_7 {
      %dma_start3A = arith.constant 0 : i32
      %dma_start3A_9 = arith.constant 0 : i32
      %dma_start3A_10 = tpu.memref_slice %arg8[%dma_start3A, %dma_start3A_9] : memref<80x128xi32, #tpu.memory_space<vmem>> -> memref<1x128xi32, #tpu.memory_space<vmem>>
      %dma_start3A_11 = tpu.memref_squeeze %dma_start3A_10 : memref<1x128xi32, #tpu.memory_space<vmem>> -> memref<128xi32, #tpu.memory_space<vmem>>
      %dma_start3A_12 = arith.constant 0 : i32
      %dma_start3A_13 = arith.constant 0 : i32
      %dma_start3A_14 = tpu.memref_slice %arg3[%dma_start3A_12, %dma_start3A_13] : memref<10240x128xf32, #tpu.memory_space<hbm>> -> memref<10240x128xf32, #tpu.memory_space<hbm>>
      tpu.enqueue_indirect_dma source(%dma_start3A_14 : memref<10240x128xf32, #tpu.memory_space<hbm>>) target(%arg10 : memref<128x128xf32, #tpu.memory_space<vmem>>) offsets(%dma_start3A_11 : memref<128xi32, #tpu.memory_space<vmem>>) semaphore(%arg13 : memref<!tpu.dma_semaphore, #tpu.memory_space<semaphore_mem>>)
      %scan3A = arith.constant 0 : i32
      %scan3A_15 = arith.constant 0 : i32
      %scan3A_16 = arith.constant 40 : i32
      %scan3A_17 = arith.addi %scan3A_15, %scan3A_16 : i32
      %scan3A_18 = arith.constant 1 : i32
      scf.for %scan3A_20 = %scan3A_15 to %scan3A_17 step %scan3A_18  : i32 {
        %mul3A_21 = arith.constant 2 : i32
        %mul3A_22 = arith.muli %mul3A_21, %scan3A_20 : i32
        %dma_wait3A = arith.constant 0 : i32
        %dma_wait3A_23 = tpu.memref_slice %arg8[%mul3A_22, %dma_wait3A] : memref<80x128xi32, #tpu.memory_space<vmem>> -> memref<1x128xi32, #tpu.memory_space<vmem>>
        %dma_wait3A_24 = tpu.memref_squeeze %dma_wait3A_23 : memref<1x128xi32, #tpu.memory_space<vmem>> -> memref<128xi32, #tpu.memory_space<vmem>>
        %dma_wait3A_25 = arith.constant 0 : i32
        %dma_wait3A_26 = arith.constant 0 : i32
        %dma_wait3A_27 = tpu.memref_slice %arg3[%dma_wait3A_25, %dma_wait3A_26] : memref<10240x128xf32, #tpu.memory_space<hbm>> -> memref<10240x128xf32, #tpu.memory_space<hbm>>
        tpu.wait_indirect_dma semaphore(%arg13 : memref<!tpu.dma_semaphore, #tpu.memory_space<semaphore_mem>>) src(%dma_wait3A_27 : memref<10240x128xf32, #tpu.memory_space<hbm>>) dst(%arg10 : memref<128x128xf32, #tpu.memory_space<vmem>>)
        %add3A = arith.constant 1 : i32
        %add3A_28 = arith.addi %mul3A_22, %add3A : i32
        %dma_start3A_29 = arith.constant 0 : i32
        %dma_start3A_30 = tpu.memref_slice %arg8[%add3A_28, %dma_start3A_29] : memref<80x128xi32, #tpu.memory_space<vmem>> -> memref<1x128xi32, #tpu.memory_space<vmem>>
        %dma_start3A_31 = tpu.memref_squeeze %dma_start3A_30 : memref<1x128xi32, #tpu.memory_space<vmem>> -> memref<128xi32, #tpu.memory_space<vmem>>
        %dma_start3A_32 = arith.constant 0 : i32
        %dma_start3A_33 = arith.constant 0 : i32
        %dma_start3A_34 = tpu.memref_slice %arg3[%dma_start3A_32, %dma_start3A_33] : memref<10240x128xf32, #tpu.memory_space<hbm>> -> memref<10240x128xf32, #tpu.memory_space<hbm>>
        tpu.enqueue_indirect_dma source(%dma_start3A_34 : memref<10240x128xf32, #tpu.memory_space<hbm>>) target(%arg11 : memref<128x128xf32, #tpu.memory_space<vmem>>) offsets(%dma_start3A_31 : memref<128xi32, #tpu.memory_space<vmem>>) semaphore(%arg14 : memref<!tpu.dma_semaphore, #tpu.memory_space<semaphore_mem>>)
        "tpu.region"() ({
          %run_scoped3A = tpu.sem_alloc : memref<!tpu.dma_semaphore, #tpu.memory_space<semaphore_mem>>
          %dma_start3A_51 = arith.constant 0 : i32
          %dma_start3A_52 = tpu.memref_slice %arg9[%mul3A_22, %dma_start3A_51] : memref<80x128xi32, #tpu.memory_space<vmem>> -> memref<1x128xi32, #tpu.memory_space<vmem>>
          %dma_start3A_53 = tpu.memref_squeeze %dma_start3A_52 : memref<1x128xi32, #tpu.memory_space<vmem>> -> memref<128xi32, #tpu.memory_space<vmem>>
          %dma_start3A_54 = arith.constant 0 : i32
          %dma_start3A_55 = arith.constant 0 : i32
          %dma_start3A_56 = tpu.memref_slice %arg12[%dma_start3A_54, %dma_start3A_55] : memref<5248x128xf32, #tpu.memory_space<vmem_shared>> -> memref<5248x128xf32, #tpu.memory_space<vmem_shared>>
          tpu.enqueue_indirect_dma source(%arg10 : memref<128x128xf32, #tpu.memory_space<vmem>>) target(%dma_start3A_56 : memref<5248x128xf32, #tpu.memory_space<vmem_shared>>) offsets(%dma_start3A_53 : memref<128xi32, #tpu.memory_space<vmem>>) semaphore(%run_scoped3A : memref<!tpu.dma_semaphore, #tpu.memory_space<semaphore_mem>>) {add = true}
          %dma_wait3A_57 = arith.constant 0 : i32
          %dma_wait3A_58 = tpu.memref_slice %arg9[%mul3A_22, %dma_wait3A_57] : memref<80x128xi32, #tpu.memory_space<vmem>> -> memref<1x128xi32, #tpu.memory_space<vmem>>
          %dma_wait3A_59 = tpu.memref_squeeze %dma_wait3A_58 : memref<1x128xi32, #tpu.memory_space<vmem>> -> memref<128xi32, #tpu.memory_space<vmem>>
          %dma_wait3A_60 = arith.constant 0 : i32
          %dma_wait3A_61 = arith.constant 0 : i32
          %dma_wait3A_62 = tpu.memref_slice %arg12[%dma_wait3A_60, %dma_wait3A_61] : memref<5248x128xf32, #tpu.memory_space<vmem_shared>> -> memref<5248x128xf32, #tpu.memory_space<vmem_shared>>
          tpu.wait_indirect_dma semaphore(%run_scoped3A : memref<!tpu.dma_semaphore, #tpu.memory_space<semaphore_mem>>) src(%arg10 : memref<128x128xf32, #tpu.memory_space<vmem>>) dst(%dma_wait3A_62 : memref<5248x128xf32, #tpu.memory_space<vmem_shared>>)
          tpu.yield
        }) : () -> ()
        %add3A_35 = arith.constant 2 : i32
        %add3A_36 = arith.addi %mul3A_22, %add3A_35 : i32
        %lt3A = arith.constant 80 : i32
        %lt3A_37 = arith.cmpi slt, %add3A_36, %lt3A : i32
        %convert_element_type3A_38 = arith.extui %lt3A_37 : i1 to i32
        %cond3A_39 = arith.constant 0 : i32
        %cond3A_40 = arith.cmpi ne, %convert_element_type3A_38, %cond3A_39 : i32
        scf.if %cond3A_40 {
          %add3A_51 = arith.constant 2 : i32
          %add3A_52 = arith.addi %mul3A_22, %add3A_51 : i32
          %dma_start3A_53 = arith.constant 0 : i32
          %dma_start3A_54 = tpu.memref_slice %arg8[%add3A_52, %dma_start3A_53] : memref<80x128xi32, #tpu.memory_space<vmem>> -> memref<1x128xi32, #tpu.memory_space<vmem>>
          %dma_start3A_55 = tpu.memref_squeeze %dma_start3A_54 : memref<1x128xi32, #tpu.memory_space<vmem>> -> memref<128xi32, #tpu.memory_space<vmem>>
          %dma_start3A_56 = arith.constant 0 : i32
          %dma_start3A_57 = arith.constant 0 : i32
          %dma_start3A_58 = tpu.memref_slice %arg3[%dma_start3A_56, %dma_start3A_57] : memref<10240x128xf32, #tpu.memory_space<hbm>> -> memref<10240x128xf32, #tpu.memory_space<hbm>>
          tpu.enqueue_indirect_dma source(%dma_start3A_58 : memref<10240x128xf32, #tpu.memory_space<hbm>>) target(%arg10 : memref<128x128xf32, #tpu.memory_space<vmem>>) offsets(%dma_start3A_55 : memref<128xi32, #tpu.memory_space<vmem>>) semaphore(%arg13 : memref<!tpu.dma_semaphore, #tpu.memory_space<semaphore_mem>>)
        } else {
        }
        %add3A_41 = arith.constant 1 : i32
        %add3A_42 = arith.addi %mul3A_22, %add3A_41 : i32
        %dma_wait3A_43 = arith.constant 0 : i32
        %dma_wait3A_44 = tpu.memref_slice %arg8[%add3A_42, %dma_wait3A_43] : memref<80x128xi32, #tpu.memory_space<vmem>> -> memref<1x128xi32, #tpu.memory_space<vmem>>
        %dma_wait3A_45 = tpu.memref_squeeze %dma_wait3A_44 : memref<1x128xi32, #tpu.memory_space<vmem>> -> memref<128xi32, #tpu.memory_space<vmem>>
        %dma_wait3A_46 = arith.constant 0 : i32
        %dma_wait3A_47 = arith.constant 0 : i32
        %dma_wait3A_48 = tpu.memref_slice %arg3[%dma_wait3A_46, %dma_wait3A_47] : memref<10240x128xf32, #tpu.memory_space<hbm>> -> memref<10240x128xf32, #tpu.memory_space<hbm>>
        tpu.wait_indirect_dma semaphore(%arg14 : memref<!tpu.dma_semaphore, #tpu.memory_space<semaphore_mem>>) src(%dma_wait3A_48 : memref<10240x128xf32, #tpu.memory_space<hbm>>) dst(%arg11 : memref<128x128xf32, #tpu.memory_space<vmem>>)
        %add3A_49 = arith.constant 1 : i32
        %add3A_50 = arith.addi %mul3A_22, %add3A_49 : i32
        "tpu.region"() ({
          %run_scoped3A = tpu.sem_alloc : memref<!tpu.dma_semaphore, #tpu.memory_space<semaphore_mem>>
          %dma_start3A_51 = arith.constant 0 : i32
          %dma_start3A_52 = tpu.memref_slice %arg9[%add3A_50, %dma_start3A_51] : memref<80x128xi32, #tpu.memory_space<vmem>> -> memref<1x128xi32, #tpu.memory_space<vmem>>
          %dma_start3A_53 = tpu.memref_squeeze %dma_start3A_52 : memref<1x128xi32, #tpu.memory_space<vmem>> -> memref<128xi32, #tpu.memory_space<vmem>>
          %dma_start3A_54 = arith.constant 0 : i32
          %dma_start3A_55 = arith.constant 0 : i32
          %dma_start3A_56 = tpu.memref_slice %arg12[%dma_start3A_54, %dma_start3A_55] : memref<5248x128xf32, #tpu.memory_space<vmem_shared>> -> memref<5248x128xf32, #tpu.memory_space<vmem_shared>>
          tpu.enqueue_indirect_dma source(%arg11 : memref<128x128xf32, #tpu.memory_space<vmem>>) target(%dma_start3A_56 : memref<5248x128xf32, #tpu.memory_space<vmem_shared>>) offsets(%dma_start3A_53 : memref<128xi32, #tpu.memory_space<vmem>>) semaphore(%run_scoped3A : memref<!tpu.dma_semaphore, #tpu.memory_space<semaphore_mem>>) {add = true}
          %dma_wait3A_57 = arith.constant 0 : i32
          %dma_wait3A_58 = tpu.memref_slice %arg9[%add3A_50, %dma_wait3A_57] : memref<80x128xi32, #tpu.memory_space<vmem>> -> memref<1x128xi32, #tpu.memory_space<vmem>>
          %dma_wait3A_59 = tpu.memref_squeeze %dma_wait3A_58 : memref<1x128xi32, #tpu.memory_space<vmem>> -> memref<128xi32, #tpu.memory_space<vmem>>
          %dma_wait3A_60 = arith.constant 0 : i32
          %dma_wait3A_61 = arith.constant 0 : i32
          %dma_wait3A_62 = tpu.memref_slice %arg12[%dma_wait3A_60, %dma_wait3A_61] : memref<5248x128xf32, #tpu.memory_space<vmem_shared>> -> memref<5248x128xf32, #tpu.memory_space<vmem_shared>>
          tpu.wait_indirect_dma semaphore(%run_scoped3A : memref<!tpu.dma_semaphore, #tpu.memory_space<semaphore_mem>>) src(%arg11 : memref<128x128xf32, #tpu.memory_space<vmem>>) dst(%dma_wait3A_62 : memref<5248x128xf32, #tpu.memory_space<vmem_shared>>)
          tpu.yield
        }) : () -> ()
      }
      %scan3A_19 = arith.constant 40 : i32
    } else {
    }
    %barrier3A_8 = arith.constant 0 : index
    tpu.barrier barrier_id(%barrier3A_8)
    "tpu.region"() ({
      %run_scoped3A = tpu.sem_alloc : memref<!tpu.dma_semaphore, #tpu.memory_space<semaphore_mem>>
      %dma_start3A = arith.constant 0 : i32
      %dma_start3A_9 = tpu.memref_slice %arg7[%arg0, %mul3A_0, %dma_start3A] : memref<2x5248x128xf32, #tpu.memory_space<hbm>> -> memref<1x328x128xf32, #tpu.memory_space<hbm>>
      %dma_start3A_10 = tpu.memref_squeeze %dma_start3A_9 : memref<1x328x128xf32, #tpu.memory_space<hbm>> -> memref<328x128xf32, #tpu.memory_space<hbm>>
      %dma_start3A_11 = arith.constant 0 : i32
      %dma_start3A_12 = tpu.memref_slice %arg12[%mul3A_0, %dma_start3A_11] : memref<5248x128xf32, #tpu.memory_space<vmem_shared>> -> memref<328x128xf32, #tpu.memory_space<vmem_shared>>
      tpu.enqueue_dma source(%dma_start3A_12 : memref<328x128xf32, #tpu.memory_space<vmem_shared>>) target(%dma_start3A_10 : memref<328x128xf32, #tpu.memory_space<hbm>>) target_semaphore(%run_scoped3A : memref<!tpu.dma_semaphore, #tpu.memory_space<semaphore_mem>>)
      %dma_wait3A = arith.constant 0 : i32
      %dma_wait3A_13 = tpu.memref_slice %arg7[%arg0, %mul3A_0, %dma_wait3A] : memref<2x5248x128xf32, #tpu.memory_space<hbm>> -> memref<1x328x128xf32, #tpu.memory_space<hbm>>
      %dma_wait3A_14 = tpu.memref_squeeze %dma_wait3A_13 : memref<1x328x128xf32, #tpu.memory_space<hbm>> -> memref<328x128xf32, #tpu.memory_space<hbm>>
      %dma_wait3A_15 = arith.constant 0 : i32
      %dma_wait3A_16 = tpu.memref_slice %arg12[%mul3A_0, %dma_wait3A_15] : memref<5248x128xf32, #tpu.memory_space<vmem_shared>> -> memref<328x128xf32, #tpu.memory_space<vmem_shared>>
      tpu.wait_dma2 semaphore(%run_scoped3A : memref<!tpu.dma_semaphore, #tpu.memory_space<semaphore_mem>>) src(%dma_wait3A_16 : memref<328x128xf32, #tpu.memory_space<vmem_shared>>) dst(%dma_wait3A_14 : memref<328x128xf32, #tpu.memory_space<hbm>>)
      tpu.yield
    }) : () -> ()
    return
  }
}

#map = affine_map<(d0, d1) -> (0, 0)>
#map1 = affine_map<(d0, d1) -> (0, 0, 0)>
module attributes {stable_mosaic.version = 14 : i64} {
  func.func @_agg(%arg0: i32, %arg1: i32, %arg2: memref<10240x128xf32, #tpu.memory_space<hbm>>, %arg3: memref<10240x128xf32, #tpu.memory_space<hbm>>, %arg4: memref<16x80x128xi32, #tpu.memory_space<hbm>>, %arg5: memref<16x80x128xi32, #tpu.memory_space<hbm>>, %arg6: memref<328x128xf32, #tpu.memory_space<hbm>>, %arg7: memref<2x5248x128xf32, #tpu.memory_space<hbm>>, %arg8: memref<80x128xi32, #tpu.memory_space<vmem>>, %arg9: memref<80x128xi32, #tpu.memory_space<vmem>>, %arg10: memref<128x128xf32, #tpu.memory_space<vmem>>, %arg11: memref<128x128xf32, #tpu.memory_space<vmem>>, %arg12: memref<5248x128xf32, #tpu.memory_space<vmem_shared>>, %arg13: memref<!tpu.dma_semaphore, #tpu.memory_space<semaphore_mem>>, %arg14: memref<!tpu.dma_semaphore, #tpu.memory_space<semaphore_mem>>) attributes {dimension_semantics = [#tpu.dimension_semantics<core_parallel>, #tpu.dimension_semantics<subcore_parallel>], iteration_bounds = array<i64: 2, 16>, scalar_prefetch = 0 : i64, scratch_operands = 7 : i64, tpu.core_type = #tpu.core_type<sc_vector_subcore>, window_params = [{transform_indices = #map}, {transform_indices = #map}, {transform_indices = #map1}, {transform_indices = #map1}, {transform_indices = #map}, {transform_indices = #map1}]} {
    %mul3A = arith.constant 328 : i32
    %mul3A_0 = arith.muli %arg1, %mul3A : i32
    "tpu.region"() ({
      %run_scoped3A = tpu.sem_alloc : memref<!tpu.dma_semaphore, #tpu.memory_space<semaphore_mem>>
      %dma_start3A = arith.constant 0 : i32
      %dma_start3A_9 = tpu.memref_slice %arg12[%mul3A_0, %dma_start3A] : memref<5248x128xf32, #tpu.memory_space<vmem_shared>> -> memref<328x128xf32, #tpu.memory_space<vmem_shared>>
      tpu.enqueue_dma source(%arg6 : memref<328x128xf32, #tpu.memory_space<hbm>>) target(%dma_start3A_9 : memref<328x128xf32, #tpu.memory_space<vmem_shared>>) target_semaphore(%run_scoped3A : memref<!tpu.dma_semaphore, #tpu.memory_space<semaphore_mem>>)
      %dma_wait3A = arith.constant 0 : i32
      %dma_wait3A_10 = tpu.memref_slice %arg12[%mul3A_0, %dma_wait3A] : memref<5248x128xf32, #tpu.memory_space<vmem_shared>> -> memref<328x128xf32, #tpu.memory_space<vmem_shared>>
      tpu.wait_dma2 semaphore(%run_scoped3A : memref<!tpu.dma_semaphore, #tpu.memory_space<semaphore_mem>>) src(%arg6 : memref<328x128xf32, #tpu.memory_space<hbm>>) dst(%dma_wait3A_10 : memref<328x128xf32, #tpu.memory_space<vmem_shared>>)
      tpu.yield
    }) : () -> ()
    "tpu.region"() ({
      %run_scoped3A = tpu.sem_alloc : memref<!tpu.dma_semaphore, #tpu.memory_space<semaphore_mem>>
      %dma_start3A = arith.constant 0 : i32
      %dma_start3A_9 = arith.constant 0 : i32
      %dma_start3A_10 = tpu.memref_slice %arg4[%arg1, %dma_start3A, %dma_start3A_9] : memref<16x80x128xi32, #tpu.memory_space<hbm>> -> memref<1x80x128xi32, #tpu.memory_space<hbm>>
      %dma_start3A_11 = tpu.memref_squeeze %dma_start3A_10 : memref<1x80x128xi32, #tpu.memory_space<hbm>> -> memref<80x128xi32, #tpu.memory_space<hbm>>
      %dma_start3A_12 = arith.constant 0 : i32
      %dma_start3A_13 = arith.constant 0 : i32
      %dma_start3A_14 = tpu.memref_slice %arg4[%arg1, %dma_start3A_12, %dma_start3A_13] : memref<16x80x128xi32, #tpu.memory_space<hbm>> -> memref<1x80x128xi32, #tpu.memory_space<hbm>>
      %dma_start3A_15 = tpu.memref_squeeze %dma_start3A_14 : memref<1x80x128xi32, #tpu.memory_space<hbm>> -> memref<80x128xi32, #tpu.memory_space<hbm>>
      tpu.enqueue_dma source(%dma_start3A_15 : memref<80x128xi32, #tpu.memory_space<hbm>>) target(%arg8 : memref<80x128xi32, #tpu.memory_space<vmem>>) target_semaphore(%run_scoped3A : memref<!tpu.dma_semaphore, #tpu.memory_space<semaphore_mem>>)
      %dma_wait3A = arith.constant 0 : i32
      %dma_wait3A_16 = arith.constant 0 : i32
      %dma_wait3A_17 = tpu.memref_slice %arg4[%arg1, %dma_wait3A, %dma_wait3A_16] : memref<16x80x128xi32, #tpu.memory_space<hbm>> -> memref<1x80x128xi32, #tpu.memory_space<hbm>>
      %dma_wait3A_18 = tpu.memref_squeeze %dma_wait3A_17 : memref<1x80x128xi32, #tpu.memory_space<hbm>> -> memref<80x128xi32, #tpu.memory_space<hbm>>
      %dma_wait3A_19 = arith.constant 0 : i32
      %dma_wait3A_20 = arith.constant 0 : i32
      %dma_wait3A_21 = tpu.memref_slice %arg4[%arg1, %dma_wait3A_19, %dma_wait3A_20] : memref<16x80x128xi32, #tpu.memory_space<hbm>> -> memref<1x80x128xi32, #tpu.memory_space<hbm>>
      %dma_wait3A_22 = tpu.memref_squeeze %dma_wait3A_21 : memref<1x80x128xi32, #tpu.memory_space<hbm>> -> memref<80x128xi32, #tpu.memory_space<hbm>>
      tpu.wait_dma2 semaphore(%run_scoped3A : memref<!tpu.dma_semaphore, #tpu.memory_space<semaphore_mem>>) src(%dma_wait3A_22 : memref<80x128xi32, #tpu.memory_space<hbm>>) dst(%arg8 : memref<80x128xi32, #tpu.memory_space<vmem>>)
      tpu.yield
    }) : () -> ()
    "tpu.region"() ({
      %run_scoped3A = tpu.sem_alloc : memref<!tpu.dma_semaphore, #tpu.memory_space<semaphore_mem>>
      %dma_start3A = arith.constant 0 : i32
      %dma_start3A_9 = arith.constant 0 : i32
      %dma_start3A_10 = tpu.memref_slice %arg5[%arg1, %dma_start3A, %dma_start3A_9] : memref<16x80x128xi32, #tpu.memory_space<hbm>> -> memref<1x80x128xi32, #tpu.memory_space<hbm>>
      %dma_start3A_11 = tpu.memref_squeeze %dma_start3A_10 : memref<1x80x128xi32, #tpu.memory_space<hbm>> -> memref<80x128xi32, #tpu.memory_space<hbm>>
      %dma_start3A_12 = arith.constant 0 : i32
      %dma_start3A_13 = arith.constant 0 : i32
      %dma_start3A_14 = tpu.memref_slice %arg5[%arg1, %dma_start3A_12, %dma_start3A_13] : memref<16x80x128xi32, #tpu.memory_space<hbm>> -> memref<1x80x128xi32, #tpu.memory_space<hbm>>
      %dma_start3A_15 = tpu.memref_squeeze %dma_start3A_14 : memref<1x80x128xi32, #tpu.memory_space<hbm>> -> memref<80x128xi32, #tpu.memory_space<hbm>>
      tpu.enqueue_dma source(%dma_start3A_15 : memref<80x128xi32, #tpu.memory_space<hbm>>) target(%arg9 : memref<80x128xi32, #tpu.memory_space<vmem>>) target_semaphore(%run_scoped3A : memref<!tpu.dma_semaphore, #tpu.memory_space<semaphore_mem>>)
      %dma_wait3A = arith.constant 0 : i32
      %dma_wait3A_16 = arith.constant 0 : i32
      %dma_wait3A_17 = tpu.memref_slice %arg5[%arg1, %dma_wait3A, %dma_wait3A_16] : memref<16x80x128xi32, #tpu.memory_space<hbm>> -> memref<1x80x128xi32, #tpu.memory_space<hbm>>
      %dma_wait3A_18 = tpu.memref_squeeze %dma_wait3A_17 : memref<1x80x128xi32, #tpu.memory_space<hbm>> -> memref<80x128xi32, #tpu.memory_space<hbm>>
      %dma_wait3A_19 = arith.constant 0 : i32
      %dma_wait3A_20 = arith.constant 0 : i32
      %dma_wait3A_21 = tpu.memref_slice %arg5[%arg1, %dma_wait3A_19, %dma_wait3A_20] : memref<16x80x128xi32, #tpu.memory_space<hbm>> -> memref<1x80x128xi32, #tpu.memory_space<hbm>>
      %dma_wait3A_22 = tpu.memref_squeeze %dma_wait3A_21 : memref<1x80x128xi32, #tpu.memory_space<hbm>> -> memref<80x128xi32, #tpu.memory_space<hbm>>
      tpu.wait_dma2 semaphore(%run_scoped3A : memref<!tpu.dma_semaphore, #tpu.memory_space<semaphore_mem>>) src(%dma_wait3A_22 : memref<80x128xi32, #tpu.memory_space<hbm>>) dst(%arg9 : memref<80x128xi32, #tpu.memory_space<vmem>>)
      tpu.yield
    }) : () -> ()
    %barrier3A = arith.constant 0 : index
    tpu.barrier barrier_id(%barrier3A)
    %eq3A = arith.constant 0 : i32
    %eq3A_1 = arith.cmpi eq, %arg0, %eq3A : i32
    %convert_element_type3A = arith.extui %eq3A_1 : i1 to i32
    %cond3A = arith.constant 0 : i32
    %cond3A_2 = arith.cmpi ne, %convert_element_type3A, %cond3A : i32
    scf.if %cond3A_2 {
      %dma_start3A = arith.constant 0 : i32
      %dma_start3A_9 = arith.constant 0 : i32
      %dma_start3A_10 = tpu.memref_slice %arg8[%dma_start3A, %dma_start3A_9] : memref<80x128xi32, #tpu.memory_space<vmem>> -> memref<1x128xi32, #tpu.memory_space<vmem>>
      %dma_start3A_11 = tpu.memref_squeeze %dma_start3A_10 : memref<1x128xi32, #tpu.memory_space<vmem>> -> memref<128xi32, #tpu.memory_space<vmem>>
      %dma_start3A_12 = arith.constant 0 : i32
      %dma_start3A_13 = arith.constant 0 : i32
      %dma_start3A_14 = tpu.memref_slice %arg2[%dma_start3A_12, %dma_start3A_13] : memref<10240x128xf32, #tpu.memory_space<hbm>> -> memref<10240x128xf32, #tpu.memory_space<hbm>>
      tpu.enqueue_indirect_dma source(%dma_start3A_14 : memref<10240x128xf32, #tpu.memory_space<hbm>>) target(%arg10 : memref<128x128xf32, #tpu.memory_space<vmem>>) offsets(%dma_start3A_11 : memref<128xi32, #tpu.memory_space<vmem>>) semaphore(%arg13 : memref<!tpu.dma_semaphore, #tpu.memory_space<semaphore_mem>>)
      %scan3A = arith.constant 0 : i32
      %scan3A_15 = arith.constant 0 : i32
      %scan3A_16 = arith.constant 40 : i32
      %scan3A_17 = arith.addi %scan3A_15, %scan3A_16 : i32
      %scan3A_18 = arith.constant 1 : i32
      scf.for %scan3A_20 = %scan3A_15 to %scan3A_17 step %scan3A_18  : i32 {
        %mul3A_21 = arith.constant 2 : i32
        %mul3A_22 = arith.muli %mul3A_21, %scan3A_20 : i32
        %dma_wait3A = arith.constant 0 : i32
        %dma_wait3A_23 = tpu.memref_slice %arg8[%mul3A_22, %dma_wait3A] : memref<80x128xi32, #tpu.memory_space<vmem>> -> memref<1x128xi32, #tpu.memory_space<vmem>>
        %dma_wait3A_24 = tpu.memref_squeeze %dma_wait3A_23 : memref<1x128xi32, #tpu.memory_space<vmem>> -> memref<128xi32, #tpu.memory_space<vmem>>
        %dma_wait3A_25 = arith.constant 0 : i32
        %dma_wait3A_26 = arith.constant 0 : i32
        %dma_wait3A_27 = tpu.memref_slice %arg2[%dma_wait3A_25, %dma_wait3A_26] : memref<10240x128xf32, #tpu.memory_space<hbm>> -> memref<10240x128xf32, #tpu.memory_space<hbm>>
        tpu.wait_indirect_dma semaphore(%arg13 : memref<!tpu.dma_semaphore, #tpu.memory_space<semaphore_mem>>) src(%dma_wait3A_27 : memref<10240x128xf32, #tpu.memory_space<hbm>>) dst(%arg10 : memref<128x128xf32, #tpu.memory_space<vmem>>)
        %add3A = arith.constant 1 : i32
        %add3A_28 = arith.addi %mul3A_22, %add3A : i32
        %dma_start3A_29 = arith.constant 0 : i32
        %dma_start3A_30 = tpu.memref_slice %arg8[%add3A_28, %dma_start3A_29] : memref<80x128xi32, #tpu.memory_space<vmem>> -> memref<1x128xi32, #tpu.memory_space<vmem>>
        %dma_start3A_31 = tpu.memref_squeeze %dma_start3A_30 : memref<1x128xi32, #tpu.memory_space<vmem>> -> memref<128xi32, #tpu.memory_space<vmem>>
        %dma_start3A_32 = arith.constant 0 : i32
        %dma_start3A_33 = arith.constant 0 : i32
        %dma_start3A_34 = tpu.memref_slice %arg2[%dma_start3A_32, %dma_start3A_33] : memref<10240x128xf32, #tpu.memory_space<hbm>> -> memref<10240x128xf32, #tpu.memory_space<hbm>>
        tpu.enqueue_indirect_dma source(%dma_start3A_34 : memref<10240x128xf32, #tpu.memory_space<hbm>>) target(%arg11 : memref<128x128xf32, #tpu.memory_space<vmem>>) offsets(%dma_start3A_31 : memref<128xi32, #tpu.memory_space<vmem>>) semaphore(%arg14 : memref<!tpu.dma_semaphore, #tpu.memory_space<semaphore_mem>>)
        "tpu.region"() ({
          %run_scoped3A = tpu.sem_alloc : memref<!tpu.dma_semaphore, #tpu.memory_space<semaphore_mem>>
          %dma_start3A_51 = arith.constant 0 : i32
          %dma_start3A_52 = tpu.memref_slice %arg9[%mul3A_22, %dma_start3A_51] : memref<80x128xi32, #tpu.memory_space<vmem>> -> memref<1x128xi32, #tpu.memory_space<vmem>>
          %dma_start3A_53 = tpu.memref_squeeze %dma_start3A_52 : memref<1x128xi32, #tpu.memory_space<vmem>> -> memref<128xi32, #tpu.memory_space<vmem>>
          %dma_start3A_54 = arith.constant 0 : i32
          %dma_start3A_55 = arith.constant 0 : i32
          %dma_start3A_56 = tpu.memref_slice %arg12[%dma_start3A_54, %dma_start3A_55] : memref<5248x128xf32, #tpu.memory_space<vmem_shared>> -> memref<5248x128xf32, #tpu.memory_space<vmem_shared>>
          tpu.enqueue_indirect_dma source(%arg10 : memref<128x128xf32, #tpu.memory_space<vmem>>) target(%dma_start3A_56 : memref<5248x128xf32, #tpu.memory_space<vmem_shared>>) offsets(%dma_start3A_53 : memref<128xi32, #tpu.memory_space<vmem>>) semaphore(%run_scoped3A : memref<!tpu.dma_semaphore, #tpu.memory_space<semaphore_mem>>) {add = true}
          %dma_wait3A_57 = arith.constant 0 : i32
          %dma_wait3A_58 = tpu.memref_slice %arg9[%mul3A_22, %dma_wait3A_57] : memref<80x128xi32, #tpu.memory_space<vmem>> -> memref<1x128xi32, #tpu.memory_space<vmem>>
          %dma_wait3A_59 = tpu.memref_squeeze %dma_wait3A_58 : memref<1x128xi32, #tpu.memory_space<vmem>> -> memref<128xi32, #tpu.memory_space<vmem>>
          %dma_wait3A_60 = arith.constant 0 : i32
          %dma_wait3A_61 = arith.constant 0 : i32
          %dma_wait3A_62 = tpu.memref_slice %arg12[%dma_wait3A_60, %dma_wait3A_61] : memref<5248x128xf32, #tpu.memory_space<vmem_shared>> -> memref<5248x128xf32, #tpu.memory_space<vmem_shared>>
          tpu.wait_indirect_dma semaphore(%run_scoped3A : memref<!tpu.dma_semaphore, #tpu.memory_space<semaphore_mem>>) src(%arg10 : memref<128x128xf32, #tpu.memory_space<vmem>>) dst(%dma_wait3A_62 : memref<5248x128xf32, #tpu.memory_space<vmem_shared>>)
          tpu.yield
        }) : () -> ()
        %add3A_35 = arith.constant 2 : i32
        %add3A_36 = arith.addi %mul3A_22, %add3A_35 : i32
        %lt3A = arith.constant 80 : i32
        %lt3A_37 = arith.cmpi slt, %add3A_36, %lt3A : i32
        %convert_element_type3A_38 = arith.extui %lt3A_37 : i1 to i32
        %cond3A_39 = arith.constant 0 : i32
        %cond3A_40 = arith.cmpi ne, %convert_element_type3A_38, %cond3A_39 : i32
        scf.if %cond3A_40 {
          %add3A_51 = arith.constant 2 : i32
          %add3A_52 = arith.addi %mul3A_22, %add3A_51 : i32
          %dma_start3A_53 = arith.constant 0 : i32
          %dma_start3A_54 = tpu.memref_slice %arg8[%add3A_52, %dma_start3A_53] : memref<80x128xi32, #tpu.memory_space<vmem>> -> memref<1x128xi32, #tpu.memory_space<vmem>>
          %dma_start3A_55 = tpu.memref_squeeze %dma_start3A_54 : memref<1x128xi32, #tpu.memory_space<vmem>> -> memref<128xi32, #tpu.memory_space<vmem>>
          %dma_start3A_56 = arith.constant 0 : i32
          %dma_start3A_57 = arith.constant 0 : i32
          %dma_start3A_58 = tpu.memref_slice %arg2[%dma_start3A_56, %dma_start3A_57] : memref<10240x128xf32, #tpu.memory_space<hbm>> -> memref<10240x128xf32, #tpu.memory_space<hbm>>
          tpu.enqueue_indirect_dma source(%dma_start3A_58 : memref<10240x128xf32, #tpu.memory_space<hbm>>) target(%arg10 : memref<128x128xf32, #tpu.memory_space<vmem>>) offsets(%dma_start3A_55 : memref<128xi32, #tpu.memory_space<vmem>>) semaphore(%arg13 : memref<!tpu.dma_semaphore, #tpu.memory_space<semaphore_mem>>)
        } else {
        }
        %add3A_41 = arith.constant 1 : i32
        %add3A_42 = arith.addi %mul3A_22, %add3A_41 : i32
        %dma_wait3A_43 = arith.constant 0 : i32
        %dma_wait3A_44 = tpu.memref_slice %arg8[%add3A_42, %dma_wait3A_43] : memref<80x128xi32, #tpu.memory_space<vmem>> -> memref<1x128xi32, #tpu.memory_space<vmem>>
        %dma_wait3A_45 = tpu.memref_squeeze %dma_wait3A_44 : memref<1x128xi32, #tpu.memory_space<vmem>> -> memref<128xi32, #tpu.memory_space<vmem>>
        %dma_wait3A_46 = arith.constant 0 : i32
        %dma_wait3A_47 = arith.constant 0 : i32
        %dma_wait3A_48 = tpu.memref_slice %arg2[%dma_wait3A_46, %dma_wait3A_47] : memref<10240x128xf32, #tpu.memory_space<hbm>> -> memref<10240x128xf32, #tpu.memory_space<hbm>>
        tpu.wait_indirect_dma semaphore(%arg14 : memref<!tpu.dma_semaphore, #tpu.memory_space<semaphore_mem>>) src(%dma_wait3A_48 : memref<10240x128xf32, #tpu.memory_space<hbm>>) dst(%arg11 : memref<128x128xf32, #tpu.memory_space<vmem>>)
        %add3A_49 = arith.constant 1 : i32
        %add3A_50 = arith.addi %mul3A_22, %add3A_49 : i32
        "tpu.region"() ({
          %run_scoped3A = tpu.sem_alloc : memref<!tpu.dma_semaphore, #tpu.memory_space<semaphore_mem>>
          %dma_start3A_51 = arith.constant 0 : i32
          %dma_start3A_52 = tpu.memref_slice %arg9[%add3A_50, %dma_start3A_51] : memref<80x128xi32, #tpu.memory_space<vmem>> -> memref<1x128xi32, #tpu.memory_space<vmem>>
          %dma_start3A_53 = tpu.memref_squeeze %dma_start3A_52 : memref<1x128xi32, #tpu.memory_space<vmem>> -> memref<128xi32, #tpu.memory_space<vmem>>
          %dma_start3A_54 = arith.constant 0 : i32
          %dma_start3A_55 = arith.constant 0 : i32
          %dma_start3A_56 = tpu.memref_slice %arg12[%dma_start3A_54, %dma_start3A_55] : memref<5248x128xf32, #tpu.memory_space<vmem_shared>> -> memref<5248x128xf32, #tpu.memory_space<vmem_shared>>
          tpu.enqueue_indirect_dma source(%arg11 : memref<128x128xf32, #tpu.memory_space<vmem>>) target(%dma_start3A_56 : memref<5248x128xf32, #tpu.memory_space<vmem_shared>>) offsets(%dma_start3A_53 : memref<128xi32, #tpu.memory_space<vmem>>) semaphore(%run_scoped3A : memref<!tpu.dma_semaphore, #tpu.memory_space<semaphore_mem>>) {add = true}
          %dma_wait3A_57 = arith.constant 0 : i32
          %dma_wait3A_58 = tpu.memref_slice %arg9[%add3A_50, %dma_wait3A_57] : memref<80x128xi32, #tpu.memory_space<vmem>> -> memref<1x128xi32, #tpu.memory_space<vmem>>
          %dma_wait3A_59 = tpu.memref_squeeze %dma_wait3A_58 : memref<1x128xi32, #tpu.memory_space<vmem>> -> memref<128xi32, #tpu.memory_space<vmem>>
          %dma_wait3A_60 = arith.constant 0 : i32
          %dma_wait3A_61 = arith.constant 0 : i32
          %dma_wait3A_62 = tpu.memref_slice %arg12[%dma_wait3A_60, %dma_wait3A_61] : memref<5248x128xf32, #tpu.memory_space<vmem_shared>> -> memref<5248x128xf32, #tpu.memory_space<vmem_shared>>
          tpu.wait_indirect_dma semaphore(%run_scoped3A : memref<!tpu.dma_semaphore, #tpu.memory_space<semaphore_mem>>) src(%arg11 : memref<128x128xf32, #tpu.memory_space<vmem>>) dst(%dma_wait3A_62 : memref<5248x128xf32, #tpu.memory_space<vmem_shared>>)
          tpu.yield
        }) : () -> ()
      }
      %scan3A_19 = arith.constant 40 : i32
    } else {
    }
    %eq3A_3 = arith.constant 1 : i32
    %eq3A_4 = arith.cmpi eq, %arg0, %eq3A_3 : i32
    %convert_element_type3A_5 = arith.extui %eq3A_4 : i1 to i32
    %cond3A_6 = arith.constant 0 : i32
    %cond3A_7 = arith.cmpi ne, %convert_element_type3A_5, %cond3A_6 : i32
    scf.if %cond3A_7 {
      %dma_start3A = arith.constant 0 : i32
      %dma_start3A_9 = arith.constant 0 : i32
      %dma_start3A_10 = tpu.memref_slice %arg8[%dma_start3A, %dma_start3A_9] : memref<80x128xi32, #tpu.memory_space<vmem>> -> memref<1x128xi32, #tpu.memory_space<vmem>>
      %dma_start3A_11 = tpu.memref_squeeze %dma_start3A_10 : memref<1x128xi32, #tpu.memory_space<vmem>> -> memref<128xi32, #tpu.memory_space<vmem>>
      %dma_start3A_12 = arith.constant 0 : i32
      %dma_start3A_13 = arith.constant 0 : i32
      %dma_start3A_14 = tpu.memref_slice %arg3[%dma_start3A_12, %dma_start3A_13] : memref<10240x128xf32, #tpu.memory_space<hbm>> -> memref<10240x128xf32, #tpu.memory_space<hbm>>
      tpu.enqueue_indirect_dma source(%dma_start3A_14 : memref<10240x128xf32, #tpu.memory_space<hbm>>) target(%arg10 : memref<128x128xf32, #tpu.memory_space<vmem>>) offsets(%dma_start3A_11 : memref<128xi32, #tpu.memory_space<vmem>>) semaphore(%arg13 : memref<!tpu.dma_semaphore, #tpu.memory_space<semaphore_mem>>)
      %scan3A = arith.constant 0 : i32
      %scan3A_15 = arith.constant 0 : i32
      %scan3A_16 = arith.constant 40 : i32
      %scan3A_17 = arith.addi %scan3A_15, %scan3A_16 : i32
      %scan3A_18 = arith.constant 1 : i32
      scf.for %scan3A_20 = %scan3A_15 to %scan3A_17 step %scan3A_18  : i32 {
        %mul3A_21 = arith.constant 2 : i32
        %mul3A_22 = arith.muli %mul3A_21, %scan3A_20 : i32
        %dma_wait3A = arith.constant 0 : i32
        %dma_wait3A_23 = tpu.memref_slice %arg8[%mul3A_22, %dma_wait3A] : memref<80x128xi32, #tpu.memory_space<vmem>> -> memref<1x128xi32, #tpu.memory_space<vmem>>
        %dma_wait3A_24 = tpu.memref_squeeze %dma_wait3A_23 : memref<1x128xi32, #tpu.memory_space<vmem>> -> memref<128xi32, #tpu.memory_space<vmem>>
        %dma_wait3A_25 = arith.constant 0 : i32
        %dma_wait3A_26 = arith.constant 0 : i32
        %dma_wait3A_27 = tpu.memref_slice %arg3[%dma_wait3A_25, %dma_wait3A_26] : memref<10240x128xf32, #tpu.memory_space<hbm>> -> memref<10240x128xf32, #tpu.memory_space<hbm>>
        tpu.wait_indirect_dma semaphore(%arg13 : memref<!tpu.dma_semaphore, #tpu.memory_space<semaphore_mem>>) src(%dma_wait3A_27 : memref<10240x128xf32, #tpu.memory_space<hbm>>) dst(%arg10 : memref<128x128xf32, #tpu.memory_space<vmem>>)
        %add3A = arith.constant 1 : i32
        %add3A_28 = arith.addi %mul3A_22, %add3A : i32
        %dma_start3A_29 = arith.constant 0 : i32
        %dma_start3A_30 = tpu.memref_slice %arg8[%add3A_28, %dma_start3A_29] : memref<80x128xi32, #tpu.memory_space<vmem>> -> memref<1x128xi32, #tpu.memory_space<vmem>>
        %dma_start3A_31 = tpu.memref_squeeze %dma_start3A_30 : memref<1x128xi32, #tpu.memory_space<vmem>> -> memref<128xi32, #tpu.memory_space<vmem>>
        %dma_start3A_32 = arith.constant 0 : i32
        %dma_start3A_33 = arith.constant 0 : i32
        %dma_start3A_34 = tpu.memref_slice %arg3[%dma_start3A_32, %dma_start3A_33] : memref<10240x128xf32, #tpu.memory_space<hbm>> -> memref<10240x128xf32, #tpu.memory_space<hbm>>
        tpu.enqueue_indirect_dma source(%dma_start3A_34 : memref<10240x128xf32, #tpu.memory_space<hbm>>) target(%arg11 : memref<128x128xf32, #tpu.memory_space<vmem>>) offsets(%dma_start3A_31 : memref<128xi32, #tpu.memory_space<vmem>>) semaphore(%arg14 : memref<!tpu.dma_semaphore, #tpu.memory_space<semaphore_mem>>)
        "tpu.region"() ({
          %run_scoped3A = tpu.sem_alloc : memref<!tpu.dma_semaphore, #tpu.memory_space<semaphore_mem>>
          %dma_start3A_51 = arith.constant 0 : i32
          %dma_start3A_52 = tpu.memref_slice %arg9[%mul3A_22, %dma_start3A_51] : memref<80x128xi32, #tpu.memory_space<vmem>> -> memref<1x128xi32, #tpu.memory_space<vmem>>
          %dma_start3A_53 = tpu.memref_squeeze %dma_start3A_52 : memref<1x128xi32, #tpu.memory_space<vmem>> -> memref<128xi32, #tpu.memory_space<vmem>>
          %dma_start3A_54 = arith.constant 0 : i32
          %dma_start3A_55 = arith.constant 0 : i32
          %dma_start3A_56 = tpu.memref_slice %arg12[%dma_start3A_54, %dma_start3A_55] : memref<5248x128xf32, #tpu.memory_space<vmem_shared>> -> memref<5248x128xf32, #tpu.memory_space<vmem_shared>>
          tpu.enqueue_indirect_dma source(%arg10 : memref<128x128xf32, #tpu.memory_space<vmem>>) target(%dma_start3A_56 : memref<5248x128xf32, #tpu.memory_space<vmem_shared>>) offsets(%dma_start3A_53 : memref<128xi32, #tpu.memory_space<vmem>>) semaphore(%run_scoped3A : memref<!tpu.dma_semaphore, #tpu.memory_space<semaphore_mem>>) {add = true}
          %dma_wait3A_57 = arith.constant 0 : i32
          %dma_wait3A_58 = tpu.memref_slice %arg9[%mul3A_22, %dma_wait3A_57] : memref<80x128xi32, #tpu.memory_space<vmem>> -> memref<1x128xi32, #tpu.memory_space<vmem>>
          %dma_wait3A_59 = tpu.memref_squeeze %dma_wait3A_58 : memref<1x128xi32, #tpu.memory_space<vmem>> -> memref<128xi32, #tpu.memory_space<vmem>>
          %dma_wait3A_60 = arith.constant 0 : i32
          %dma_wait3A_61 = arith.constant 0 : i32
          %dma_wait3A_62 = tpu.memref_slice %arg12[%dma_wait3A_60, %dma_wait3A_61] : memref<5248x128xf32, #tpu.memory_space<vmem_shared>> -> memref<5248x128xf32, #tpu.memory_space<vmem_shared>>
          tpu.wait_indirect_dma semaphore(%run_scoped3A : memref<!tpu.dma_semaphore, #tpu.memory_space<semaphore_mem>>) src(%arg10 : memref<128x128xf32, #tpu.memory_space<vmem>>) dst(%dma_wait3A_62 : memref<5248x128xf32, #tpu.memory_space<vmem_shared>>)
          tpu.yield
        }) : () -> ()
        %add3A_35 = arith.constant 2 : i32
        %add3A_36 = arith.addi %mul3A_22, %add3A_35 : i32
        %lt3A = arith.constant 80 : i32
        %lt3A_37 = arith.cmpi slt, %add3A_36, %lt3A : i32
        %convert_element_type3A_38 = arith.extui %lt3A_37 : i1 to i32
        %cond3A_39 = arith.constant 0 : i32
        %cond3A_40 = arith.cmpi ne, %convert_element_type3A_38, %cond3A_39 : i32
        scf.if %cond3A_40 {
          %add3A_51 = arith.constant 2 : i32
          %add3A_52 = arith.addi %mul3A_22, %add3A_51 : i32
          %dma_start3A_53 = arith.constant 0 : i32
          %dma_start3A_54 = tpu.memref_slice %arg8[%add3A_52, %dma_start3A_53] : memref<80x128xi32, #tpu.memory_space<vmem>> -> memref<1x128xi32, #tpu.memory_space<vmem>>
          %dma_start3A_55 = tpu.memref_squeeze %dma_start3A_54 : memref<1x128xi32, #tpu.memory_space<vmem>> -> memref<128xi32, #tpu.memory_space<vmem>>
          %dma_start3A_56 = arith.constant 0 : i32
          %dma_start3A_57 = arith.constant 0 : i32
          %dma_start3A_58 = tpu.memref_slice %arg3[%dma_start3A_56, %dma_start3A_57] : memref<10240x128xf32, #tpu.memory_space<hbm>> -> memref<10240x128xf32, #tpu.memory_space<hbm>>
          tpu.enqueue_indirect_dma source(%dma_start3A_58 : memref<10240x128xf32, #tpu.memory_space<hbm>>) target(%arg10 : memref<128x128xf32, #tpu.memory_space<vmem>>) offsets(%dma_start3A_55 : memref<128xi32, #tpu.memory_space<vmem>>) semaphore(%arg13 : memref<!tpu.dma_semaphore, #tpu.memory_space<semaphore_mem>>)
        } else {
        }
        %add3A_41 = arith.constant 1 : i32
        %add3A_42 = arith.addi %mul3A_22, %add3A_41 : i32
        %dma_wait3A_43 = arith.constant 0 : i32
        %dma_wait3A_44 = tpu.memref_slice %arg8[%add3A_42, %dma_wait3A_43] : memref<80x128xi32, #tpu.memory_space<vmem>> -> memref<1x128xi32, #tpu.memory_space<vmem>>
        %dma_wait3A_45 = tpu.memref_squeeze %dma_wait3A_44 : memref<1x128xi32, #tpu.memory_space<vmem>> -> memref<128xi32, #tpu.memory_space<vmem>>
        %dma_wait3A_46 = arith.constant 0 : i32
        %dma_wait3A_47 = arith.constant 0 : i32
        %dma_wait3A_48 = tpu.memref_slice %arg3[%dma_wait3A_46, %dma_wait3A_47] : memref<10240x128xf32, #tpu.memory_space<hbm>> -> memref<10240x128xf32, #tpu.memory_space<hbm>>
        tpu.wait_indirect_dma semaphore(%arg14 : memref<!tpu.dma_semaphore, #tpu.memory_space<semaphore_mem>>) src(%dma_wait3A_48 : memref<10240x128xf32, #tpu.memory_space<hbm>>) dst(%arg11 : memref<128x128xf32, #tpu.memory_space<vmem>>)
        %add3A_49 = arith.constant 1 : i32
        %add3A_50 = arith.addi %mul3A_22, %add3A_49 : i32
        "tpu.region"() ({
          %run_scoped3A = tpu.sem_alloc : memref<!tpu.dma_semaphore, #tpu.memory_space<semaphore_mem>>
          %dma_start3A_51 = arith.constant 0 : i32
          %dma_start3A_52 = tpu.memref_slice %arg9[%add3A_50, %dma_start3A_51] : memref<80x128xi32, #tpu.memory_space<vmem>> -> memref<1x128xi32, #tpu.memory_space<vmem>>
          %dma_start3A_53 = tpu.memref_squeeze %dma_start3A_52 : memref<1x128xi32, #tpu.memory_space<vmem>> -> memref<128xi32, #tpu.memory_space<vmem>>
          %dma_start3A_54 = arith.constant 0 : i32
          %dma_start3A_55 = arith.constant 0 : i32
          %dma_start3A_56 = tpu.memref_slice %arg12[%dma_start3A_54, %dma_start3A_55] : memref<5248x128xf32, #tpu.memory_space<vmem_shared>> -> memref<5248x128xf32, #tpu.memory_space<vmem_shared>>
          tpu.enqueue_indirect_dma source(%arg11 : memref<128x128xf32, #tpu.memory_space<vmem>>) target(%dma_start3A_56 : memref<5248x128xf32, #tpu.memory_space<vmem_shared>>) offsets(%dma_start3A_53 : memref<128xi32, #tpu.memory_space<vmem>>) semaphore(%run_scoped3A : memref<!tpu.dma_semaphore, #tpu.memory_space<semaphore_mem>>) {add = true}
          %dma_wait3A_57 = arith.constant 0 : i32
          %dma_wait3A_58 = tpu.memref_slice %arg9[%add3A_50, %dma_wait3A_57] : memref<80x128xi32, #tpu.memory_space<vmem>> -> memref<1x128xi32, #tpu.memory_space<vmem>>
          %dma_wait3A_59 = tpu.memref_squeeze %dma_wait3A_58 : memref<1x128xi32, #tpu.memory_space<vmem>> -> memref<128xi32, #tpu.memory_space<vmem>>
          %dma_wait3A_60 = arith.constant 0 : i32
          %dma_wait3A_61 = arith.constant 0 : i32
          %dma_wait3A_62 = tpu.memref_slice %arg12[%dma_wait3A_60, %dma_wait3A_61] : memref<5248x128xf32, #tpu.memory_space<vmem_shared>> -> memref<5248x128xf32, #tpu.memory_space<vmem_shared>>
          tpu.wait_indirect_dma semaphore(%run_scoped3A : memref<!tpu.dma_semaphore, #tpu.memory_space<semaphore_mem>>) src(%arg11 : memref<128x128xf32, #tpu.memory_space<vmem>>) dst(%dma_wait3A_62 : memref<5248x128xf32, #tpu.memory_space<vmem_shared>>)
          tpu.yield
        }) : () -> ()
      }
      %scan3A_19 = arith.constant 40 : i32
    } else {
    }
    %barrier3A_8 = arith.constant 0 : index
    tpu.barrier barrier_id(%barrier3A_8)
    "tpu.region"() ({
      %run_scoped3A = tpu.sem_alloc : memref<!tpu.dma_semaphore, #tpu.memory_space<semaphore_mem>>
      %dma_start3A = arith.constant 0 : i32
      %dma_start3A_9 = tpu.memref_slice %arg7[%arg0, %mul3A_0, %dma_start3A] : memref<2x5248x128xf32, #tpu.memory_space<hbm>> -> memref<1x328x128xf32, #tpu.memory_space<hbm>>
      %dma_start3A_10 = tpu.memref_squeeze %dma_start3A_9 : memref<1x328x128xf32, #tpu.memory_space<hbm>> -> memref<328x128xf32, #tpu.memory_space<hbm>>
      %dma_start3A_11 = arith.constant 0 : i32
      %dma_start3A_12 = tpu.memref_slice %arg12[%mul3A_0, %dma_start3A_11] : memref<5248x128xf32, #tpu.memory_space<vmem_shared>> -> memref<328x128xf32, #tpu.memory_space<vmem_shared>>
      tpu.enqueue_dma source(%dma_start3A_12 : memref<328x128xf32, #tpu.memory_space<vmem_shared>>) target(%dma_start3A_10 : memref<328x128xf32, #tpu.memory_space<hbm>>) target_semaphore(%run_scoped3A : memref<!tpu.dma_semaphore, #tpu.memory_space<semaphore_mem>>)
      %dma_wait3A = arith.constant 0 : i32
      %dma_wait3A_13 = tpu.memref_slice %arg7[%arg0, %mul3A_0, %dma_wait3A] : memref<2x5248x128xf32, #tpu.memory_space<hbm>> -> memref<1x328x128xf32, #tpu.memory_space<hbm>>
      %dma_wait3A_14 = tpu.memref_squeeze %dma_wait3A_13 : memref<1x328x128xf32, #tpu.memory_space<hbm>> -> memref<328x128xf32, #tpu.memory_space<hbm>>
      %dma_wait3A_15 = arith.constant 0 : i32
      %dma_wait3A_16 = tpu.memref_slice %arg12[%mul3A_0, %dma_wait3A_15] : memref<5248x128xf32, #tpu.memory_space<vmem_shared>> -> memref<328x128xf32, #tpu.memory_space<vmem_shared>>
      tpu.wait_dma2 semaphore(%run_scoped3A : memref<!tpu.dma_semaphore, #tpu.memory_space<semaphore_mem>>) src(%dma_wait3A_16 : memref<328x128xf32, #tpu.memory_space<vmem_shared>>) dst(%dma_wait3A_14 : memref<328x128xf32, #tpu.memory_space<hbm>>)
      tpu.yield
    }) : () -> ()
    return
  }
}

#map = affine_map<(d0, d1) -> (0, 0)>
#map1 = affine_map<(d0, d1) -> (0, 0, 0)>
module attributes {stable_mosaic.version = 14 : i64} {
  func.func @_agg(%arg0: i32, %arg1: i32, %arg2: memref<10240x128xf32, #tpu.memory_space<hbm>>, %arg3: memref<10240x128xf32, #tpu.memory_space<hbm>>, %arg4: memref<16x80x128xi32, #tpu.memory_space<hbm>>, %arg5: memref<16x80x128xi32, #tpu.memory_space<hbm>>, %arg6: memref<328x128xf32, #tpu.memory_space<hbm>>, %arg7: memref<2x5248x128xf32, #tpu.memory_space<hbm>>, %arg8: memref<80x128xi32, #tpu.memory_space<vmem>>, %arg9: memref<80x128xi32, #tpu.memory_space<vmem>>, %arg10: memref<128x128xf32, #tpu.memory_space<vmem>>, %arg11: memref<128x128xf32, #tpu.memory_space<vmem>>, %arg12: memref<5248x128xf32, #tpu.memory_space<vmem_shared>>, %arg13: memref<!tpu.dma_semaphore, #tpu.memory_space<semaphore_mem>>, %arg14: memref<!tpu.dma_semaphore, #tpu.memory_space<semaphore_mem>>) attributes {dimension_semantics = [#tpu.dimension_semantics<core_parallel>, #tpu.dimension_semantics<subcore_parallel>], iteration_bounds = array<i64: 2, 16>, scalar_prefetch = 0 : i64, scratch_operands = 7 : i64, tpu.core_type = #tpu.core_type<sc_vector_subcore>, window_params = [{transform_indices = #map}, {transform_indices = #map}, {transform_indices = #map1}, {transform_indices = #map1}, {transform_indices = #map}, {transform_indices = #map1}]} {
    %mul3A = arith.constant 328 : i32
    %mul3A_0 = arith.muli %arg1, %mul3A : i32
    "tpu.region"() ({
      %run_scoped3A = tpu.sem_alloc : memref<!tpu.dma_semaphore, #tpu.memory_space<semaphore_mem>>
      %dma_start3A = arith.constant 0 : i32
      %dma_start3A_9 = tpu.memref_slice %arg12[%mul3A_0, %dma_start3A] : memref<5248x128xf32, #tpu.memory_space<vmem_shared>> -> memref<328x128xf32, #tpu.memory_space<vmem_shared>>
      tpu.enqueue_dma source(%arg6 : memref<328x128xf32, #tpu.memory_space<hbm>>) target(%dma_start3A_9 : memref<328x128xf32, #tpu.memory_space<vmem_shared>>) target_semaphore(%run_scoped3A : memref<!tpu.dma_semaphore, #tpu.memory_space<semaphore_mem>>)
      %dma_wait3A = arith.constant 0 : i32
      %dma_wait3A_10 = tpu.memref_slice %arg12[%mul3A_0, %dma_wait3A] : memref<5248x128xf32, #tpu.memory_space<vmem_shared>> -> memref<328x128xf32, #tpu.memory_space<vmem_shared>>
      tpu.wait_dma2 semaphore(%run_scoped3A : memref<!tpu.dma_semaphore, #tpu.memory_space<semaphore_mem>>) src(%arg6 : memref<328x128xf32, #tpu.memory_space<hbm>>) dst(%dma_wait3A_10 : memref<328x128xf32, #tpu.memory_space<vmem_shared>>)
      tpu.yield
    }) : () -> ()
    "tpu.region"() ({
      %run_scoped3A = tpu.sem_alloc : memref<!tpu.dma_semaphore, #tpu.memory_space<semaphore_mem>>
      %dma_start3A = arith.constant 0 : i32
      %dma_start3A_9 = arith.constant 0 : i32
      %dma_start3A_10 = tpu.memref_slice %arg4[%arg1, %dma_start3A, %dma_start3A_9] : memref<16x80x128xi32, #tpu.memory_space<hbm>> -> memref<1x80x128xi32, #tpu.memory_space<hbm>>
      %dma_start3A_11 = tpu.memref_squeeze %dma_start3A_10 : memref<1x80x128xi32, #tpu.memory_space<hbm>> -> memref<80x128xi32, #tpu.memory_space<hbm>>
      %dma_start3A_12 = arith.constant 0 : i32
      %dma_start3A_13 = arith.constant 0 : i32
      %dma_start3A_14 = tpu.memref_slice %arg4[%arg1, %dma_start3A_12, %dma_start3A_13] : memref<16x80x128xi32, #tpu.memory_space<hbm>> -> memref<1x80x128xi32, #tpu.memory_space<hbm>>
      %dma_start3A_15 = tpu.memref_squeeze %dma_start3A_14 : memref<1x80x128xi32, #tpu.memory_space<hbm>> -> memref<80x128xi32, #tpu.memory_space<hbm>>
      tpu.enqueue_dma source(%dma_start3A_15 : memref<80x128xi32, #tpu.memory_space<hbm>>) target(%arg8 : memref<80x128xi32, #tpu.memory_space<vmem>>) target_semaphore(%run_scoped3A : memref<!tpu.dma_semaphore, #tpu.memory_space<semaphore_mem>>)
      %dma_wait3A = arith.constant 0 : i32
      %dma_wait3A_16 = arith.constant 0 : i32
      %dma_wait3A_17 = tpu.memref_slice %arg4[%arg1, %dma_wait3A, %dma_wait3A_16] : memref<16x80x128xi32, #tpu.memory_space<hbm>> -> memref<1x80x128xi32, #tpu.memory_space<hbm>>
      %dma_wait3A_18 = tpu.memref_squeeze %dma_wait3A_17 : memref<1x80x128xi32, #tpu.memory_space<hbm>> -> memref<80x128xi32, #tpu.memory_space<hbm>>
      %dma_wait3A_19 = arith.constant 0 : i32
      %dma_wait3A_20 = arith.constant 0 : i32
      %dma_wait3A_21 = tpu.memref_slice %arg4[%arg1, %dma_wait3A_19, %dma_wait3A_20] : memref<16x80x128xi32, #tpu.memory_space<hbm>> -> memref<1x80x128xi32, #tpu.memory_space<hbm>>
      %dma_wait3A_22 = tpu.memref_squeeze %dma_wait3A_21 : memref<1x80x128xi32, #tpu.memory_space<hbm>> -> memref<80x128xi32, #tpu.memory_space<hbm>>
      tpu.wait_dma2 semaphore(%run_scoped3A : memref<!tpu.dma_semaphore, #tpu.memory_space<semaphore_mem>>) src(%dma_wait3A_22 : memref<80x128xi32, #tpu.memory_space<hbm>>) dst(%arg8 : memref<80x128xi32, #tpu.memory_space<vmem>>)
      tpu.yield
    }) : () -> ()
    "tpu.region"() ({
      %run_scoped3A = tpu.sem_alloc : memref<!tpu.dma_semaphore, #tpu.memory_space<semaphore_mem>>
      %dma_start3A = arith.constant 0 : i32
      %dma_start3A_9 = arith.constant 0 : i32
      %dma_start3A_10 = tpu.memref_slice %arg5[%arg1, %dma_start3A, %dma_start3A_9] : memref<16x80x128xi32, #tpu.memory_space<hbm>> -> memref<1x80x128xi32, #tpu.memory_space<hbm>>
      %dma_start3A_11 = tpu.memref_squeeze %dma_start3A_10 : memref<1x80x128xi32, #tpu.memory_space<hbm>> -> memref<80x128xi32, #tpu.memory_space<hbm>>
      %dma_start3A_12 = arith.constant 0 : i32
      %dma_start3A_13 = arith.constant 0 : i32
      %dma_start3A_14 = tpu.memref_slice %arg5[%arg1, %dma_start3A_12, %dma_start3A_13] : memref<16x80x128xi32, #tpu.memory_space<hbm>> -> memref<1x80x128xi32, #tpu.memory_space<hbm>>
      %dma_start3A_15 = tpu.memref_squeeze %dma_start3A_14 : memref<1x80x128xi32, #tpu.memory_space<hbm>> -> memref<80x128xi32, #tpu.memory_space<hbm>>
      tpu.enqueue_dma source(%dma_start3A_15 : memref<80x128xi32, #tpu.memory_space<hbm>>) target(%arg9 : memref<80x128xi32, #tpu.memory_space<vmem>>) target_semaphore(%run_scoped3A : memref<!tpu.dma_semaphore, #tpu.memory_space<semaphore_mem>>)
      %dma_wait3A = arith.constant 0 : i32
      %dma_wait3A_16 = arith.constant 0 : i32
      %dma_wait3A_17 = tpu.memref_slice %arg5[%arg1, %dma_wait3A, %dma_wait3A_16] : memref<16x80x128xi32, #tpu.memory_space<hbm>> -> memref<1x80x128xi32, #tpu.memory_space<hbm>>
      %dma_wait3A_18 = tpu.memref_squeeze %dma_wait3A_17 : memref<1x80x128xi32, #tpu.memory_space<hbm>> -> memref<80x128xi32, #tpu.memory_space<hbm>>
      %dma_wait3A_19 = arith.constant 0 : i32
      %dma_wait3A_20 = arith.constant 0 : i32
      %dma_wait3A_21 = tpu.memref_slice %arg5[%arg1, %dma_wait3A_19, %dma_wait3A_20] : memref<16x80x128xi32, #tpu.memory_space<hbm>> -> memref<1x80x128xi32, #tpu.memory_space<hbm>>
      %dma_wait3A_22 = tpu.memref_squeeze %dma_wait3A_21 : memref<1x80x128xi32, #tpu.memory_space<hbm>> -> memref<80x128xi32, #tpu.memory_space<hbm>>
      tpu.wait_dma2 semaphore(%run_scoped3A : memref<!tpu.dma_semaphore, #tpu.memory_space<semaphore_mem>>) src(%dma_wait3A_22 : memref<80x128xi32, #tpu.memory_space<hbm>>) dst(%arg9 : memref<80x128xi32, #tpu.memory_space<vmem>>)
      tpu.yield
    }) : () -> ()
    %barrier3A = arith.constant 0 : index
    tpu.barrier barrier_id(%barrier3A)
    %eq3A = arith.constant 0 : i32
    %eq3A_1 = arith.cmpi eq, %arg0, %eq3A : i32
    %convert_element_type3A = arith.extui %eq3A_1 : i1 to i32
    %cond3A = arith.constant 0 : i32
    %cond3A_2 = arith.cmpi ne, %convert_element_type3A, %cond3A : i32
    scf.if %cond3A_2 {
      %dma_start3A = arith.constant 0 : i32
      %dma_start3A_9 = arith.constant 0 : i32
      %dma_start3A_10 = tpu.memref_slice %arg8[%dma_start3A, %dma_start3A_9] : memref<80x128xi32, #tpu.memory_space<vmem>> -> memref<1x128xi32, #tpu.memory_space<vmem>>
      %dma_start3A_11 = tpu.memref_squeeze %dma_start3A_10 : memref<1x128xi32, #tpu.memory_space<vmem>> -> memref<128xi32, #tpu.memory_space<vmem>>
      %dma_start3A_12 = arith.constant 0 : i32
      %dma_start3A_13 = arith.constant 0 : i32
      %dma_start3A_14 = tpu.memref_slice %arg2[%dma_start3A_12, %dma_start3A_13] : memref<10240x128xf32, #tpu.memory_space<hbm>> -> memref<10240x128xf32, #tpu.memory_space<hbm>>
      tpu.enqueue_indirect_dma source(%dma_start3A_14 : memref<10240x128xf32, #tpu.memory_space<hbm>>) target(%arg10 : memref<128x128xf32, #tpu.memory_space<vmem>>) offsets(%dma_start3A_11 : memref<128xi32, #tpu.memory_space<vmem>>) semaphore(%arg13 : memref<!tpu.dma_semaphore, #tpu.memory_space<semaphore_mem>>)
      %scan3A = arith.constant 0 : i32
      %scan3A_15 = arith.constant 0 : i32
      %scan3A_16 = arith.constant 40 : i32
      %scan3A_17 = arith.addi %scan3A_15, %scan3A_16 : i32
      %scan3A_18 = arith.constant 1 : i32
      scf.for %scan3A_20 = %scan3A_15 to %scan3A_17 step %scan3A_18  : i32 {
        %mul3A_21 = arith.constant 2 : i32
        %mul3A_22 = arith.muli %mul3A_21, %scan3A_20 : i32
        %dma_wait3A = arith.constant 0 : i32
        %dma_wait3A_23 = tpu.memref_slice %arg8[%mul3A_22, %dma_wait3A] : memref<80x128xi32, #tpu.memory_space<vmem>> -> memref<1x128xi32, #tpu.memory_space<vmem>>
        %dma_wait3A_24 = tpu.memref_squeeze %dma_wait3A_23 : memref<1x128xi32, #tpu.memory_space<vmem>> -> memref<128xi32, #tpu.memory_space<vmem>>
        %dma_wait3A_25 = arith.constant 0 : i32
        %dma_wait3A_26 = arith.constant 0 : i32
        %dma_wait3A_27 = tpu.memref_slice %arg2[%dma_wait3A_25, %dma_wait3A_26] : memref<10240x128xf32, #tpu.memory_space<hbm>> -> memref<10240x128xf32, #tpu.memory_space<hbm>>
        tpu.wait_indirect_dma semaphore(%arg13 : memref<!tpu.dma_semaphore, #tpu.memory_space<semaphore_mem>>) src(%dma_wait3A_27 : memref<10240x128xf32, #tpu.memory_space<hbm>>) dst(%arg10 : memref<128x128xf32, #tpu.memory_space<vmem>>)
        %add3A = arith.constant 1 : i32
        %add3A_28 = arith.addi %mul3A_22, %add3A : i32
        %dma_start3A_29 = arith.constant 0 : i32
        %dma_start3A_30 = tpu.memref_slice %arg8[%add3A_28, %dma_start3A_29] : memref<80x128xi32, #tpu.memory_space<vmem>> -> memref<1x128xi32, #tpu.memory_space<vmem>>
        %dma_start3A_31 = tpu.memref_squeeze %dma_start3A_30 : memref<1x128xi32, #tpu.memory_space<vmem>> -> memref<128xi32, #tpu.memory_space<vmem>>
        %dma_start3A_32 = arith.constant 0 : i32
        %dma_start3A_33 = arith.constant 0 : i32
        %dma_start3A_34 = tpu.memref_slice %arg2[%dma_start3A_32, %dma_start3A_33] : memref<10240x128xf32, #tpu.memory_space<hbm>> -> memref<10240x128xf32, #tpu.memory_space<hbm>>
        tpu.enqueue_indirect_dma source(%dma_start3A_34 : memref<10240x128xf32, #tpu.memory_space<hbm>>) target(%arg11 : memref<128x128xf32, #tpu.memory_space<vmem>>) offsets(%dma_start3A_31 : memref<128xi32, #tpu.memory_space<vmem>>) semaphore(%arg14 : memref<!tpu.dma_semaphore, #tpu.memory_space<semaphore_mem>>)
        "tpu.region"() ({
          %run_scoped3A = tpu.sem_alloc : memref<!tpu.dma_semaphore, #tpu.memory_space<semaphore_mem>>
          %dma_start3A_51 = arith.constant 0 : i32
          %dma_start3A_52 = tpu.memref_slice %arg9[%mul3A_22, %dma_start3A_51] : memref<80x128xi32, #tpu.memory_space<vmem>> -> memref<1x128xi32, #tpu.memory_space<vmem>>
          %dma_start3A_53 = tpu.memref_squeeze %dma_start3A_52 : memref<1x128xi32, #tpu.memory_space<vmem>> -> memref<128xi32, #tpu.memory_space<vmem>>
          %dma_start3A_54 = arith.constant 0 : i32
          %dma_start3A_55 = arith.constant 0 : i32
          %dma_start3A_56 = tpu.memref_slice %arg12[%dma_start3A_54, %dma_start3A_55] : memref<5248x128xf32, #tpu.memory_space<vmem_shared>> -> memref<5248x128xf32, #tpu.memory_space<vmem_shared>>
          tpu.enqueue_indirect_dma source(%arg10 : memref<128x128xf32, #tpu.memory_space<vmem>>) target(%dma_start3A_56 : memref<5248x128xf32, #tpu.memory_space<vmem_shared>>) offsets(%dma_start3A_53 : memref<128xi32, #tpu.memory_space<vmem>>) semaphore(%run_scoped3A : memref<!tpu.dma_semaphore, #tpu.memory_space<semaphore_mem>>) {add = true}
          %dma_wait3A_57 = arith.constant 0 : i32
          %dma_wait3A_58 = tpu.memref_slice %arg9[%mul3A_22, %dma_wait3A_57] : memref<80x128xi32, #tpu.memory_space<vmem>> -> memref<1x128xi32, #tpu.memory_space<vmem>>
          %dma_wait3A_59 = tpu.memref_squeeze %dma_wait3A_58 : memref<1x128xi32, #tpu.memory_space<vmem>> -> memref<128xi32, #tpu.memory_space<vmem>>
          %dma_wait3A_60 = arith.constant 0 : i32
          %dma_wait3A_61 = arith.constant 0 : i32
          %dma_wait3A_62 = tpu.memref_slice %arg12[%dma_wait3A_60, %dma_wait3A_61] : memref<5248x128xf32, #tpu.memory_space<vmem_shared>> -> memref<5248x128xf32, #tpu.memory_space<vmem_shared>>
          tpu.wait_indirect_dma semaphore(%run_scoped3A : memref<!tpu.dma_semaphore, #tpu.memory_space<semaphore_mem>>) src(%arg10 : memref<128x128xf32, #tpu.memory_space<vmem>>) dst(%dma_wait3A_62 : memref<5248x128xf32, #tpu.memory_space<vmem_shared>>)
          tpu.yield
        }) : () -> ()
        %add3A_35 = arith.constant 2 : i32
        %add3A_36 = arith.addi %mul3A_22, %add3A_35 : i32
        %lt3A = arith.constant 80 : i32
        %lt3A_37 = arith.cmpi slt, %add3A_36, %lt3A : i32
        %convert_element_type3A_38 = arith.extui %lt3A_37 : i1 to i32
        %cond3A_39 = arith.constant 0 : i32
        %cond3A_40 = arith.cmpi ne, %convert_element_type3A_38, %cond3A_39 : i32
        scf.if %cond3A_40 {
          %add3A_51 = arith.constant 2 : i32
          %add3A_52 = arith.addi %mul3A_22, %add3A_51 : i32
          %dma_start3A_53 = arith.constant 0 : i32
          %dma_start3A_54 = tpu.memref_slice %arg8[%add3A_52, %dma_start3A_53] : memref<80x128xi32, #tpu.memory_space<vmem>> -> memref<1x128xi32, #tpu.memory_space<vmem>>
          %dma_start3A_55 = tpu.memref_squeeze %dma_start3A_54 : memref<1x128xi32, #tpu.memory_space<vmem>> -> memref<128xi32, #tpu.memory_space<vmem>>
          %dma_start3A_56 = arith.constant 0 : i32
          %dma_start3A_57 = arith.constant 0 : i32
          %dma_start3A_58 = tpu.memref_slice %arg2[%dma_start3A_56, %dma_start3A_57] : memref<10240x128xf32, #tpu.memory_space<hbm>> -> memref<10240x128xf32, #tpu.memory_space<hbm>>
          tpu.enqueue_indirect_dma source(%dma_start3A_58 : memref<10240x128xf32, #tpu.memory_space<hbm>>) target(%arg10 : memref<128x128xf32, #tpu.memory_space<vmem>>) offsets(%dma_start3A_55 : memref<128xi32, #tpu.memory_space<vmem>>) semaphore(%arg13 : memref<!tpu.dma_semaphore, #tpu.memory_space<semaphore_mem>>)
        } else {
        }
        %add3A_41 = arith.constant 1 : i32
        %add3A_42 = arith.addi %mul3A_22, %add3A_41 : i32
        %dma_wait3A_43 = arith.constant 0 : i32
        %dma_wait3A_44 = tpu.memref_slice %arg8[%add3A_42, %dma_wait3A_43] : memref<80x128xi32, #tpu.memory_space<vmem>> -> memref<1x128xi32, #tpu.memory_space<vmem>>
        %dma_wait3A_45 = tpu.memref_squeeze %dma_wait3A_44 : memref<1x128xi32, #tpu.memory_space<vmem>> -> memref<128xi32, #tpu.memory_space<vmem>>
        %dma_wait3A_46 = arith.constant 0 : i32
        %dma_wait3A_47 = arith.constant 0 : i32
        %dma_wait3A_48 = tpu.memref_slice %arg2[%dma_wait3A_46, %dma_wait3A_47] : memref<10240x128xf32, #tpu.memory_space<hbm>> -> memref<10240x128xf32, #tpu.memory_space<hbm>>
        tpu.wait_indirect_dma semaphore(%arg14 : memref<!tpu.dma_semaphore, #tpu.memory_space<semaphore_mem>>) src(%dma_wait3A_48 : memref<10240x128xf32, #tpu.memory_space<hbm>>) dst(%arg11 : memref<128x128xf32, #tpu.memory_space<vmem>>)
        %add3A_49 = arith.constant 1 : i32
        %add3A_50 = arith.addi %mul3A_22, %add3A_49 : i32
        "tpu.region"() ({
          %run_scoped3A = tpu.sem_alloc : memref<!tpu.dma_semaphore, #tpu.memory_space<semaphore_mem>>
          %dma_start3A_51 = arith.constant 0 : i32
          %dma_start3A_52 = tpu.memref_slice %arg9[%add3A_50, %dma_start3A_51] : memref<80x128xi32, #tpu.memory_space<vmem>> -> memref<1x128xi32, #tpu.memory_space<vmem>>
          %dma_start3A_53 = tpu.memref_squeeze %dma_start3A_52 : memref<1x128xi32, #tpu.memory_space<vmem>> -> memref<128xi32, #tpu.memory_space<vmem>>
          %dma_start3A_54 = arith.constant 0 : i32
          %dma_start3A_55 = arith.constant 0 : i32
          %dma_start3A_56 = tpu.memref_slice %arg12[%dma_start3A_54, %dma_start3A_55] : memref<5248x128xf32, #tpu.memory_space<vmem_shared>> -> memref<5248x128xf32, #tpu.memory_space<vmem_shared>>
          tpu.enqueue_indirect_dma source(%arg11 : memref<128x128xf32, #tpu.memory_space<vmem>>) target(%dma_start3A_56 : memref<5248x128xf32, #tpu.memory_space<vmem_shared>>) offsets(%dma_start3A_53 : memref<128xi32, #tpu.memory_space<vmem>>) semaphore(%run_scoped3A : memref<!tpu.dma_semaphore, #tpu.memory_space<semaphore_mem>>) {add = true}
          %dma_wait3A_57 = arith.constant 0 : i32
          %dma_wait3A_58 = tpu.memref_slice %arg9[%add3A_50, %dma_wait3A_57] : memref<80x128xi32, #tpu.memory_space<vmem>> -> memref<1x128xi32, #tpu.memory_space<vmem>>
          %dma_wait3A_59 = tpu.memref_squeeze %dma_wait3A_58 : memref<1x128xi32, #tpu.memory_space<vmem>> -> memref<128xi32, #tpu.memory_space<vmem>>
          %dma_wait3A_60 = arith.constant 0 : i32
          %dma_wait3A_61 = arith.constant 0 : i32
          %dma_wait3A_62 = tpu.memref_slice %arg12[%dma_wait3A_60, %dma_wait3A_61] : memref<5248x128xf32, #tpu.memory_space<vmem_shared>> -> memref<5248x128xf32, #tpu.memory_space<vmem_shared>>
          tpu.wait_indirect_dma semaphore(%run_scoped3A : memref<!tpu.dma_semaphore, #tpu.memory_space<semaphore_mem>>) src(%arg11 : memref<128x128xf32, #tpu.memory_space<vmem>>) dst(%dma_wait3A_62 : memref<5248x128xf32, #tpu.memory_space<vmem_shared>>)
          tpu.yield
        }) : () -> ()
      }
      %scan3A_19 = arith.constant 40 : i32
    } else {
    }
    %eq3A_3 = arith.constant 1 : i32
    %eq3A_4 = arith.cmpi eq, %arg0, %eq3A_3 : i32
    %convert_element_type3A_5 = arith.extui %eq3A_4 : i1 to i32
    %cond3A_6 = arith.constant 0 : i32
    %cond3A_7 = arith.cmpi ne, %convert_element_type3A_5, %cond3A_6 : i32
    scf.if %cond3A_7 {
      %dma_start3A = arith.constant 0 : i32
      %dma_start3A_9 = arith.constant 0 : i32
      %dma_start3A_10 = tpu.memref_slice %arg8[%dma_start3A, %dma_start3A_9] : memref<80x128xi32, #tpu.memory_space<vmem>> -> memref<1x128xi32, #tpu.memory_space<vmem>>
      %dma_start3A_11 = tpu.memref_squeeze %dma_start3A_10 : memref<1x128xi32, #tpu.memory_space<vmem>> -> memref<128xi32, #tpu.memory_space<vmem>>
      %dma_start3A_12 = arith.constant 0 : i32
      %dma_start3A_13 = arith.constant 0 : i32
      %dma_start3A_14 = tpu.memref_slice %arg3[%dma_start3A_12, %dma_start3A_13] : memref<10240x128xf32, #tpu.memory_space<hbm>> -> memref<10240x128xf32, #tpu.memory_space<hbm>>
      tpu.enqueue_indirect_dma source(%dma_start3A_14 : memref<10240x128xf32, #tpu.memory_space<hbm>>) target(%arg10 : memref<128x128xf32, #tpu.memory_space<vmem>>) offsets(%dma_start3A_11 : memref<128xi32, #tpu.memory_space<vmem>>) semaphore(%arg13 : memref<!tpu.dma_semaphore, #tpu.memory_space<semaphore_mem>>)
      %scan3A = arith.constant 0 : i32
      %scan3A_15 = arith.constant 0 : i32
      %scan3A_16 = arith.constant 40 : i32
      %scan3A_17 = arith.addi %scan3A_15, %scan3A_16 : i32
      %scan3A_18 = arith.constant 1 : i32
      scf.for %scan3A_20 = %scan3A_15 to %scan3A_17 step %scan3A_18  : i32 {
        %mul3A_21 = arith.constant 2 : i32
        %mul3A_22 = arith.muli %mul3A_21, %scan3A_20 : i32
        %dma_wait3A = arith.constant 0 : i32
        %dma_wait3A_23 = tpu.memref_slice %arg8[%mul3A_22, %dma_wait3A] : memref<80x128xi32, #tpu.memory_space<vmem>> -> memref<1x128xi32, #tpu.memory_space<vmem>>
        %dma_wait3A_24 = tpu.memref_squeeze %dma_wait3A_23 : memref<1x128xi32, #tpu.memory_space<vmem>> -> memref<128xi32, #tpu.memory_space<vmem>>
        %dma_wait3A_25 = arith.constant 0 : i32
        %dma_wait3A_26 = arith.constant 0 : i32
        %dma_wait3A_27 = tpu.memref_slice %arg3[%dma_wait3A_25, %dma_wait3A_26] : memref<10240x128xf32, #tpu.memory_space<hbm>> -> memref<10240x128xf32, #tpu.memory_space<hbm>>
        tpu.wait_indirect_dma semaphore(%arg13 : memref<!tpu.dma_semaphore, #tpu.memory_space<semaphore_mem>>) src(%dma_wait3A_27 : memref<10240x128xf32, #tpu.memory_space<hbm>>) dst(%arg10 : memref<128x128xf32, #tpu.memory_space<vmem>>)
        %add3A = arith.constant 1 : i32
        %add3A_28 = arith.addi %mul3A_22, %add3A : i32
        %dma_start3A_29 = arith.constant 0 : i32
        %dma_start3A_30 = tpu.memref_slice %arg8[%add3A_28, %dma_start3A_29] : memref<80x128xi32, #tpu.memory_space<vmem>> -> memref<1x128xi32, #tpu.memory_space<vmem>>
        %dma_start3A_31 = tpu.memref_squeeze %dma_start3A_30 : memref<1x128xi32, #tpu.memory_space<vmem>> -> memref<128xi32, #tpu.memory_space<vmem>>
        %dma_start3A_32 = arith.constant 0 : i32
        %dma_start3A_33 = arith.constant 0 : i32
        %dma_start3A_34 = tpu.memref_slice %arg3[%dma_start3A_32, %dma_start3A_33] : memref<10240x128xf32, #tpu.memory_space<hbm>> -> memref<10240x128xf32, #tpu.memory_space<hbm>>
        tpu.enqueue_indirect_dma source(%dma_start3A_34 : memref<10240x128xf32, #tpu.memory_space<hbm>>) target(%arg11 : memref<128x128xf32, #tpu.memory_space<vmem>>) offsets(%dma_start3A_31 : memref<128xi32, #tpu.memory_space<vmem>>) semaphore(%arg14 : memref<!tpu.dma_semaphore, #tpu.memory_space<semaphore_mem>>)
        "tpu.region"() ({
          %run_scoped3A = tpu.sem_alloc : memref<!tpu.dma_semaphore, #tpu.memory_space<semaphore_mem>>
          %dma_start3A_51 = arith.constant 0 : i32
          %dma_start3A_52 = tpu.memref_slice %arg9[%mul3A_22, %dma_start3A_51] : memref<80x128xi32, #tpu.memory_space<vmem>> -> memref<1x128xi32, #tpu.memory_space<vmem>>
          %dma_start3A_53 = tpu.memref_squeeze %dma_start3A_52 : memref<1x128xi32, #tpu.memory_space<vmem>> -> memref<128xi32, #tpu.memory_space<vmem>>
          %dma_start3A_54 = arith.constant 0 : i32
          %dma_start3A_55 = arith.constant 0 : i32
          %dma_start3A_56 = tpu.memref_slice %arg12[%dma_start3A_54, %dma_start3A_55] : memref<5248x128xf32, #tpu.memory_space<vmem_shared>> -> memref<5248x128xf32, #tpu.memory_space<vmem_shared>>
          tpu.enqueue_indirect_dma source(%arg10 : memref<128x128xf32, #tpu.memory_space<vmem>>) target(%dma_start3A_56 : memref<5248x128xf32, #tpu.memory_space<vmem_shared>>) offsets(%dma_start3A_53 : memref<128xi32, #tpu.memory_space<vmem>>) semaphore(%run_scoped3A : memref<!tpu.dma_semaphore, #tpu.memory_space<semaphore_mem>>) {add = true}
          %dma_wait3A_57 = arith.constant 0 : i32
          %dma_wait3A_58 = tpu.memref_slice %arg9[%mul3A_22, %dma_wait3A_57] : memref<80x128xi32, #tpu.memory_space<vmem>> -> memref<1x128xi32, #tpu.memory_space<vmem>>
          %dma_wait3A_59 = tpu.memref_squeeze %dma_wait3A_58 : memref<1x128xi32, #tpu.memory_space<vmem>> -> memref<128xi32, #tpu.memory_space<vmem>>
          %dma_wait3A_60 = arith.constant 0 : i32
          %dma_wait3A_61 = arith.constant 0 : i32
          %dma_wait3A_62 = tpu.memref_slice %arg12[%dma_wait3A_60, %dma_wait3A_61] : memref<5248x128xf32, #tpu.memory_space<vmem_shared>> -> memref<5248x128xf32, #tpu.memory_space<vmem_shared>>
          tpu.wait_indirect_dma semaphore(%run_scoped3A : memref<!tpu.dma_semaphore, #tpu.memory_space<semaphore_mem>>) src(%arg10 : memref<128x128xf32, #tpu.memory_space<vmem>>) dst(%dma_wait3A_62 : memref<5248x128xf32, #tpu.memory_space<vmem_shared>>)
          tpu.yield
        }) : () -> ()
        %add3A_35 = arith.constant 2 : i32
        %add3A_36 = arith.addi %mul3A_22, %add3A_35 : i32
        %lt3A = arith.constant 80 : i32
        %lt3A_37 = arith.cmpi slt, %add3A_36, %lt3A : i32
        %convert_element_type3A_38 = arith.extui %lt3A_37 : i1 to i32
        %cond3A_39 = arith.constant 0 : i32
        %cond3A_40 = arith.cmpi ne, %convert_element_type3A_38, %cond3A_39 : i32
        scf.if %cond3A_40 {
          %add3A_51 = arith.constant 2 : i32
          %add3A_52 = arith.addi %mul3A_22, %add3A_51 : i32
          %dma_start3A_53 = arith.constant 0 : i32
          %dma_start3A_54 = tpu.memref_slice %arg8[%add3A_52, %dma_start3A_53] : memref<80x128xi32, #tpu.memory_space<vmem>> -> memref<1x128xi32, #tpu.memory_space<vmem>>
          %dma_start3A_55 = tpu.memref_squeeze %dma_start3A_54 : memref<1x128xi32, #tpu.memory_space<vmem>> -> memref<128xi32, #tpu.memory_space<vmem>>
          %dma_start3A_56 = arith.constant 0 : i32
          %dma_start3A_57 = arith.constant 0 : i32
          %dma_start3A_58 = tpu.memref_slice %arg3[%dma_start3A_56, %dma_start3A_57] : memref<10240x128xf32, #tpu.memory_space<hbm>> -> memref<10240x128xf32, #tpu.memory_space<hbm>>
          tpu.enqueue_indirect_dma source(%dma_start3A_58 : memref<10240x128xf32, #tpu.memory_space<hbm>>) target(%arg10 : memref<128x128xf32, #tpu.memory_space<vmem>>) offsets(%dma_start3A_55 : memref<128xi32, #tpu.memory_space<vmem>>) semaphore(%arg13 : memref<!tpu.dma_semaphore, #tpu.memory_space<semaphore_mem>>)
        } else {
        }
        %add3A_41 = arith.constant 1 : i32
        %add3A_42 = arith.addi %mul3A_22, %add3A_41 : i32
        %dma_wait3A_43 = arith.constant 0 : i32
        %dma_wait3A_44 = tpu.memref_slice %arg8[%add3A_42, %dma_wait3A_43] : memref<80x128xi32, #tpu.memory_space<vmem>> -> memref<1x128xi32, #tpu.memory_space<vmem>>
        %dma_wait3A_45 = tpu.memref_squeeze %dma_wait3A_44 : memref<1x128xi32, #tpu.memory_space<vmem>> -> memref<128xi32, #tpu.memory_space<vmem>>
        %dma_wait3A_46 = arith.constant 0 : i32
        %dma_wait3A_47 = arith.constant 0 : i32
        %dma_wait3A_48 = tpu.memref_slice %arg3[%dma_wait3A_46, %dma_wait3A_47] : memref<10240x128xf32, #tpu.memory_space<hbm>> -> memref<10240x128xf32, #tpu.memory_space<hbm>>
        tpu.wait_indirect_dma semaphore(%arg14 : memref<!tpu.dma_semaphore, #tpu.memory_space<semaphore_mem>>) src(%dma_wait3A_48 : memref<10240x128xf32, #tpu.memory_space<hbm>>) dst(%arg11 : memref<128x128xf32, #tpu.memory_space<vmem>>)
        %add3A_49 = arith.constant 1 : i32
        %add3A_50 = arith.addi %mul3A_22, %add3A_49 : i32
        "tpu.region"() ({
          %run_scoped3A = tpu.sem_alloc : memref<!tpu.dma_semaphore, #tpu.memory_space<semaphore_mem>>
          %dma_start3A_51 = arith.constant 0 : i32
          %dma_start3A_52 = tpu.memref_slice %arg9[%add3A_50, %dma_start3A_51] : memref<80x128xi32, #tpu.memory_space<vmem>> -> memref<1x128xi32, #tpu.memory_space<vmem>>
          %dma_start3A_53 = tpu.memref_squeeze %dma_start3A_52 : memref<1x128xi32, #tpu.memory_space<vmem>> -> memref<128xi32, #tpu.memory_space<vmem>>
          %dma_start3A_54 = arith.constant 0 : i32
          %dma_start3A_55 = arith.constant 0 : i32
          %dma_start3A_56 = tpu.memref_slice %arg12[%dma_start3A_54, %dma_start3A_55] : memref<5248x128xf32, #tpu.memory_space<vmem_shared>> -> memref<5248x128xf32, #tpu.memory_space<vmem_shared>>
          tpu.enqueue_indirect_dma source(%arg11 : memref<128x128xf32, #tpu.memory_space<vmem>>) target(%dma_start3A_56 : memref<5248x128xf32, #tpu.memory_space<vmem_shared>>) offsets(%dma_start3A_53 : memref<128xi32, #tpu.memory_space<vmem>>) semaphore(%run_scoped3A : memref<!tpu.dma_semaphore, #tpu.memory_space<semaphore_mem>>) {add = true}
          %dma_wait3A_57 = arith.constant 0 : i32
          %dma_wait3A_58 = tpu.memref_slice %arg9[%add3A_50, %dma_wait3A_57] : memref<80x128xi32, #tpu.memory_space<vmem>> -> memref<1x128xi32, #tpu.memory_space<vmem>>
          %dma_wait3A_59 = tpu.memref_squeeze %dma_wait3A_58 : memref<1x128xi32, #tpu.memory_space<vmem>> -> memref<128xi32, #tpu.memory_space<vmem>>
          %dma_wait3A_60 = arith.constant 0 : i32
          %dma_wait3A_61 = arith.constant 0 : i32
          %dma_wait3A_62 = tpu.memref_slice %arg12[%dma_wait3A_60, %dma_wait3A_61] : memref<5248x128xf32, #tpu.memory_space<vmem_shared>> -> memref<5248x128xf32, #tpu.memory_space<vmem_shared>>
          tpu.wait_indirect_dma semaphore(%run_scoped3A : memref<!tpu.dma_semaphore, #tpu.memory_space<semaphore_mem>>) src(%arg11 : memref<128x128xf32, #tpu.memory_space<vmem>>) dst(%dma_wait3A_62 : memref<5248x128xf32, #tpu.memory_space<vmem_shared>>)
          tpu.yield
        }) : () -> ()
      }
      %scan3A_19 = arith.constant 40 : i32
    } else {
    }
    %barrier3A_8 = arith.constant 0 : index
    tpu.barrier barrier_id(%barrier3A_8)
    "tpu.region"() ({
      %run_scoped3A = tpu.sem_alloc : memref<!tpu.dma_semaphore, #tpu.memory_space<semaphore_mem>>
      %dma_start3A = arith.constant 0 : i32
      %dma_start3A_9 = tpu.memref_slice %arg7[%arg0, %mul3A_0, %dma_start3A] : memref<2x5248x128xf32, #tpu.memory_space<hbm>> -> memref<1x328x128xf32, #tpu.memory_space<hbm>>
      %dma_start3A_10 = tpu.memref_squeeze %dma_start3A_9 : memref<1x328x128xf32, #tpu.memory_space<hbm>> -> memref<328x128xf32, #tpu.memory_space<hbm>>
      %dma_start3A_11 = arith.constant 0 : i32
      %dma_start3A_12 = tpu.memref_slice %arg12[%mul3A_0, %dma_start3A_11] : memref<5248x128xf32, #tpu.memory_space<vmem_shared>> -> memref<328x128xf32, #tpu.memory_space<vmem_shared>>
      tpu.enqueue_dma source(%dma_start3A_12 : memref<328x128xf32, #tpu.memory_space<vmem_shared>>) target(%dma_start3A_10 : memref<328x128xf32, #tpu.memory_space<hbm>>) target_semaphore(%run_scoped3A : memref<!tpu.dma_semaphore, #tpu.memory_space<semaphore_mem>>)
      %dma_wait3A = arith.constant 0 : i32
      %dma_wait3A_13 = tpu.memref_slice %arg7[%arg0, %mul3A_0, %dma_wait3A] : memref<2x5248x128xf32, #tpu.memory_space<hbm>> -> memref<1x328x128xf32, #tpu.memory_space<hbm>>
      %dma_wait3A_14 = tpu.memref_squeeze %dma_wait3A_13 : memref<1x328x128xf32, #tpu.memory_space<hbm>> -> memref<328x128xf32, #tpu.memory_space<hbm>>
      %dma_wait3A_15 = arith.constant 0 : i32
      %dma_wait3A_16 = tpu.memref_slice %arg12[%mul3A_0, %dma_wait3A_15] : memref<5248x128xf32, #tpu.memory_space<vmem_shared>> -> memref<328x128xf32, #tpu.memory_space<vmem_shared>>
      tpu.wait_dma2 semaphore(%run_scoped3A : memref<!tpu.dma_semaphore, #tpu.memory_space<semaphore_mem>>) src(%dma_wait3A_16 : memref<328x128xf32, #tpu.memory_space<vmem_shared>>) dst(%dma_wait3A_14 : memref<328x128xf32, #tpu.memory_space<hbm>>)
      tpu.yield
    }) : () -> ()
    return
  }
}

module attributes {stable_mosaic.version = 14 : i64} {
  func.func @body(%arg0: i32, %arg1: memref<512x128xf32, #tpu.memory_space<vmem>>, %arg2: memref<512x128xf32, #tpu.memory_space<vmem>>, %arg3: memref<512x1xf32, #tpu.memory_space<vmem>>, %arg4: memref<512x256xf32, #tpu.memory_space<vmem>>, %arg5: memref<128x512xf32, #tpu.memory_space<vmem>>, %arg6: memref<128x512xf32, #tpu.memory_space<vmem>>, %arg7: memref<256x512xf32, #tpu.memory_space<vmem>>, %arg8: memref<1x512xf32, #tpu.memory_space<vmem>>, %arg9: memref<512x256xf32, #tpu.memory_space<vmem>>, %arg10: memref<512x256xf32, #tpu.memory_space<vmem>>, %arg11: memref<512x128xf32, #tpu.memory_space<vmem>>, %arg12: memref<512x128xf32, #tpu.memory_space<vmem>>, %arg13: memref<512x256xf32, #tpu.memory_space<vmem>>) attributes {dimension_semantics = [#tpu.dimension_semantics<arbitrary>], iteration_bounds = array<i64: 20>, scalar_prefetch = 0 : i64, scratch_operands = 0 : i64, tpu.core_type = #tpu.core_type<tc>, window_params = [{transform_indices = @transform_0, window_bounds = array<i64: 512, 128>}, {transform_indices = @transform_1, window_bounds = array<i64: 512, 128>}, {transform_indices = @transform_2, window_bounds = array<i64: 512, 1>}, {transform_indices = @transform_3, window_bounds = array<i64: 512, 256>}, {pipeline_mode = #tpu.pipeline_mode<synchronous>, transform_indices = @transform_4, window_bounds = array<i64: 128, 512>}, {pipeline_mode = #tpu.pipeline_mode<synchronous>, transform_indices = @transform_5, window_bounds = array<i64: 128, 512>}, {pipeline_mode = #tpu.pipeline_mode<synchronous>, transform_indices = @transform_6, window_bounds = array<i64: 256, 512>}, {pipeline_mode = #tpu.pipeline_mode<synchronous>, transform_indices = @transform_7, window_bounds = array<i64: 1, 512>}, {pipeline_mode = #tpu.pipeline_mode<synchronous>, transform_indices = @transform_8, window_bounds = array<i64: 512, 256>}, {pipeline_mode = #tpu.pipeline_mode<synchronous>, transform_indices = @transform_9, window_bounds = array<i64: 512, 256>}, {transform_indices = @transform_10, window_bounds = array<i64: 512, 128>}, {transform_indices = @transform_11, window_bounds = array<i64: 512, 128>}, {transform_indices = @transform_12, window_bounds = array<i64: 512, 256>}]} {
    %get3A = arith.constant 0 : index
    %get3A_0 = arith.constant 0 : index
    %get3A_1 = vector.load %arg3[%get3A, %get3A_0] : memref<512x1xf32, #tpu.memory_space<vmem>>, vector<512x1xf32>
    %max3A = arith.constant 1.000000e+00 : f32
    %max3A_2 = vector.broadcast %max3A : f32 to vector<512x1xf32>
    %max3A_3 = arith.maximumf %get3A_1, %max3A_2 : vector<512x1xf32>
    %div3A = arith.constant 1.000000e+00 : f32
    %div3A_4 = vector.broadcast %div3A : f32 to vector<512x1xf32>
    %div3A_5 = arith.divf %div3A_4, %max3A_3 : vector<512x1xf32>
    %get3A_6 = arith.constant 0 : index
    %get3A_7 = arith.constant 0 : index
    %get3A_8 = vector.load %arg1[%get3A_6, %get3A_7] : memref<512x128xf32, #tpu.memory_space<vmem>>, vector<512x128xf32>
    %mul3A = vector.broadcast %div3A_5 : vector<512x1xf32> to vector<512x128xf32>
    %mul3A_9 = arith.mulf %get3A_8, %mul3A : vector<512x128xf32>
    %get3A_10 = arith.constant 0 : index
    %get3A_11 = arith.constant 0 : index
    %get3A_12 = vector.load %arg5[%get3A_10, %get3A_11] : memref<128x512xf32, #tpu.memory_space<vmem>>, vector<128x512xf32>
    %dot_general3A = arith.constant dense<0.000000e+00> : vector<512x512xf32>
    %dot_general3A_13 = tpu.matmul %mul3A_9, %get3A_12, %dot_general3A {dimension_numbers = #tpu.dot_dimension_numbers<[1], [0], [0], [1], [0, 0, 1, 1], [], []>, transpose_lhs_hint = false} : vector<512x128xf32>, vector<128x512xf32>, vector<512x512xf32> -> vector<512x512xf32>
    %get3A_14 = arith.constant 0 : index
    %get3A_15 = arith.constant 0 : index
    %get3A_16 = vector.load %arg2[%get3A_14, %get3A_15] : memref<512x128xf32, #tpu.memory_space<vmem>>, vector<512x128xf32>
    %mul3A_17 = vector.broadcast %div3A_5 : vector<512x1xf32> to vector<512x128xf32>
    %mul3A_18 = arith.mulf %get3A_16, %mul3A_17 : vector<512x128xf32>
    %get3A_19 = arith.constant 0 : index
    %get3A_20 = arith.constant 0 : index
    %get3A_21 = vector.load %arg6[%get3A_19, %get3A_20] : memref<128x512xf32, #tpu.memory_space<vmem>>, vector<128x512xf32>
    %dot_general3A_22 = arith.constant dense<0.000000e+00> : vector<512x512xf32>
    %dot_general3A_23 = tpu.matmul %mul3A_18, %get3A_21, %dot_general3A_22 {dimension_numbers = #tpu.dot_dimension_numbers<[1], [0], [0], [1], [0, 0, 1, 1], [], []>, transpose_lhs_hint = false} : vector<512x128xf32>, vector<128x512xf32>, vector<512x512xf32> -> vector<512x512xf32>
    %add3A = arith.addf %dot_general3A_13, %dot_general3A_23 : vector<512x512xf32>
    %get3A_24 = arith.constant 0 : index
    %get3A_25 = arith.constant 0 : index
    %get3A_26 = vector.load %arg4[%get3A_24, %get3A_25] : memref<512x256xf32, #tpu.memory_space<vmem>>, vector<512x256xf32>
    %get3A_27 = arith.constant 0 : index
    %get3A_28 = arith.constant 0 : index
    %get3A_29 = vector.load %arg7[%get3A_27, %get3A_28] : memref<256x512xf32, #tpu.memory_space<vmem>>, vector<256x512xf32>
    %dot_general3A_30 = arith.constant dense<0.000000e+00> : vector<512x512xf32>
    %dot_general3A_31 = tpu.matmul %get3A_26, %get3A_29, %dot_general3A_30 {dimension_numbers = #tpu.dot_dimension_numbers<[1], [0], [0], [1], [0, 0, 1, 1], [], []>, transpose_lhs_hint = false} : vector<512x256xf32>, vector<256x512xf32>, vector<512x512xf32> -> vector<512x512xf32>
    %add3A_32 = arith.addf %add3A, %dot_general3A_31 : vector<512x512xf32>
    %get3A_33 = arith.constant 0 : index
    %get3A_34 = arith.constant 0 : index
    %get3A_35 = vector.load %arg8[%get3A_33, %get3A_34] : memref<1x512xf32, #tpu.memory_space<vmem>>, vector<1x512xf32>
    %add3A_36 = vector.broadcast %get3A_35 : vector<1x512xf32> to vector<512x512xf32>
    %add3A_37 = arith.addf %add3A_32, %add3A_36 : vector<512x512xf32>
    %tanh3A = math.tanh %add3A_37 : vector<512x512xf32>
    %get3A_38 = arith.constant 0 : index
    %get3A_39 = arith.constant 0 : index
    %get3A_40 = vector.load %arg9[%get3A_38, %get3A_39] : memref<512x256xf32, #tpu.memory_space<vmem>>, vector<512x256xf32>
    %dot_general3A_41 = arith.constant dense<0.000000e+00> : vector<512x256xf32>
    %dot_general3A_42 = tpu.matmul %tanh3A, %get3A_40, %dot_general3A_41 {dimension_numbers = #tpu.dot_dimension_numbers<[1], [0], [0], [1], [0, 0, 1, 1], [], []>, transpose_lhs_hint = false} : vector<512x512xf32>, vector<512x256xf32>, vector<512x256xf32> -> vector<512x256xf32>
    %slice3A = vector.extract_strided_slice %dot_general3A_42 {offsets = [0, 0], sizes = [512, 128], strides = [1, 1]} : vector<512x256xf32> to vector<512x128xf32>
    %swap3A = arith.constant 0 : index
    %swap3A_43 = arith.constant 0 : index
    %swap3A_44 = vector.load %arg11[%swap3A, %swap3A_43] : memref<512x128xf32, #tpu.memory_space<vmem>>, vector<512x128xf32>
    tpu.vector_store %arg11[%swap3A, %swap3A_43], %slice3A {strides = array<i32>} : memref<512x128xf32, #tpu.memory_space<vmem>>, vector<512x128xf32>,
    %slice3A_45 = vector.extract_strided_slice %dot_general3A_42 {offsets = [0, 128], sizes = [512, 128], strides = [1, 1]} : vector<512x256xf32> to vector<512x128xf32>
    %swap3A_46 = arith.constant 0 : index
    %swap3A_47 = arith.constant 0 : index
    %swap3A_48 = vector.load %arg12[%swap3A_46, %swap3A_47] : memref<512x128xf32, #tpu.memory_space<vmem>>, vector<512x128xf32>
    tpu.vector_store %arg12[%swap3A_46, %swap3A_47], %slice3A_45 {strides = array<i32>} : memref<512x128xf32, #tpu.memory_space<vmem>>, vector<512x128xf32>,
    %get3A_49 = arith.constant 0 : index
    %get3A_50 = arith.constant 0 : index
    %get3A_51 = vector.load %arg10[%get3A_49, %get3A_50] : memref<512x256xf32, #tpu.memory_space<vmem>>, vector<512x256xf32>
    %dot_general3A_52 = arith.constant dense<0.000000e+00> : vector<512x256xf32>
    %dot_general3A_53 = tpu.matmul %tanh3A, %get3A_51, %dot_general3A_52 {dimension_numbers = #tpu.dot_dimension_numbers<[1], [0], [0], [1], [0, 0, 1, 1], [], []>, transpose_lhs_hint = false} : vector<512x512xf32>, vector<512x256xf32>, vector<512x256xf32> -> vector<512x256xf32>
    %swap3A_54 = arith.constant 0 : index
    %swap3A_55 = arith.constant 0 : index
    %swap3A_56 = vector.load %arg13[%swap3A_54, %swap3A_55] : memref<512x256xf32, #tpu.memory_space<vmem>>, vector<512x256xf32>
    tpu.vector_store %arg13[%swap3A_54, %swap3A_55], %dot_general3A_53 {strides = array<i32>} : memref<512x256xf32, #tpu.memory_space<vmem>>, vector<512x256xf32>,
    return
  }
  func.func @transform_0(%arg0: i32) -> (i32, i32) {
    %c0_i32 = arith.constant 0 : i32
    %c0_i32_0 = arith.constant 0 : i32
    return %arg0, %c0_i32 : i32, i32
  }
  func.func @transform_1(%arg0: i32) -> (i32, i32) {
    %c0_i32 = arith.constant 0 : i32
    %c0_i32_0 = arith.constant 0 : i32
    return %arg0, %c0_i32 : i32, i32
  }
  func.func @transform_2(%arg0: i32) -> (i32, i32) {
    %c0_i32 = arith.constant 0 : i32
    %c0_i32_0 = arith.constant 0 : i32
    return %arg0, %c0_i32 : i32, i32
  }
  func.func @transform_3(%arg0: i32) -> (i32, i32) {
    %c0_i32 = arith.constant 0 : i32
    %c0_i32_0 = arith.constant 0 : i32
    return %arg0, %c0_i32 : i32, i32
  }
  func.func @transform_4(%arg0: i32) -> (i32, i32) {
    %c0_i32 = arith.constant 0 : i32
    %c0_i32_0 = arith.constant 0 : i32
    %c0_i32_1 = arith.constant 0 : i32
    return %c0_i32, %c0_i32_0 : i32, i32
  }
  func.func @transform_5(%arg0: i32) -> (i32, i32) {
    %c0_i32 = arith.constant 0 : i32
    %c0_i32_0 = arith.constant 0 : i32
    %c0_i32_1 = arith.constant 0 : i32
    return %c0_i32, %c0_i32_0 : i32, i32
  }
  func.func @transform_6(%arg0: i32) -> (i32, i32) {
    %c0_i32 = arith.constant 0 : i32
    %c0_i32_0 = arith.constant 0 : i32
    %c0_i32_1 = arith.constant 0 : i32
    return %c0_i32, %c0_i32_0 : i32, i32
  }
  func.func @transform_7(%arg0: i32) -> (i32, i32) {
    %c0_i32 = arith.constant 0 : i32
    %c0_i32_0 = arith.constant 0 : i32
    %c0_i32_1 = arith.constant 0 : i32
    return %c0_i32, %c0_i32_0 : i32, i32
  }
  func.func @transform_8(%arg0: i32) -> (i32, i32) {
    %c0_i32 = arith.constant 0 : i32
    %c0_i32_0 = arith.constant 0 : i32
    %c0_i32_1 = arith.constant 0 : i32
    return %c0_i32, %c0_i32_0 : i32, i32
  }
  func.func @transform_9(%arg0: i32) -> (i32, i32) {
    %c0_i32 = arith.constant 0 : i32
    %c0_i32_0 = arith.constant 0 : i32
    %c0_i32_1 = arith.constant 0 : i32
    return %c0_i32, %c0_i32_0 : i32, i32
  }
  func.func @transform_10(%arg0: i32) -> (i32, i32) {
    %c0_i32 = arith.constant 0 : i32
    %c0_i32_0 = arith.constant 0 : i32
    return %arg0, %c0_i32 : i32, i32
  }
  func.func @transform_11(%arg0: i32) -> (i32, i32) {
    %c0_i32 = arith.constant 0 : i32
    %c0_i32_0 = arith.constant 0 : i32
    return %arg0, %c0_i32 : i32, i32
  }
  func.func @transform_12(%arg0: i32) -> (i32, i32) {
    %c0_i32 = arith.constant 0 : i32
    %c0_i32_0 = arith.constant 0 : i32
    return %arg0, %c0_i32 : i32, i32
  }
}

module attributes {stable_mosaic.version = 14 : i64} {
  func.func @body(%arg0: i32, %arg1: memref<512x128xf32, #tpu.memory_space<vmem>>, %arg2: memref<512x128xf32, #tpu.memory_space<vmem>>, %arg3: memref<512x1xf32, #tpu.memory_space<vmem>>, %arg4: memref<512x256xf32, #tpu.memory_space<vmem>>, %arg5: memref<1x256xf32, #tpu.memory_space<vmem>>, %arg6: memref<512x256xf32, #tpu.memory_space<vmem>>) attributes {dimension_semantics = [#tpu.dimension_semantics<arbitrary>], iteration_bounds = array<i64: 20>, scalar_prefetch = 0 : i64, scratch_operands = 0 : i64, tpu.core_type = #tpu.core_type<tc>, window_params = [{transform_indices = @transform_0, window_bounds = array<i64: 512, 128>}, {transform_indices = @transform_1, window_bounds = array<i64: 512, 128>}, {transform_indices = @transform_2, window_bounds = array<i64: 512, 1>}, {transform_indices = @transform_3, window_bounds = array<i64: 512, 256>}, {pipeline_mode = #tpu.pipeline_mode<synchronous>, transform_indices = @transform_4, window_bounds = array<i64: 1, 256>}, {transform_indices = @transform_5, window_bounds = array<i64: 512, 256>}]} {
    %get3A = arith.constant 0 : index
    %get3A_0 = arith.constant 0 : index
    %get3A_1 = vector.load %arg3[%get3A, %get3A_0] : memref<512x1xf32, #tpu.memory_space<vmem>>, vector<512x1xf32>
    %max3A = arith.constant 1.000000e+00 : f32
    %max3A_2 = vector.broadcast %max3A : f32 to vector<512x1xf32>
    %max3A_3 = arith.maximumf %get3A_1, %max3A_2 : vector<512x1xf32>
    %div3A = arith.constant 1.000000e+00 : f32
    %div3A_4 = vector.broadcast %div3A : f32 to vector<512x1xf32>
    %div3A_5 = arith.divf %div3A_4, %max3A_3 : vector<512x1xf32>
    %get3A_6 = arith.constant 0 : index
    %get3A_7 = arith.constant 0 : index
    %get3A_8 = vector.load %arg1[%get3A_6, %get3A_7] : memref<512x128xf32, #tpu.memory_space<vmem>>, vector<512x128xf32>
    %mul3A = vector.broadcast %div3A_5 : vector<512x1xf32> to vector<512x128xf32>
    %mul3A_9 = arith.mulf %get3A_8, %mul3A : vector<512x128xf32>
    %get3A_10 = arith.constant 0 : index
    %get3A_11 = arith.constant 0 : index
    %get3A_12 = vector.load %arg2[%get3A_10, %get3A_11] : memref<512x128xf32, #tpu.memory_space<vmem>>, vector<512x128xf32>
    %mul3A_13 = vector.broadcast %div3A_5 : vector<512x1xf32> to vector<512x128xf32>
    %mul3A_14 = arith.mulf %get3A_12, %mul3A_13 : vector<512x128xf32>
    %concatenate3A = tpu.concatenate %mul3A_9, %mul3A_14 in 1 : vector<512x128xf32>, vector<512x128xf32> -> vector<512x256xf32>
    %get3A_15 = arith.constant 0 : index
    %get3A_16 = arith.constant 0 : index
    %get3A_17 = vector.load %arg4[%get3A_15, %get3A_16] : memref<512x256xf32, #tpu.memory_space<vmem>>, vector<512x256xf32>
    %add3A = arith.addf %concatenate3A, %get3A_17 : vector<512x256xf32>
    %get3A_18 = arith.constant 0 : index
    %get3A_19 = arith.constant 0 : index
    %get3A_20 = vector.load %arg5[%get3A_18, %get3A_19] : memref<1x256xf32, #tpu.memory_space<vmem>>, vector<1x256xf32>
    %add3A_21 = vector.broadcast %get3A_20 : vector<1x256xf32> to vector<512x256xf32>
    %add3A_22 = arith.addf %add3A, %add3A_21 : vector<512x256xf32>
    %swap3A = arith.constant 0 : index
    %swap3A_23 = arith.constant 0 : index
    %swap3A_24 = vector.load %arg6[%swap3A, %swap3A_23] : memref<512x256xf32, #tpu.memory_space<vmem>>, vector<512x256xf32>
    tpu.vector_store %arg6[%swap3A, %swap3A_23], %add3A_22 {strides = array<i32>} : memref<512x256xf32, #tpu.memory_space<vmem>>, vector<512x256xf32>,
    return
  }
  func.func @transform_0(%arg0: i32) -> (i32, i32) {
    %c0_i32 = arith.constant 0 : i32
    %c0_i32_0 = arith.constant 0 : i32
    return %arg0, %c0_i32 : i32, i32
  }
  func.func @transform_1(%arg0: i32) -> (i32, i32) {
    %c0_i32 = arith.constant 0 : i32
    %c0_i32_0 = arith.constant 0 : i32
    return %arg0, %c0_i32 : i32, i32
  }
  func.func @transform_2(%arg0: i32) -> (i32, i32) {
    %c0_i32 = arith.constant 0 : i32
    %c0_i32_0 = arith.constant 0 : i32
    return %arg0, %c0_i32 : i32, i32
  }
  func.func @transform_3(%arg0: i32) -> (i32, i32) {
    %c0_i32 = arith.constant 0 : i32
    %c0_i32_0 = arith.constant 0 : i32
    return %arg0, %c0_i32 : i32, i32
  }
  func.func @transform_4(%arg0: i32) -> (i32, i32) {
    %c0_i32 = arith.constant 0 : i32
    %c0_i32_0 = arith.constant 0 : i32
    %c0_i32_1 = arith.constant 0 : i32
    return %c0_i32, %c0_i32_0 : i32, i32
  }
  func.func @transform_5(%arg0: i32) -> (i32, i32) {
    %c0_i32 = arith.constant 0 : i32
    %c0_i32_0 = arith.constant 0 : i32
    return %arg0, %c0_i32 : i32, i32
  }
}

</mosaic_0001>

<sc_bundles>
// kernel: kernel.10.cloned.1.call-start
scs
__scs_entry_jumppad:
0x0: {  	(pc) =	sbr.rel $0x88, $3  }
0x1: {  	(tag) =	ssettag $0x0;
	lr =	simm.s32 $0x1  }
0x2: {  	[smem:$0x3F99] =	sst lr;
	_ =	strace $0xD0000000  }
0x3: {  	_ = 	snop  }
0x4: {  	_ = 	snop  }
0x5: {  	_ = 	snop  }
0x6: {  	_ = 	snop  }
0x7: {  	_ = 	snop  }
__scs_overlays_trampoline_lowered:
0x8: {  	[smem:$0x3FA8] =	sst s0  }
0x9: {  	[smem:$0x3FA9] =	sst s1  }
0xa: {  	[smem:$0x3FAA] =	sst s2  }
0xb: {  	[smem:$0x3FAB] =	sst s3  }
0xc: {  	[smem:$0x3FAC] =	sst s4  }
0xd: {  	[smem:$0x3FAD] =	sst s5  }
0xe: {  	[smem:$0x3FAE] =	sst s6  }
0xf: {  	[smem:$0x3FAF] =	sst s7  }
0x10: {  	[smem:$0x3FB0] =	sst s8  }
0x11: {  	[smem:$0x3FB1] =	sst s9;
	s0 =	simm.s32 @!p0 $0x0  }
0x12: {  	s1 =	sld [smem:$0x3F97];
	s0 =	simm.s32 @p0 $0x1  }
0x13: {  	[smem:$0x3FB2] =	sst s0;
	s0 =	simm.s32 @!p1 $0x0  }
0x14: {  	s2 =	sld [smem:$0x3F96];
	s0 =	simm.s32 @p1 $0x1  }
0x15: {  	[smem:$0x3FB3] =	sst s0;
	s0 =	simm.s32 @!p2 $0x0  }
0x16: {  	s3 =	sld [smem:$0x3FDB];
	s0 =	simm.s32 @p2 $0x1  }
0x17: {  	s4 =	simm.s32 $0x1BF5;
	[smem:$0x3FB5] =	sst s0  }
0x18: {  	s0 =	sld [smem:$0x3F98];
	_ =	swait.ge [sflag:s4], $0x0  }
0x19: {  	s7 =	sld [smem:$0x3F99]  }
0x1a: {  	s8 =	sadd.s32 $0xFFFFE003, lr  }
0x1b: {  	s9 =	sadd.s32 $0xFFFFFEF7, lr;
	s5 =	simm.s32 $0xFFFFFFFF;
	p2 =	slt.u32 s8, $0xFFFFF086  }
0x1c: {  	p1 =	slt.u32 s9, $0xF7A;
	s5 =	simm.s32 @!p2 $0x0  }
0x1d: {  	s5 =	simm.s32 @p1 $0x1;
	p0 =	seq.s32 s7, s2  }
0x1e: {  	s7 =	smul.u32 @!p0 $0xF7A, s2;
	p2 =	seq.s32 @!p0 s5, $0x0  }
0x1f: {  	s9 =	smul.u32 $0xF7A, s1;
	s8 =	simm.s32 @!p0 $0x1BF5;
	p2 =	por !p2, p0  }
0x20: {  	[sflag:s8] =	ssyncset.s32 @!p0 $0xFFFFF086;
	s6 =	sadd.s32 @!p0 s3, s7;
	s7 =	simm.s32 @!p0 $0x108  }
0x21: {  	s3 =	sadd.s32 s3, s9;
	s6 =	sadd.s32 @!p0 $0x88, s6;
	s7 =	simm.s32 @p2 $0x1082  }
0x22: {  	[simem:s7], [sflag:s8] =	dma.local @!p0 [hbm:s6], $0xF7A  }
0x23: {  	s9 =	sor.u32 $0xD0000000, s2;
	s6 =	simm.s32 $0x108;
	_ =	swait.ge @!p0 [sflag:s8], $0x0  }
0x24: {  	s3 =	sadd.s32 $0x88, s3;
	s6 =	simm.s32 @!p1 $0x1082;
	[sflag:s4] =	ssyncset.s32 $0xFFFFF086  }
0x25: {  	[simem:s6], [sflag:s4] =	dma.local [hbm:s3], $0xF7A  }
0x26: {  	[smem:$0x3F99] =	sst s1;
	(tag) =	ssettag s2;
	_ =	strace s9  }
0x27: {  	s1 =	sld [smem:$0x3FA9]  }
0x28: {  	s2 =	sld [smem:$0x3FAA]  }
0x29: {  	s4 =	sld [smem:$0x3FAC]  }
0x2a: {  	p0 =	seq.s32 s5, $0x0;
	s5 =	sld [smem:$0x3FAD]  }
0x2b: {  	s6 =	sld [smem:$0x3FAE]  }
0x2c: {  	s7 =	sld [smem:$0x3FAF]  }
0x2d: {  	s3 =	simm.s32 $0x108;
	s8 =	sld [smem:$0x3FB0]  }
0x2e: {  	s3 =	simm.s32 @!p0 $0x1082;
	s9 =	sld [smem:$0x3FB1]  }
0x2f: {  	lr =	sadd.s32 s0, s3;
	s0 =	sld [smem:$0x3FA8]  }
0x30: {  	s3 =	sld [smem:$0x3FAB]  }
0x31: {  	[smem:$0x3FB4] =	sst s10  }
0x32: {  	s10 =	sld [smem:$0x3FB2];
	_ =	sdelay $0x3  }
0x33: {  	p0 =	seq.s32 s10, $0x1;
	s10 =	sld [smem:$0x3FB4];
	_ =	sdelay $0x3  }
0x34: {  	[smem:$0x3FB4] =	sst s10  }
0x35: {  	s10 =	sld [smem:$0x3FB3];
	_ =	sdelay $0x3  }
0x36: {  	p1 =	seq.s32 s10, $0x1;
	s10 =	sld [smem:$0x3FB4];
	_ =	sdelay $0x3  }
0x37: {  	[smem:$0x3FB4] =	sst s10  }
0x38: {  	s10 =	sld [smem:$0x3FB5]  }
0x39: {  	_ = 	snop;
	(pc) =	sbr.ind lr, $3  }
0x3a: {  	_ = 	snop  }
0x3b: {  	_ = 	snop  }
0x3c: {  	p2 =	seq.s32 s10, $0x1;
	s10 =	sld [smem:$0x3FB4]  }
0x3d: {  	_ =	shalt  }
0x3e: {  	_ =	shalt  }
0x3f: {  	_ =	shalt  }
0x40: {  	_ =	shalt  }
0x41: {  	_ =	shalt  }
0x42: {  	_ =	shalt  }
0x43: {  	_ =	shalt  }
0x44: {  	_ =	shalt  }
0x45: {  	_ =	shalt  }
0x46: {  	_ =	shalt  }
0x47: {  	_ =	shalt  }
0x48: {  	_ =	shalt  }
0x49: {  	_ =	shalt  }
0x4a: {  	_ =	shalt  }
0x4b: {  	_ =	shalt  }
0x4c: {  	_ =	shalt  }
0x4d: {  	_ =	shalt  }
0x4e: {  	_ =	shalt  }
0x4f: {  	_ =	shalt  }
0x50: {  	_ =	shalt  }
0x51: {  	_ =	shalt  }
0x52: {  	_ =	shalt  }
0x53: {  	_ =	shalt  }
0x54: {  	_ =	shalt  }
0x55: {  	_ =	shalt  }
0x56: {  	_ =	shalt  }
0x57: {  	_ =	shalt  }
0x58: {  	_ =	shalt  }
0x59: {  	_ =	shalt  }
0x5a: {  	_ =	shalt  }
0x5b: {  	_ =	shalt  }
0x5c: {  	_ =	shalt  }
0x5d: {  	_ =	shalt  }
0x5e: {  	_ =	shalt  }
0x5f: {  	_ =	shalt  }
0x60: {  	_ =	shalt  }
0x61: {  	_ =	shalt  }
0x62: {  	_ =	shalt  }
0x63: {  	_ =	shalt  }
0x64: {  	_ =	shalt  }
0x65: {  	_ =	shalt  }
0x66: {  	_ =	shalt  }
0x67: {  	_ =	shalt  }
0x68: {  	_ =	shalt  }
0x69: {  	_ =	shalt  }
0x6a: {  	_ =	shalt  }
0x6b: {  	_ =	shalt  }
0x6c: {  	_ =	shalt  }
0x6d: {  	_ =	shalt  }
0x6e: {  	_ =	shalt  }
0x6f: {  	_ =	shalt  }
0x70: {  	_ =	shalt  }
0x71: {  	_ =	shalt  }
0x72: {  	_ =	shalt  }
0x73: {  	_ =	shalt  }
0x74: {  	_ =	shalt  }
0x75: {  	_ =	shalt  }
0x76: {  	_ =	shalt  }
0x77: {  	_ =	shalt  }
0x78: {  	_ =	shalt  }
0x79: {  	_ =	shalt  }
0x7a: {  	_ =	shalt  }
0x7b: {  	_ =	shalt  }
0x7c: {  	_ =	shalt  }
0x7d: {  	_ =	shalt  }
0x7e: {  	_ =	shalt  }
0x7f: {  	_ =	shalt  }
0x80: {  	_ =	shalt  }
0x81: {  	_ =	shalt  }
0x82: {  	_ =	shalt  }
0x83: {  	_ =	shalt  }
0x84: {  	_ =	shalt  }
0x85: {  	_ =	shalt  }
0x86: {  	_ =	shalt  }
0x87: {  	_ =	shalt  }
.Lfunc_end0:
.L_simem_size_0:
called_computation_lowered:
.L_overlay_start_0:
0x88: {  	s2 =	sld [smem:$0x3FD9]  }
0x89: {  	s3 =	sld [smem:$0x3FFE];
	_ =	sdelay $0x1  }
0x8a: {  	s1 =	srdreg.scid  }
0x8b: {  	s0 =	sand.u32 $0x1, s1  }
0x8c: {  	s17 =	sshll.u32 s0, $0xA;
	s2 =	sadd.s32 s3, s2  }
0x8d: {  	s2 =	sadd.s32 s2, s17  }
0x8e: {  	[smem:$0x3FC0] =	sst s2  }
0x8f: {  	_ = 	snop  }
0x90: {  	(tm) =	ssettm $0x1  }
0x91: {  	s18 =	sld [smem:$0x3FFB];
	_ =	sdelay $0x3  }
0x92: {  	_ =	strace s18  }
0x93: {  	s2 =	sld [smem:$0x3FFC];
	_ =	sdelay $0x3  }
0x94: {  	_ =	strace s2  }
0x95: {  	s2 =	sld [smem:$0x3FFD];
	_ =	sdelay $0x3  }
0x96: {  	_ =	strace s2  }
0x97: {  	_ =	strace $0x8FFFFFFF  }
0x98: {  	s19 =	sld [smem:$0x3FDB];
	_ =	sdelay $0x1  }
0x99: {  	s20 =	simm.s32 $_scs_section_size  }
0x9a: {  	s4 =	simm.s32 $_size__tile_overlayer_lowered;
	s5 =	simm.s32 $_tile_overlayer_lowered  }
0x9b: {  	s6 =	simm.s32 $0x1BFF;
	s21 =	sshll.u32 s5, $0x1;
	s3 =	sadd.s32 s20, s19  }
0x9c: {  	s22 =	simm.s32 $0x0;
	s4 =	sshll.u32 s4, $0x1;
	s5 =	sadd.s32 s21, s3  }
0x9d: {  	[timem:s22], [sflag:s6] =	dma.local [hbm:s5], s4  }
0x9e: {  	_ =	swait.ge [sflag:s6], s4  }
0x9f: {  	s4 =	ssub.s32 $0x0, s4;
	[sflag:s6] =	ssyncset.done $0x0  }
0xa0: {  	[sflag:s6] =	ssyncadd.s32 s4;
	_ =	sdelay $0x1  }
0xa1: {  	s23 =	simm.s32 $0x1B8B  }
0xa2: {  	_ =	swait.ge [sflag:s23], $0x1  }
0xa3: {  	[sflag:s23] =	ssyncset.done $0x0  }
0xa4: {  	[sflag:s23] =	ssyncadd.s32 $0xFFFFFFFF  }
0xa5: {  	s4 =	sld [smem:$0x0]  }
0xa6: {  	s5 =	sand.u32 $0xFFFFFFFE, s1  }
0xa7: {  	p0 =	sne.s32 s1, s5  }
0xa8: {  	s5 =	sshll.u32 @p0 s5, $0xE  }
0xa9: {  	s5 =	sadd.s32 @p0 $0x11B8D, s5;
	s6 =	sshll.u32 @p0 s4, $0x11  }
0xaa: {  	s5 =	sor.u32 @p0 s6, s5  }
0xab: {  	[sflag:s5] =	ssyncadd.remote.s32 @p0 $0x1;
	_ =	sdelay $0x1  }
0xac: {  	s5 =	simm.s32 @p0 $0x1B8D  }
0xad: {  	_ =	swait.eq @p0 [sflag:s5], $0x1  }
0xae: {  	[sflag:s5] =	ssyncadd.s32 @p0 $0xFFFFFFFF  }
0xaf: {  	s6 =	sshll.u32 @!p0 s1, $0xE  }
0xb0: {  	s6 =	sor.u32 @!p0 $0x4000, s6;
	s5 =	simm.s32 @!p0 $0x1B8D  }
0xb1: {  	s4 =	sshll.u32 @!p0 s4, $0x11;
	s6 =	sadd.s32 @!p0 $0x11B8D, s6;
	_ =	swait.eq @!p0 [sflag:s5], $0x1  }
0xb2: {  	s4 =	sor.u32 @!p0 s4, s6;
	[sflag:s5] =	ssyncadd.s32 @!p0 $0xFFFFFFFF  }
0xb3: {  	s25 =	simm.s32 $0x1B8E;
	s24 =	sld [smem:$0x3FFE];
	[sflag:s4] =	ssyncadd.remote.s32 @!p0 $0x1  }
0xb4: {  	s26 =	simm.s32 $execute0_lowered;
	[smem:$0x3FD2] =	sst s25  }
0xb5: {  	s5 =	sshll.u32 s26, $0x1;
	_ =	strace $0x80000049;
	[dreg:$0x1] =	wrdreg $0xFFFFFFFF  }
0xb6: {  	s28 =	simm.s32 $_size_execute0_lowered;
	s3 =	sadd.s32 s3, s5;
	[dreg:$0x0] =	wrdreg $0x0  }
0xb7: {  	s5 =	sshll.u32 s28, $0x1;
	[dreg:$0x2] =	wrdreg s3  }
0xb8: {  	[dreg:$0x3] =	wrdreg s5  }
0xb9: {  	[dreg:$0x4] =	wrdreg $0xC0  }
0xba: {  	_ =	task [dreg:s22], $0x5FFFF  }
0xbb: {  	[dreg:$0x1] =	wrdreg $0xFFFFFFFF  }
0xbc: {  	[dreg:$0x0] =	wrdreg $0x60  }
0xbd: {  	[dreg:$0x2] =	wrdreg s24  }
0xbe: {  	[dreg:$0x3] =	wrdreg $0x54000  }
0xbf: {  	[dreg:$0x4] =	wrdreg $0x9  }
0xc0: {  	_ =	task.clear_ibuf [dreg:s22], $0x5FFFF;
	_ =	strace $0x90000049  }
0xc1: {  	s29 =	simm.s32 $0x9;
	_ =	strace $0x8000004B  }
0xc2: {  	_ =	swait.ge [sflag:s29], $0x1  }
0xc3: {  	[sflag:s29] =	ssyncadd.s32 $0xFFFFFFFF  }
0xc4: {  	_ =	strace $0x9000004B  }
0xc5: {  	_ =	sfence  }
0xc6: {  	s30 =	sld [smem:$0x0];
	_ =	sdelay $0x2  }
0xc7: {  	s31 =	sshll.u32 s1, $0xD;
	s1 =	sshrl.u32 s1, $0x2  }
0xc8: {  	s4 =	sand.u32 $0x4000, s31;
	s1 =	sadd.s32 s1, s30  }
0xc9: {  	s0 =	sor.u32 s4, s0;
	s1 =	sshll.u32 s1, $0x11  }
0xca: {  	s0 =	sor.u32 s1, s0  }
0xcb: {  	s0 =	sadd.s32 $0x8F2B, s0  }
0xcc: {  	[sflag:s0] =	ssyncadd.remote.s32 $0x1  }
0xcd: {  	_ =	sfence.sel $0xFFFF  }
0xce: {  	[dreg:$0x0] =	wrdreg $0xFFFFFFFF;
	(pc) =	sbr.abs _section_cstart, $3  }
0xcf: {  	[dreg:$0x1] =	wrdreg $0xFFFFFFFF  }
0xd0: {  	_ =	task.clear_ibuf [dreg:s22], $0x2FFFF;
	_ =	strace $0x9FFFFFFF  }
0xd1: {  	(tm) =	ssettm $0x7FFFFFFF  }
tec
execute0_lowered:
.L_overlay_start_1:
0x0: {  	(tag) =	ssettag $0x1  }
0x1: {  	s1 =	srdreg.scid;
	s6 =	rddreg [dreg:$0x0]  }
0x2: {  	s0 =	stileid.u32;
	s2 =	rddreg [dreg:$0x1]  }
0x3: {  	s3 =	simm.s32 $0x0;
	s12 =	simm.s32 $0x1400;
	s4 =	smul.u32 $0x2800, s0  }
0x4: {  	s13 =	simm.s32 $0x80;
	s14 =	simm.s32 $0x0;
	s8 =	smul.u32 $0xA400, s0  }
0x5: {  	s7 =	sand.u32 $0x1, s1;
	s1 =	rddreg [dreg:$0x2];
	s10 =	smul.u32 $0x29000, s0  }
0x6: {  	[smem:$0x7FF] =	sst s3;
	s31 =	sshll.u32 s0, $0x6;
	s5 =	smul.u32 $0x1400, s7  }
0x7: {  	s29 =	smul.u32 $0xA4000, s7;
	_ =	strace $0x8000004A;
	s7 =	ssub.s32 $0x2, s7  }
0x8: {  	s30 =	sshrl.u32 s7, $0x1;
	s10 =	sshrl.u32 s10, $0x2;
	s4 =	sadd.s32 s5, s4  }
0x9: {  	s8 =	sadd.s32 s8, s29;
	s5 =	sadd.s32 $0xE400, s6;
	s11 =	ssub.s32 s7, s30  }
0xa: {  	s10 =	sadd.s32 s10, s2;
	s4 =	sshrl.u32 s4, $0x3;
	s8 =	sshrl.u32 s8, $0x3  }
0xb: {  	s10 =	sshrl.u32 s10, $0x3;
	s9 =	sadd.s32 s4, s6;
	s4 =	sadd.s32 $0xDC00, s6  }
0xc: {  	s8 =	sadd.s32 s8, s6;
	s6 =	sor.u32 $0x1C01, s31;
	s7 =	sadd.s32 $0x8C00, s9  }
0xd: {  	s8 =	sadd.s32 $0x38A00, s8;
	s9 =	smax.u32 s11, $0x1;
	s11 =	simm.s32 $0x1  }
.LBB2_1:
0xe: {  	[spmem:s10], [sflag:s6] =	dma.local [hbm:s5], $0x1480  }
0xf: {  	_ =	swait.ge [sflag:s11], $0x1480  }
0x10: {  	[sflag:s11] =	ssyncset.done $0x0  }
0x11: {  	[sflag:s11] =	ssyncadd.s32 $0xFFFFEB80  }
0x12: {  	[tilespmem:s3], [sflag:$0x1] =	stream.linear.gather [hbm4b:s7+s3], $0x1400, $0x38;
	[tilespmem:$0xF800] =	vst v63  }
0x13: {  	_ =	swait.ge [sflag:s11], $0x1400  }
0x14: {  	[sflag:s11] =	ssyncset.done $0x0  }
0x15: {  	[sflag:s11] =	ssyncadd.s32 $0xFFFFEC00  }
0x16: {  	[tilespmem:s12], [sflag:$0x1] =	stream.linear.gather [hbm4b:s4+s3], $0x4000, $0x38;
	[tilespmem:$0xF800] =	vst v63  }
0x17: {  	_ =	swait.ge [sflag:s11], $0x4000  }
0x18: {  	[sflag:s11] =	ssyncset.done $0x0  }
0x19: {  	[sflag:s11] =	ssyncadd.s32 $0xFFFFC000  }
0x1a: {  	s15 =	simm.s32 $0x0;
	[bflag:$0x0] =	sbarrier.arrive $0xFFFF  }
0x1b: {  	[spmem:s2] =	stream.indirect.scatter.add.f32 [tilespmem:s12], [sflag:$0x1], $0x80, s15, s13, $0xb8;
	[tilespmem:$0xF800] =	vst v63  }
0x1c: {  	_ =	swait.ge [sflag:s11], $0x4000  }
0x1d: {  	s15 =	simm.s32 $0x200;
	[sflag:s11] =	ssyncset.done $0x0  }
.LBB2_2:
0x1e: {  	s16 =	sshra.s32 s15, $0x2;
	[sflag:s11] =	ssyncadd.s32 $0xFFFFC000;
	p0 =	sne.s32 s15, $0x4E00  }
0x1f: {  	[spmem:s2] =	stream.indirect.scatter.add.f32 [tilespmem:s12], [sflag:$0x1], $0x80, s16, s13, $0xb8;
	[tilespmem:$0xF800] =	vst v63  }
.Ltmp0:
0x20: {  	_ = 	snop;
	(pc) =	sbr.rel @p0 .LBB2_2-.Ltmp0, $4  }
0x21: {  	_ = 	snop  }
0x22: {  	s15 =	sadd.s32 $0x200, s15  }
0x23: {  	_ =	swait.ge [sflag:s11], $0x4000  }
0x24: {  	[sflag:s11] =	ssyncset.done $0x0  }
0x25: {  	s14 =	sadd.s32 $0x1, s14  }
0x26: {  	[sflag:s11] =	ssyncadd.s32 $0xFFFFC000;
	p0 =	sne.s32 s14, s9  }
.Ltmp1:
0x27: {  	[bflag:$0x0] =	sbarrier.arrive $0xFFFF;
	(pc) =	sbr.rel @p0 .LBB2_1-.Ltmp1, $4  }
0x28: {  	[hbm:s8], [sflag:s6] =	dma.local [spmem:s10], $0x1480  }
0x29: {  	_ =	swait.ge [sflag:s11], $0x1480  }
0x2a: {  	[sflag:s11] =	ssyncset.done $0x0  }
0x2b: {  	[sflag:s11] =	ssyncadd.s32 $0xFFFFEB80  }
0x2c: {  	_ =	sfence.sel $0x180000  }
0x2d: {  	[bflag:$0x0] =	sbarrier.arrive $0xFFFF  }
0x2e: {  	p0 =	sne.s32 s0, $0x0;
	_ =	strace $0x9000004A  }
0x2f: {  	s0 =	sadd.s32 @!p0 $0x100000, s1;
	[bflag:$0x2] =	sbarrier.arrive $0xFFFF  }
0x30: {  	[sflag:s0] =	ssyncadd.tile.s32 @!p0 $0x1;
	_ =	shalt  }
.Lfunc_end2:
_tile_overlayer_lowered:
.L_overlay_start_2:
0x31: {  	(tag) =	ssettag $0x2  }
0x32: {  	s0 =	rddreg [dreg:$0x0];
	s2 =	stileid.u32  }
0x33: {  	s1 =	rddreg [dreg:$0x1];
	p0 =	sne.s32 s2, $0x0  }
0x34: {  	s3 =	rddreg [dreg:$0x2];
	[bflag:$0x3] =	sbarrier.arrive $0xFFFF;
	s2 =	simm.s32 @!p0 $0x1C01  }
0x35: {  	[timem:s3], [sflag:s2] =	dma.local @!p0 [hbm:s0], s1  }
0x36: {  	s0 =	simm.s32 @!p0 $0x1  }
0x37: {  	_ =	swait.ge @!p0 [sflag:s0], s1  }
0x38: {  	s1 =	ssub.s32 @!p0 $0x0, s1;
	[sflag:s0] =	ssyncset.done @!p0 $0x0  }
0x39: {  	[sflag:s0] =	ssyncadd.s32 @!p0 s1  }
0x3a: {  	[bflag:$0x3] =	sbarrier.arrive $0xFFFF  }
0x3b: {  	_ =	shalt  }

// kernel: kernel.13.cloned.1.call-start
scs
__scs_entry_jumppad:
0x0: {  	(pc) =	sbr.rel $0x88, $3  }
0x1: {  	(tag) =	ssettag $0x0;
	lr =	simm.s32 $0x1  }
0x2: {  	[smem:$0x3F99] =	sst lr;
	_ =	strace $0xD0000000  }
0x3: {  	_ = 	snop  }
0x4: {  	_ = 	snop  }
0x5: {  	_ = 	snop  }
0x6: {  	_ = 	snop  }
0x7: {  	_ = 	snop  }
__scs_overlays_trampoline_lowered:
0x8: {  	[smem:$0x3FA8] =	sst s0  }
0x9: {  	[smem:$0x3FA9] =	sst s1  }
0xa: {  	[smem:$0x3FAA] =	sst s2  }
0xb: {  	[smem:$0x3FAB] =	sst s3  }
0xc: {  	[smem:$0x3FAC] =	sst s4  }
0xd: {  	[smem:$0x3FAD] =	sst s5  }
0xe: {  	[smem:$0x3FAE] =	sst s6  }
0xf: {  	[smem:$0x3FAF] =	sst s7  }
0x10: {  	[smem:$0x3FB0] =	sst s8  }
0x11: {  	[smem:$0x3FB1] =	sst s9;
	s0 =	simm.s32 @!p0 $0x0  }
0x12: {  	s1 =	sld [smem:$0x3F97];
	s0 =	simm.s32 @p0 $0x1  }
0x13: {  	[smem:$0x3FB2] =	sst s0;
	s0 =	simm.s32 @!p1 $0x0  }
0x14: {  	s2 =	sld [smem:$0x3F96];
	s0 =	simm.s32 @p1 $0x1  }
0x15: {  	[smem:$0x3FB3] =	sst s0;
	s0 =	simm.s32 @!p2 $0x0  }
0x16: {  	s3 =	sld [smem:$0x3FDB];
	s0 =	simm.s32 @p2 $0x1  }
0x17: {  	s4 =	simm.s32 $0x1BF5;
	[smem:$0x3FB5] =	sst s0  }
0x18: {  	s0 =	sld [smem:$0x3F98];
	_ =	swait.ge [sflag:s4], $0x0  }
0x19: {  	s7 =	sld [smem:$0x3F99]  }
0x1a: {  	s8 =	sadd.s32 $0xFFFFE003, lr  }
0x1b: {  	s9 =	sadd.s32 $0xFFFFFEF7, lr;
	s5 =	simm.s32 $0xFFFFFFFF;
	p2 =	slt.u32 s8, $0xFFFFF086  }
0x1c: {  	p1 =	slt.u32 s9, $0xF7A;
	s5 =	simm.s32 @!p2 $0x0  }
0x1d: {  	s5 =	simm.s32 @p1 $0x1;
	p0 =	seq.s32 s7, s2  }
0x1e: {  	s7 =	smul.u32 @!p0 $0xF7A, s2;
	p2 =	seq.s32 @!p0 s5, $0x0  }
0x1f: {  	s9 =	smul.u32 $0xF7A, s1;
	s8 =	simm.s32 @!p0 $0x1BF5;
	p2 =	por !p2, p0  }
0x20: {  	[sflag:s8] =	ssyncset.s32 @!p0 $0xFFFFF086;
	s6 =	sadd.s32 @!p0 s3, s7;
	s7 =	simm.s32 @!p0 $0x108  }
0x21: {  	s3 =	sadd.s32 s3, s9;
	s6 =	sadd.s32 @!p0 $0x88, s6;
	s7 =	simm.s32 @p2 $0x1082  }
0x22: {  	[simem:s7], [sflag:s8] =	dma.local @!p0 [hbm:s6], $0xF7A  }
0x23: {  	s9 =	sor.u32 $0xD0000000, s2;
	s6 =	simm.s32 $0x108;
	_ =	swait.ge @!p0 [sflag:s8], $0x0  }
0x24: {  	s3 =	sadd.s32 $0x88, s3;
	s6 =	simm.s32 @!p1 $0x1082;
	[sflag:s4] =	ssyncset.s32 $0xFFFFF086  }
0x25: {  	[simem:s6], [sflag:s4] =	dma.local [hbm:s3], $0xF7A  }
0x26: {  	[smem:$0x3F99] =	sst s1;
	(tag) =	ssettag s2;
	_ =	strace s9  }
0x27: {  	s1 =	sld [smem:$0x3FA9]  }
0x28: {  	s2 =	sld [smem:$0x3FAA]  }
0x29: {  	s4 =	sld [smem:$0x3FAC]  }
0x2a: {  	p0 =	seq.s32 s5, $0x0;
	s5 =	sld [smem:$0x3FAD]  }
0x2b: {  	s6 =	sld [smem:$0x3FAE]  }
0x2c: {  	s7 =	sld [smem:$0x3FAF]  }
0x2d: {  	s3 =	simm.s32 $0x108;
	s8 =	sld [smem:$0x3FB0]  }
0x2e: {  	s3 =	simm.s32 @!p0 $0x1082;
	s9 =	sld [smem:$0x3FB1]  }
0x2f: {  	lr =	sadd.s32 s0, s3;
	s0 =	sld [smem:$0x3FA8]  }
0x30: {  	s3 =	sld [smem:$0x3FAB]  }
0x31: {  	[smem:$0x3FB4] =	sst s10  }
0x32: {  	s10 =	sld [smem:$0x3FB2];
	_ =	sdelay $0x3  }
0x33: {  	p0 =	seq.s32 s10, $0x1;
	s10 =	sld [smem:$0x3FB4];
	_ =	sdelay $0x3  }
0x34: {  	[smem:$0x3FB4] =	sst s10  }
0x35: {  	s10 =	sld [smem:$0x3FB3];
	_ =	sdelay $0x3  }
0x36: {  	p1 =	seq.s32 s10, $0x1;
	s10 =	sld [smem:$0x3FB4];
	_ =	sdelay $0x3  }
0x37: {  	[smem:$0x3FB4] =	sst s10  }
0x38: {  	s10 =	sld [smem:$0x3FB5]  }
0x39: {  	_ = 	snop;
	(pc) =	sbr.ind lr, $3  }
0x3a: {  	_ = 	snop  }
0x3b: {  	_ = 	snop  }
0x3c: {  	p2 =	seq.s32 s10, $0x1;
	s10 =	sld [smem:$0x3FB4]  }
0x3d: {  	_ =	shalt  }
0x3e: {  	_ =	shalt  }
0x3f: {  	_ =	shalt  }
0x40: {  	_ =	shalt  }
0x41: {  	_ =	shalt  }
0x42: {  	_ =	shalt  }
0x43: {  	_ =	shalt  }
0x44: {  	_ =	shalt  }
0x45: {  	_ =	shalt  }
0x46: {  	_ =	shalt  }
0x47: {  	_ =	shalt  }
0x48: {  	_ =	shalt  }
0x49: {  	_ =	shalt  }
0x4a: {  	_ =	shalt  }
0x4b: {  	_ =	shalt  }
0x4c: {  	_ =	shalt  }
0x4d: {  	_ =	shalt  }
0x4e: {  	_ =	shalt  }
0x4f: {  	_ =	shalt  }
0x50: {  	_ =	shalt  }
0x51: {  	_ =	shalt  }
0x52: {  	_ =	shalt  }
0x53: {  	_ =	shalt  }
0x54: {  	_ =	shalt  }
0x55: {  	_ =	shalt  }
0x56: {  	_ =	shalt  }
0x57: {  	_ =	shalt  }
0x58: {  	_ =	shalt  }
0x59: {  	_ =	shalt  }
0x5a: {  	_ =	shalt  }
0x5b: {  	_ =	shalt  }
0x5c: {  	_ =	shalt  }
0x5d: {  	_ =	shalt  }
0x5e: {  	_ =	shalt  }
0x5f: {  	_ =	shalt  }
0x60: {  	_ =	shalt  }
0x61: {  	_ =	shalt  }
0x62: {  	_ =	shalt  }
0x63: {  	_ =	shalt  }
0x64: {  	_ =	shalt  }
0x65: {  	_ =	shalt  }
0x66: {  	_ =	shalt  }
0x67: {  	_ =	shalt  }
0x68: {  	_ =	shalt  }
0x69: {  	_ =	shalt  }
0x6a: {  	_ =	shalt  }
0x6b: {  	_ =	shalt  }
0x6c: {  	_ =	shalt  }
0x6d: {  	_ =	shalt  }
0x6e: {  	_ =	shalt  }
0x6f: {  	_ =	shalt  }
0x70: {  	_ =	shalt  }
0x71: {  	_ =	shalt  }
0x72: {  	_ =	shalt  }
0x73: {  	_ =	shalt  }
0x74: {  	_ =	shalt  }
0x75: {  	_ =	shalt  }
0x76: {  	_ =	shalt  }
0x77: {  	_ =	shalt  }
0x78: {  	_ =	shalt  }
0x79: {  	_ =	shalt  }
0x7a: {  	_ =	shalt  }
0x7b: {  	_ =	shalt  }
0x7c: {  	_ =	shalt  }
0x7d: {  	_ =	shalt  }
0x7e: {  	_ =	shalt  }
0x7f: {  	_ =	shalt  }
0x80: {  	_ =	shalt  }
0x81: {  	_ =	shalt  }
0x82: {  	_ =	shalt  }
0x83: {  	_ =	shalt  }
0x84: {  	_ =	shalt  }
0x85: {  	_ =	shalt  }
0x86: {  	_ =	shalt  }
0x87: {  	_ =	shalt  }
.Lfunc_end0:
.L_simem_size_0:
called_computation.1_lowered:
.L_overlay_start_0:
0x88: {  	s2 =	sld [smem:$0x3FD9]  }
0x89: {  	s3 =	sld [smem:$0x3FFE];
	_ =	sdelay $0x1  }
0x8a: {  	s1 =	srdreg.scid  }
0x8b: {  	s0 =	sand.u32 $0x1, s1  }
0x8c: {  	s16 =	sshll.u32 s0, $0xA;
	s2 =	sadd.s32 s3, s2  }
0x8d: {  	s2 =	sadd.s32 s2, s16  }
0x8e: {  	[smem:$0x3FC0] =	sst s2  }
0x8f: {  	_ = 	snop  }
0x90: {  	(tm) =	ssettm $0x1  }
0x91: {  	s17 =	sld [smem:$0x3FFB];
	_ =	sdelay $0x3  }
0x92: {  	_ =	strace s17  }
0x93: {  	s2 =	sld [smem:$0x3FFC];
	_ =	sdelay $0x3  }
0x94: {  	_ =	strace s2  }
0x95: {  	s2 =	sld [smem:$0x3FFD];
	_ =	sdelay $0x3  }
0x96: {  	_ =	strace s2  }
0x97: {  	_ =	strace $0x8FFFFFFF  }
0x98: {  	s18 =	sld [smem:$0x3FDB];
	_ =	sdelay $0x1  }
0x99: {  	s19 =	simm.s32 $_scs_section_size  }
0x9a: {  	s4 =	simm.s32 $_size__tile_overlayer_lowered;
	s5 =	simm.s32 $_tile_overlayer_lowered  }
0x9b: {  	s22 =	simm.s32 $0x1BFF;
	s21 =	sshll.u32 s5, $0x1;
	s2 =	sadd.s32 s19, s18  }
0x9c: {  	s6 =	simm.s32 $0x0;
	s20 =	sshll.u32 s4, $0x1;
	s4 =	sadd.s32 s21, s2  }
0x9d: {  	[timem:s6], [sflag:s22] =	dma.local [hbm:s4], s20  }
0x9e: {  	_ =	swait.ge [sflag:s22], s20  }
0x9f: {  	s3 =	ssub.s32 $0x0, s20;
	[sflag:s22] =	ssyncset.done $0x0  }
0xa0: {  	[sflag:s22] =	ssyncadd.s32 s3;
	_ =	sdelay $0x1  }
0xa1: {  	s23 =	simm.s32 $0x1B8B  }
0xa2: {  	_ =	swait.ge [sflag:s23], $0x1  }
0xa3: {  	[sflag:s23] =	ssyncset.done $0x0  }
0xa4: {  	s25 =	simm.s32 $0x1B8E;
	s24 =	sld [smem:$0x3FFE];
	[sflag:s23] =	ssyncadd.s32 $0xFFFFFFFF  }
0xa5: {  	s26 =	simm.s32 $execute0_lowered;
	[smem:$0x3FD2] =	sst s25  }
0xa6: {  	s4 =	sshll.u32 s26, $0x1;
	_ =	strace $0x80000046;
	[dreg:$0x1] =	wrdreg $0xFFFFFFFF  }
0xa7: {  	s28 =	simm.s32 $_size_execute0_lowered;
	s2 =	sadd.s32 s2, s4;
	[dreg:$0x0] =	wrdreg $0x0  }
0xa8: {  	s4 =	sshll.u32 s28, $0x1;
	[dreg:$0x2] =	wrdreg s2  }
0xa9: {  	[dreg:$0x3] =	wrdreg s4  }
0xaa: {  	[dreg:$0x4] =	wrdreg $0xC0  }
0xab: {  	_ =	task [dreg:s6], $0x5FFFF  }
0xac: {  	[dreg:$0x1] =	wrdreg $0xFFFFFFFF  }
0xad: {  	[dreg:$0x0] =	wrdreg $0x60  }
0xae: {  	[dreg:$0x2] =	wrdreg s24  }
0xaf: {  	[dreg:$0x3] =	wrdreg $0x54000  }
0xb0: {  	[dreg:$0x4] =	wrdreg $0xA  }
0xb1: {  	_ =	task.clear_ibuf [dreg:s6], $0x5FFFF;
	_ =	strace $0x90000046  }
0xb2: {  	s29 =	simm.s32 $0xA;
	_ =	strace $0x80000048  }
0xb3: {  	_ =	swait.ge [sflag:s29], $0x1  }
0xb4: {  	[sflag:s29] =	ssyncadd.s32 $0xFFFFFFFF  }
0xb5: {  	_ =	strace $0x90000048  }
0xb6: {  	_ =	sfence  }
0xb7: {  	s30 =	sld [smem:$0x0];
	_ =	sdelay $0x2  }
0xb8: {  	s31 =	sshll.u32 s1, $0xD;
	s1 =	sshrl.u32 s1, $0x2  }
0xb9: {  	s3 =	sand.u32 $0x4000, s31;
	s1 =	sadd.s32 s1, s30  }
0xba: {  	s0 =	sor.u32 s3, s0;
	s1 =	sshll.u32 s1, $0x11  }
0xbb: {  	s0 =	sor.u32 s1, s0  }
0xbc: {  	s0 =	sadd.s32 $0x8F2B, s0  }
0xbd: {  	[sflag:s0] =	ssyncadd.remote.s32 $0x1  }
0xbe: {  	_ =	sfence.sel $0xFFFF  }
0xbf: {  	[dreg:$0x0] =	wrdreg $0xFFFFFFFF;
	(pc) =	sbr.abs _section_cstart, $3  }
0xc0: {  	[dreg:$0x1] =	wrdreg $0xFFFFFFFF  }
0xc1: {  	_ =	task.clear_ibuf [dreg:s6], $0x2FFFF;
	_ =	strace $0x9FFFFFFF  }
0xc2: {  	(tm) =	ssettm $0x7FFFFFFF  }
0xc3: {  	_ =	shalt  }
tec
execute0_lowered:
.L_overlay_start_1:
0x0: {  	(tag) =	ssettag $0x1  }
0x1: {  	s1 =	srdreg.scid;
	s6 =	rddreg [dreg:$0x0]  }
0x2: {  	s0 =	stileid.u32;
	s2 =	rddreg [dreg:$0x1]  }
0x3: {  	s3 =	simm.s32 $0x0;
	s12 =	simm.s32 $0x1400;
	s4 =	smul.u32 $0x2800, s0  }
0x4: {  	s13 =	simm.s32 $0x80;
	s14 =	simm.s32 $0x0;
	s8 =	smul.u32 $0xA400, s0  }
0x5: {  	s7 =	sand.u32 $0x1, s1;
	s1 =	rddreg [dreg:$0x2];
	s10 =	smul.u32 $0x29000, s0  }
0x6: {  	[smem:$0x7FF] =	sst s3;
	s31 =	sshll.u32 s0, $0x6;
	s5 =	smul.u32 $0x1400, s7  }
0x7: {  	s29 =	smul.u32 $0xA4000, s7;
	_ =	strace $0x80000047;
	s7 =	ssub.s32 $0x2, s7  }
0x8: {  	s30 =	sshrl.u32 s7, $0x1;
	s10 =	sshrl.u32 s10, $0x2;
	s4 =	sadd.s32 s5, s4  }
0x9: {  	s8 =	sadd.s32 s8, s29;
	s5 =	sadd.s32 $0xE400, s6;
	s11 =	ssub.s32 s7, s30  }
0xa: {  	s10 =	sadd.s32 s10, s2;
	s4 =	sshrl.u32 s4, $0x3;
	s8 =	sshrl.u32 s8, $0x3  }
0xb: {  	s10 =	sshrl.u32 s10, $0x3;
	s9 =	sadd.s32 s4, s6;
	s4 =	sadd.s32 $0xDC00, s6  }
0xc: {  	s8 =	sadd.s32 s8, s6;
	s6 =	sor.u32 $0x1C01, s31;
	s7 =	sadd.s32 $0x3C00, s9  }
0xd: {  	s8 =	sadd.s32 $0xFA00, s8;
	s9 =	smax.u32 s11, $0x1;
	s11 =	simm.s32 $0x1  }
.LBB2_1:
0xe: {  	[spmem:s10], [sflag:s6] =	dma.local [hbm:s5], $0x1480  }
0xf: {  	_ =	swait.ge [sflag:s11], $0x1480  }
0x10: {  	[sflag:s11] =	ssyncset.done $0x0  }
0x11: {  	[sflag:s11] =	ssyncadd.s32 $0xFFFFEB80  }
0x12: {  	[tilespmem:s3], [sflag:$0x1] =	stream.linear.gather [hbm4b:s7+s3], $0x1400, $0x38;
	[tilespmem:$0xF800] =	vst v63  }
0x13: {  	_ =	swait.ge [sflag:s11], $0x1400  }
0x14: {  	[sflag:s11] =	ssyncset.done $0x0  }
0x15: {  	[sflag:s11] =	ssyncadd.s32 $0xFFFFEC00  }
0x16: {  	[tilespmem:s12], [sflag:$0x1] =	stream.linear.gather [hbm4b:s4+s3], $0x4000, $0x38;
	[tilespmem:$0xF800] =	vst v63  }
0x17: {  	_ =	swait.ge [sflag:s11], $0x4000  }
0x18: {  	[sflag:s11] =	ssyncset.done $0x0  }
0x19: {  	[sflag:s11] =	ssyncadd.s32 $0xFFFFC000  }
0x1a: {  	s15 =	simm.s32 $0x0;
	[bflag:$0x0] =	sbarrier.arrive $0xFFFF  }
0x1b: {  	[spmem:s2] =	stream.indirect.scatter.add.f32 [tilespmem:s12], [sflag:$0x1], $0x80, s15, s13, $0xb8;
	[tilespmem:$0xF800] =	vst v63  }
0x1c: {  	_ =	swait.ge [sflag:s11], $0x4000  }
0x1d: {  	s15 =	simm.s32 $0x200;
	[sflag:s11] =	ssyncset.done $0x0  }
.LBB2_2:
0x1e: {  	s16 =	sshra.s32 s15, $0x2;
	[sflag:s11] =	ssyncadd.s32 $0xFFFFC000;
	p0 =	sne.s32 s15, $0x4E00  }
0x1f: {  	[spmem:s2] =	stream.indirect.scatter.add.f32 [tilespmem:s12], [sflag:$0x1], $0x80, s16, s13, $0xb8;
	[tilespmem:$0xF800] =	vst v63  }
.Ltmp0:
0x20: {  	_ = 	snop;
	(pc) =	sbr.rel @p0 .LBB2_2-.Ltmp0, $4  }
0x21: {  	_ = 	snop  }
0x22: {  	s15 =	sadd.s32 $0x200, s15  }
0x23: {  	_ =	swait.ge [sflag:s11], $0x4000  }
0x24: {  	[sflag:s11] =	ssyncset.done $0x0  }
0x25: {  	s14 =	sadd.s32 $0x1, s14  }
0x26: {  	[sflag:s11] =	ssyncadd.s32 $0xFFFFC000;
	p0 =	sne.s32 s14, s9  }
.Ltmp1:
0x27: {  	[bflag:$0x0] =	sbarrier.arrive $0xFFFF;
	(pc) =	sbr.rel @p0 .LBB2_1-.Ltmp1, $4  }
0x28: {  	[hbm:s8], [sflag:s6] =	dma.local [spmem:s10], $0x1480  }
0x29: {  	_ =	swait.ge [sflag:s11], $0x1480  }
0x2a: {  	[sflag:s11] =	ssyncset.done $0x0  }
0x2b: {  	[sflag:s11] =	ssyncadd.s32 $0xFFFFEB80  }
0x2c: {  	_ =	sfence.sel $0x180000  }
0x2d: {  	[bflag:$0x0] =	sbarrier.arrive $0xFFFF  }
0x2e: {  	p0 =	sne.s32 s0, $0x0;
	_ =	strace $0x90000047  }
0x2f: {  	s0 =	sadd.s32 @!p0 $0x100000, s1;
	[bflag:$0x2] =	sbarrier.arrive $0xFFFF  }
0x30: {  	[sflag:s0] =	ssyncadd.tile.s32 @!p0 $0x1;
	_ =	shalt  }
.Lfunc_end2:
_tile_overlayer_lowered:
.L_overlay_start_2:
0x31: {  	(tag) =	ssettag $0x2  }
0x32: {  	s0 =	rddreg [dreg:$0x0];
	s2 =	stileid.u32  }
0x33: {  	s1 =	rddreg [dreg:$0x1];
	p0 =	sne.s32 s2, $0x0  }
0x34: {  	s3 =	rddreg [dreg:$0x2];
	[bflag:$0x3] =	sbarrier.arrive $0xFFFF;
	s2 =	simm.s32 @!p0 $0x1C01  }
0x35: {  	[timem:s3], [sflag:s2] =	dma.local @!p0 [hbm:s0], s1  }
0x36: {  	s0 =	simm.s32 @!p0 $0x1  }
0x37: {  	_ =	swait.ge @!p0 [sflag:s0], s1  }
0x38: {  	s1 =	ssub.s32 @!p0 $0x0, s1;
	[sflag:s0] =	ssyncset.done @!p0 $0x0  }
0x39: {  	[sflag:s0] =	ssyncadd.s32 @!p0 s1  }
0x3a: {  	[bflag:$0x3] =	sbarrier.arrive $0xFFFF  }
0x3b: {  	_ =	shalt  }

// kernel: kernel.16.cloned.1.call-start
scs
__scs_entry_jumppad:
0x0: {  	(pc) =	sbr.rel $0x88, $3  }
0x1: {  	(tag) =	ssettag $0x0;
	lr =	simm.s32 $0x1  }
0x2: {  	[smem:$0x3F99] =	sst lr;
	_ =	strace $0xD0000000  }
0x3: {  	_ = 	snop  }
0x4: {  	_ = 	snop  }
0x5: {  	_ = 	snop  }
0x6: {  	_ = 	snop  }
0x7: {  	_ = 	snop  }
__scs_overlays_trampoline_lowered:
0x8: {  	[smem:$0x3FA8] =	sst s0  }
0x9: {  	[smem:$0x3FA9] =	sst s1  }
0xa: {  	[smem:$0x3FAA] =	sst s2  }
0xb: {  	[smem:$0x3FAB] =	sst s3  }
0xc: {  	[smem:$0x3FAC] =	sst s4  }
0xd: {  	[smem:$0x3FAD] =	sst s5  }
0xe: {  	[smem:$0x3FAE] =	sst s6  }
0xf: {  	[smem:$0x3FAF] =	sst s7  }
0x10: {  	[smem:$0x3FB0] =	sst s8  }
0x11: {  	[smem:$0x3FB1] =	sst s9;
	s0 =	simm.s32 @!p0 $0x0  }
0x12: {  	s1 =	sld [smem:$0x3F97];
	s0 =	simm.s32 @p0 $0x1  }
0x13: {  	[smem:$0x3FB2] =	sst s0;
	s0 =	simm.s32 @!p1 $0x0  }
0x14: {  	s2 =	sld [smem:$0x3F96];
	s0 =	simm.s32 @p1 $0x1  }
0x15: {  	[smem:$0x3FB3] =	sst s0;
	s0 =	simm.s32 @!p2 $0x0  }
0x16: {  	s3 =	sld [smem:$0x3FDB];
	s0 =	simm.s32 @p2 $0x1  }
0x17: {  	s4 =	simm.s32 $0x1BF5;
	[smem:$0x3FB5] =	sst s0  }
0x18: {  	s0 =	sld [smem:$0x3F98];
	_ =	swait.ge [sflag:s4], $0x0  }
0x19: {  	s7 =	sld [smem:$0x3F99]  }
0x1a: {  	s8 =	sadd.s32 $0xFFFFE003, lr  }
0x1b: {  	s9 =	sadd.s32 $0xFFFFFEF7, lr;
	s5 =	simm.s32 $0xFFFFFFFF;
	p2 =	slt.u32 s8, $0xFFFFF086  }
0x1c: {  	p1 =	slt.u32 s9, $0xF7A;
	s5 =	simm.s32 @!p2 $0x0  }
0x1d: {  	s5 =	simm.s32 @p1 $0x1;
	p0 =	seq.s32 s7, s2  }
0x1e: {  	s7 =	smul.u32 @!p0 $0xF7A, s2;
	p2 =	seq.s32 @!p0 s5, $0x0  }
0x1f: {  	s9 =	smul.u32 $0xF7A, s1;
	s8 =	simm.s32 @!p0 $0x1BF5;
	p2 =	por !p2, p0  }
0x20: {  	[sflag:s8] =	ssyncset.s32 @!p0 $0xFFFFF086;
	s6 =	sadd.s32 @!p0 s3, s7;
	s7 =	simm.s32 @!p0 $0x108  }
0x21: {  	s3 =	sadd.s32 s3, s9;
	s6 =	sadd.s32 @!p0 $0x88, s6;
	s7 =	simm.s32 @p2 $0x1082  }
0x22: {  	[simem:s7], [sflag:s8] =	dma.local @!p0 [hbm:s6], $0xF7A  }
0x23: {  	s9 =	sor.u32 $0xD0000000, s2;
	s6 =	simm.s32 $0x108;
	_ =	swait.ge @!p0 [sflag:s8], $0x0  }
0x24: {  	s3 =	sadd.s32 $0x88, s3;
	s6 =	simm.s32 @!p1 $0x1082;
	[sflag:s4] =	ssyncset.s32 $0xFFFFF086  }
0x25: {  	[simem:s6], [sflag:s4] =	dma.local [hbm:s3], $0xF7A  }
0x26: {  	[smem:$0x3F99] =	sst s1;
	(tag) =	ssettag s2;
	_ =	strace s9  }
0x27: {  	s1 =	sld [smem:$0x3FA9]  }
0x28: {  	s2 =	sld [smem:$0x3FAA]  }
0x29: {  	s4 =	sld [smem:$0x3FAC]  }
0x2a: {  	p0 =	seq.s32 s5, $0x0;
	s5 =	sld [smem:$0x3FAD]  }
0x2b: {  	s6 =	sld [smem:$0x3FAE]  }
0x2c: {  	s7 =	sld [smem:$0x3FAF]  }
0x2d: {  	s3 =	simm.s32 $0x108;
	s8 =	sld [smem:$0x3FB0]  }
0x2e: {  	s3 =	simm.s32 @!p0 $0x1082;
	s9 =	sld [smem:$0x3FB1]  }
0x2f: {  	lr =	sadd.s32 s0, s3;
	s0 =	sld [smem:$0x3FA8]  }
0x30: {  	s3 =	sld [smem:$0x3FAB]  }
0x31: {  	[smem:$0x3FB4] =	sst s10  }
0x32: {  	s10 =	sld [smem:$0x3FB2];
	_ =	sdelay $0x3  }
0x33: {  	p0 =	seq.s32 s10, $0x1;
	s10 =	sld [smem:$0x3FB4];
	_ =	sdelay $0x3  }
0x34: {  	[smem:$0x3FB4] =	sst s10  }
0x35: {  	s10 =	sld [smem:$0x3FB3];
	_ =	sdelay $0x3  }
0x36: {  	p1 =	seq.s32 s10, $0x1;
	s10 =	sld [smem:$0x3FB4];
	_ =	sdelay $0x3  }
0x37: {  	[smem:$0x3FB4] =	sst s10  }
0x38: {  	s10 =	sld [smem:$0x3FB5]  }
0x39: {  	_ = 	snop;
	(pc) =	sbr.ind lr, $3  }
0x3a: {  	_ = 	snop  }
0x3b: {  	_ = 	snop  }
0x3c: {  	p2 =	seq.s32 s10, $0x1;
	s10 =	sld [smem:$0x3FB4]  }
0x3d: {  	_ =	shalt  }
0x3e: {  	_ =	shalt  }
0x3f: {  	_ =	shalt  }
0x40: {  	_ =	shalt  }
0x41: {  	_ =	shalt  }
0x42: {  	_ =	shalt  }
0x43: {  	_ =	shalt  }
0x44: {  	_ =	shalt  }
0x45: {  	_ =	shalt  }
0x46: {  	_ =	shalt  }
0x47: {  	_ =	shalt  }
0x48: {  	_ =	shalt  }
0x49: {  	_ =	shalt  }
0x4a: {  	_ =	shalt  }
0x4b: {  	_ =	shalt  }
0x4c: {  	_ =	shalt  }
0x4d: {  	_ =	shalt  }
0x4e: {  	_ =	shalt  }
0x4f: {  	_ =	shalt  }
0x50: {  	_ =	shalt  }
0x51: {  	_ =	shalt  }
0x52: {  	_ =	shalt  }
0x53: {  	_ =	shalt  }
0x54: {  	_ =	shalt  }
0x55: {  	_ =	shalt  }
0x56: {  	_ =	shalt  }
0x57: {  	_ =	shalt  }
0x58: {  	_ =	shalt  }
0x59: {  	_ =	shalt  }
0x5a: {  	_ =	shalt  }
0x5b: {  	_ =	shalt  }
0x5c: {  	_ =	shalt  }
0x5d: {  	_ =	shalt  }
0x5e: {  	_ =	shalt  }
0x5f: {  	_ =	shalt  }
0x60: {  	_ =	shalt  }
0x61: {  	_ =	shalt  }
0x62: {  	_ =	shalt  }
0x63: {  	_ =	shalt  }
0x64: {  	_ =	shalt  }
0x65: {  	_ =	shalt  }
0x66: {  	_ =	shalt  }
0x67: {  	_ =	shalt  }
0x68: {  	_ =	shalt  }
0x69: {  	_ =	shalt  }
0x6a: {  	_ =	shalt  }
0x6b: {  	_ =	shalt  }
0x6c: {  	_ =	shalt  }
0x6d: {  	_ =	shalt  }
0x6e: {  	_ =	shalt  }
0x6f: {  	_ =	shalt  }
0x70: {  	_ =	shalt  }
0x71: {  	_ =	shalt  }
0x72: {  	_ =	shalt  }
0x73: {  	_ =	shalt  }
0x74: {  	_ =	shalt  }
0x75: {  	_ =	shalt  }
0x76: {  	_ =	shalt  }
0x77: {  	_ =	shalt  }
0x78: {  	_ =	shalt  }
0x79: {  	_ =	shalt  }
0x7a: {  	_ =	shalt  }
0x7b: {  	_ =	shalt  }
0x7c: {  	_ =	shalt  }
0x7d: {  	_ =	shalt  }
0x7e: {  	_ =	shalt  }
0x7f: {  	_ =	shalt  }
0x80: {  	_ =	shalt  }
0x81: {  	_ =	shalt  }
0x82: {  	_ =	shalt  }
0x83: {  	_ =	shalt  }
0x84: {  	_ =	shalt  }
0x85: {  	_ =	shalt  }
0x86: {  	_ =	shalt  }
0x87: {  	_ =	shalt  }
.Lfunc_end0:
.L_simem_size_0:
called_computation.2_lowered:
.L_overlay_start_0:
0x88: {  	s2 =	sld [smem:$0x3FD9]  }
0x89: {  	s3 =	sld [smem:$0x3FFE];
	_ =	sdelay $0x1  }
0x8a: {  	s1 =	srdreg.scid  }
0x8b: {  	s0 =	sand.u32 $0x1, s1  }
0x8c: {  	s17 =	sshll.u32 s0, $0xA;
	s2 =	sadd.s32 s3, s2  }
0x8d: {  	s2 =	sadd.s32 s2, s17  }
0x8e: {  	[smem:$0x3FC0] =	sst s2  }
0x8f: {  	_ = 	snop  }
0x90: {  	s18 =	sld [smem:$0x3FD0];
	(tm) =	ssettm $0x1  }
0x91: {  	s19 =	sld [smem:$0x3FFB];
	_ =	sdelay $0x3  }
0x92: {  	_ =	strace s19  }
0x93: {  	s2 =	sld [smem:$0x3FFC];
	_ =	sdelay $0x3  }
0x94: {  	_ =	strace s2  }
0x95: {  	s2 =	sld [smem:$0x3FFD];
	_ =	sdelay $0x3  }
0x96: {  	_ =	strace s2  }
0x97: {  	_ =	strace $0x8FFFFFFF  }
0x98: {  	s20 =	sld [smem:$0x3FDB];
	_ =	sdelay $0x1  }
0x99: {  	s4 =	simm.s32 $_scs_section_size  }
0x9a: {  	s5 =	simm.s32 $_size__tile_overlayer_lowered;
	s6 =	simm.s32 $_tile_overlayer_lowered  }
0x9b: {  	s7 =	simm.s32 $0x1BFF;
	s21 =	sshll.u32 s6, $0x1;
	s4 =	sadd.s32 s4, s20  }
0x9c: {  	s22 =	simm.s32 $0x0;
	s5 =	sshll.u32 s5, $0x1;
	s6 =	sadd.s32 s21, s4  }
0x9d: {  	[timem:s22], [sflag:s7] =	dma.local [hbm:s6], s5  }
0x9e: {  	_ =	swait.ge [sflag:s7], s5  }
0x9f: {  	s5 =	ssub.s32 $0x0, s5;
	[sflag:s7] =	ssyncset.done $0x0  }
0xa0: {  	[sflag:s7] =	ssyncadd.s32 s5;
	_ =	sdelay $0x1  }
0xa1: {  	s23 =	simm.s32 $0x1B8B  }
0xa2: {  	_ =	swait.ge [sflag:s23], $0x1  }
0xa3: {  	[sflag:s23] =	ssyncset.done $0x0  }
0xa4: {  	[sflag:s23] =	ssyncadd.s32 $0xFFFFFFFF  }
0xa5: {  	s5 =	sld [smem:$0x0]  }
0xa6: {  	s6 =	sand.u32 $0xFFFFFFFE, s1  }
0xa7: {  	p0 =	sne.s32 s1, s6  }
0xa8: {  	s6 =	sshll.u32 @p0 s6, $0xE  }
0xa9: {  	s6 =	sadd.s32 @p0 $0x11B8D, s6;
	s7 =	sshll.u32 @p0 s5, $0x11  }
0xaa: {  	s6 =	sor.u32 @p0 s7, s6  }
0xab: {  	[sflag:s6] =	ssyncadd.remote.s32 @p0 $0x1;
	_ =	sdelay $0x1  }
0xac: {  	s6 =	simm.s32 @p0 $0x1B8D  }
0xad: {  	_ =	swait.eq @p0 [sflag:s6], $0x1  }
0xae: {  	[sflag:s6] =	ssyncadd.s32 @p0 $0xFFFFFFFF  }
0xaf: {  	s7 =	sshll.u32 @!p0 s1, $0xE  }
0xb0: {  	s7 =	sor.u32 @!p0 $0x4000, s7;
	s6 =	simm.s32 @!p0 $0x1B8D  }
0xb1: {  	s5 =	sshll.u32 @!p0 s5, $0x11;
	s7 =	sadd.s32 @!p0 $0x11B8D, s7;
	_ =	swait.eq @!p0 [sflag:s6], $0x1  }
0xb2: {  	s5 =	sor.u32 @!p0 s5, s7;
	[sflag:s6] =	ssyncadd.s32 @!p0 $0xFFFFFFFF  }
0xb3: {  	s25 =	simm.s32 $0x1B8E;
	s24 =	sld [smem:$0x3FFE];
	[sflag:s5] =	ssyncadd.remote.s32 @!p0 $0x1  }
0xb4: {  	s26 =	simm.s32 $execute0_lowered;
	[smem:$0x3FD2] =	sst s25  }
0xb5: {  	s6 =	sshll.u32 s26, $0x1;
	_ =	strace $0x8000004F;
	[dreg:$0x1] =	wrdreg $0xFFFFFFFF  }
0xb6: {  	s28 =	simm.s32 $_size_execute0_lowered;
	s4 =	sadd.s32 s4, s6;
	[dreg:$0x0] =	wrdreg $0x0  }
0xb7: {  	s6 =	sshll.u32 s28, $0x1;
	[dreg:$0x2] =	wrdreg s4  }
0xb8: {  	[dreg:$0x3] =	wrdreg s6  }
0xb9: {  	[dreg:$0x4] =	wrdreg $0xC0  }
0xba: {  	_ =	task [dreg:s22], $0x5FFFF  }
0xbb: {  	[dreg:$0x1] =	wrdreg $0xFFFFFFFF  }
0xbc: {  	[dreg:$0x0] =	wrdreg $0x60  }
0xbd: {  	[dreg:$0x2] =	wrdreg s24  }
0xbe: {  	[dreg:$0x3] =	wrdreg s18  }
0xbf: {  	[dreg:$0x4] =	wrdreg $0xD0000  }
0xc0: {  	[dreg:$0x5] =	wrdreg $0xB  }
0xc1: {  	_ =	task.clear_ibuf [dreg:s22], $0x6FFFF;
	_ =	strace $0x9000004F  }
0xc2: {  	s29 =	simm.s32 $0xB;
	_ =	strace $0x80000051  }
0xc3: {  	_ =	swait.ge [sflag:s29], $0x1  }
0xc4: {  	[sflag:s29] =	ssyncadd.s32 $0xFFFFFFFF  }
0xc5: {  	_ =	strace $0x90000051  }
0xc6: {  	_ =	sfence  }
0xc7: {  	s30 =	sld [smem:$0x0];
	_ =	sdelay $0x2  }
0xc8: {  	s31 =	sshll.u32 s1, $0xD;
	s1 =	sshrl.u32 s1, $0x2  }
0xc9: {  	s4 =	sand.u32 $0x4000, s31;
	s1 =	sadd.s32 s1, s30  }
0xca: {  	s0 =	sor.u32 s4, s0;
	s1 =	sshll.u32 s1, $0x11  }
0xcb: {  	s0 =	sor.u32 s1, s0  }
0xcc: {  	s0 =	sadd.s32 $0x8F2B, s0  }
0xcd: {  	[sflag:s0] =	ssyncadd.remote.s32 $0x1  }
0xce: {  	_ =	sfence.sel $0xFFFF  }
0xcf: {  	[dreg:$0x0] =	wrdreg $0xFFFFFFFF;
	(pc) =	sbr.abs _section_cstart, $3  }
0xd0: {  	[dreg:$0x1] =	wrdreg $0xFFFFFFFF  }
0xd1: {  	_ =	task.clear_ibuf [dreg:s22], $0x2FFFF;
	_ =	strace $0x9FFFFFFF  }
0xd2: {  	(tm) =	ssettm $0x7FFFFFFF  }
0xd3: {  	_ =	shalt  }
tec
execute0_lowered:
.L_overlay_start_1:
0x0: {  	(tag) =	ssettag $0x1  }
0x1: {  	s6 =	rddreg [dreg:$0x0]  }
0x2: {  	s10 =	rddreg [dreg:$0x1]  }
0x3: {  	s1 =	rddreg [dreg:$0x2]  }
0x4: {  	s0 =	rddreg [dreg:$0x3];
	s3 =	simm.s32 $0x0;
	s2 =	stileid.u32  }
0x5: {  	s8 =	srdreg.scid;
	s16 =	simm.s32 $0x5000;
	s17 =	simm.s32 $0x1  }
0x6: {  	s18 =	simm.s32 $0x9000;
	s19 =	simm.s32 $0x2;
	s20 =	simm.s32 $0x2780  }
0x7: {  	s21 =	simm.s32 $0x4F00;
	s22 =	simm.s32 $0x4F80;
	s23 =	simm.s32 $0x0  }
0x8: {  	[smem:$0x7FF] =	sst s3;
	s4 =	sadd.s32 $0x8EA00, s6;
	s7 =	smul.u32 $0x500, s2  }
0x9: {  	s5 =	sadd.s32 $0x66A00, s6;
	s11 =	sand.u32 $0x1, s8;
	s28 =	smul.u32 $0x29000, s2  }
0xa: {  	s14 =	smul.u32 $0xA400, s2;
	s31 =	sshll.u32 s2, $0x6;
	_ =	strace $0x80000050  }
0xb: {  	s29 =	ssub.s32 $0x2, s11;
	s12 =	smul.u32 $0xA4000, s11;
	p0 =	seq.s32 s11, $0x1  }
0xc: {  	s9 =	sadd.s32 s7, s6;
	s6 =	sadd.s32 $0xE400, s6;
	s13 =	sshrl.u32 s29, $0x1  }
.Ltmp0:
0xd: {  	s30 =	sshrl.u32 s28, $0x2;
	s7 =	sor.u32 $0x1C03, s31;
	(pc) =	sbr.rel .LBB2_1-.Ltmp0, $4  }
0xe: {  	s13 =	ssub.s32 s29, s13;
	s15 =	sadd.s32 s30, s1;
	s12 =	sadd.s32 s14, s12  }
0xf: {  	s8 =	sadd.s32 $0x61A00, s9;
	s9 =	sadd.s32 $0x8C00, s9;
	s14 =	simm.s32 $0x2800  }
0x10: {  	s12 =	sshrl.u32 s12, $0x3;
	s11 =	smax.u32 s13, $0x1;
	s13 =	simm.s32 $0x3  }
0x11: {  	s10 =	sadd.s32 s10, s12;
	s12 =	sshrl.u32 s15, $0x3;
	s15 =	simm.s32 $0x80  }
.LBB2_7:
0x12: {  	[sflag:s13] =	ssyncadd.s32 $0xFFFFC000  }
0x13: {  	_ =	swait.ge [sflag:s17], $0x4000  }
0x14: {  	[sflag:s17] =	ssyncset.done $0x0  }
0x15: {  	[sflag:s17] =	ssyncadd.s32 $0xFFFFC000  }
0x16: {  	[tilespmem:s18], [sflag:$0x2] =	stream.indirect.gather [hbm4b:s5+s15], $0x80, s20, s15, $0xb8;
	[tilespmem:$0x17400] =	vst v63  }
.LBB2_8:
0x17: {  	[spmem:s1] =	stream.indirect.scatter.add.f32 [tilespmem:s16], [sflag:$0x3], $0x80, s21, s15, $0xb8;
	[tilespmem:$0x17400] =	vst v63  }
0x18: {  	_ =	swait.ge [sflag:s13], $0x4000  }
0x19: {  	[sflag:s13] =	ssyncset.done $0x0  }
0x1a: {  	[sflag:s13] =	ssyncadd.s32 $0xFFFFC000  }
0x1b: {  	_ =	swait.ge [sflag:s19], $0x4000  }
0x1c: {  	[sflag:s19] =	ssyncset.done $0x0  }
0x1d: {  	[sflag:s19] =	ssyncadd.s32 $0xFFFFC000  }
0x1e: {  	[spmem:s1] =	stream.indirect.scatter.add.f32 [tilespmem:s18], [sflag:$0x3], $0x80, s22, s15, $0xb8;
	[tilespmem:$0x17400] =	vst v63  }
0x1f: {  	_ =	swait.ge [sflag:s13], $0x4000  }
0x20: {  	s23 =	sadd.s32 $0x1, s23;
	[sflag:s13] =	ssyncset.done $0x0  }
0x21: {  	p1 =	sne.s32 s23, s11;
	[sflag:s13] =	ssyncadd.s32 $0xFFFFC000  }
.Ltmp1:
0x22: {  	[bflag:$0x0] =	sbarrier.arrive $0xFFFF;
	(pc) =	sbr.rel @!p1 .LBB2_9-.Ltmp1, $4  }
0x23: {  	[hbm:s10], [sflag:s7] =	dma.local [spmem:s12], $0x1480  }
0x24: {  	_ =	swait.ge [sflag:s13], $0x1480  }
0x25: {  	[sflag:s13] =	ssyncset.done $0x0  }
0x26: {  	[sflag:s13] =	ssyncadd.s32 $0xFFFFEB80  }
.LBB2_1:
0x27: {  	[spmem:s12], [sflag:s7] =	dma.local [hbm:s6], $0x1480  }
0x28: {  	_ =	swait.ge [sflag:s13], $0x1480  }
0x29: {  	[sflag:s13] =	ssyncset.done $0x0  }
0x2a: {  	[sflag:s13] =	ssyncadd.s32 $0xFFFFEB80  }
0x2b: {  	[tilespmem:s3], [sflag:$0x3] =	stream.linear.gather [hbm4b:s8+s3], $0x2800, $0x38;
	[tilespmem:$0x17400] =	vst v63  }
0x2c: {  	_ =	swait.ge [sflag:s13], $0x2800  }
0x2d: {  	[sflag:s13] =	ssyncset.done $0x0  }
0x2e: {  	[sflag:s13] =	ssyncadd.s32 $0xFFFFD800  }
0x2f: {  	[tilespmem:s14], [sflag:$0x3] =	stream.linear.gather [hbm4b:s9+s3], $0x2800, $0x38;
	[tilespmem:$0x17400] =	vst v63  }
.Ltmp2:
0x30: {  	_ =	swait.ge [sflag:s13], $0x2800;
	(pc) =	sbr.rel @!p0 .LBB2_2-.Ltmp2, $4  }
0x31: {  	[sflag:s13] =	ssyncset.done $0x0  }
0x32: {  	[sflag:s13] =	ssyncadd.s32 $0xFFFFD800  }
0x33: {  	[bflag:$0x0] =	sbarrier.arrive $0xFFFF  }
0x34: {  	s24 =	simm.s32 $0x0  }
0x35: {  	[tilespmem:s16], [sflag:$0x1] =	stream.indirect.gather [hbm4b:s5+s15], $0x80, s24, s15, $0xb8;
	[tilespmem:$0x17400] =	vst v63  }
0x36: {  	_ =	swait.ge [sflag:s17], $0x4000  }
0x37: {  	[sflag:s17] =	ssyncset.done $0x0  }
0x38: {  	s28 =	simm.s32 $0x80;
	[sflag:s17] =	ssyncadd.s32 $0xFFFFC000  }
0x39: {  	[tilespmem:s18], [sflag:$0x2] =	stream.indirect.gather [hbm4b:s5+s15], $0x80, s28, s15, $0xb8;
	[tilespmem:$0x17400] =	vst v63  }
0x3a: {  	s29 =	simm.s32 $0x2800  }
0x3b: {  	[spmem:s1] =	stream.indirect.scatter.add.f32 [tilespmem:s16], [sflag:$0x3], $0x80, s29, s15, $0xb8;
	[tilespmem:$0x17400] =	vst v63  }
0x3c: {  	_ =	swait.ge [sflag:s13], $0x4000  }
0x3d: {  	[sflag:s13] =	ssyncset.done $0x0  }
0x3e: {  	s30 =	simm.s32 $0x100;
	[sflag:s13] =	ssyncadd.s32 $0xFFFFC000  }
0x3f: {  	[tilespmem:s16], [sflag:$0x1] =	stream.indirect.gather [hbm4b:s5+s15], $0x80, s30, s15, $0xb8;
	[tilespmem:$0x17400] =	vst v63  }
0x40: {  	_ =	swait.ge [sflag:s19], $0x4000  }
0x41: {  	[sflag:s19] =	ssyncset.done $0x0  }
0x42: {  	s31 =	simm.s32 $0x2880;
	[sflag:s19] =	ssyncadd.s32 $0xFFFFC000  }
0x43: {  	[spmem:s1] =	stream.indirect.scatter.add.f32 [tilespmem:s18], [sflag:$0x3], $0x80, s31, s15, $0xb8;
	[tilespmem:$0x17400] =	vst v63  }
0x44: {  	_ =	swait.ge [sflag:s13], $0x4000  }
0x45: {  	s24 =	simm.s32 $0x400;
	[sflag:s13] =	ssyncset.done $0x0  }
.LBB2_6:
0x46: {  	p1 =	sne.s32 s24, $0x9800  }
0x47: {  	[sflag:s13] =	ssyncadd.s32 $0xFFFFC000;
	s25 =	smov.u32 s24;
	s24 =	sadd.s32 $0x400, s24  }
0x48: {  	_ =	swait.ge [sflag:s17], $0x4000  }
0x49: {  	s25 =	sshra.s32 s25, $0x2;
	[sflag:s17] =	ssyncset.done $0x0  }
0x4a: {  	s26 =	sadd.s32 $0x80, s25;
	[sflag:s17] =	ssyncadd.s32 $0xFFFFC000  }
0x4b: {  	[tilespmem:s18], [sflag:$0x2] =	stream.indirect.gather [hbm4b:s5+s15], $0x80, s26, s15, $0xb8;
	[tilespmem:$0x17400] =	vst v63  }
0x4c: {  	s26 =	sadd.s32 $0x2800, s25  }
0x4d: {  	[spmem:s1] =	stream.indirect.scatter.add.f32 [tilespmem:s16], [sflag:$0x3], $0x80, s26, s15, $0xb8;
	[tilespmem:$0x17400] =	vst v63  }
0x4e: {  	_ =	swait.ge [sflag:s13], $0x4000  }
0x4f: {  	[sflag:s13] =	ssyncset.done $0x0  }
0x50: {  	s26 =	sadd.s32 $0x100, s25;
	[sflag:s13] =	ssyncadd.s32 $0xFFFFC000  }
0x51: {  	[tilespmem:s16], [sflag:$0x1] =	stream.indirect.gather [hbm4b:s5+s15], $0x80, s26, s15, $0xb8;
	[tilespmem:$0x17400] =	vst v63  }
0x52: {  	_ =	swait.ge [sflag:s19], $0x4000  }
.Ltmp3:
0x53: {  	[sflag:s19] =	ssyncset.done $0x0;
	(pc) =	sbr.rel @p1 .LBB2_6-.Ltmp3, $4  }
0x54: {  	s25 =	sadd.s32 $0x2880, s25;
	[sflag:s19] =	ssyncadd.s32 $0xFFFFC000  }
0x55: {  	[spmem:s1] =	stream.indirect.scatter.add.f32 [tilespmem:s18], [sflag:$0x3], $0x80, s25, s15, $0xb8;
	[tilespmem:$0x17400] =	vst v63  }
0x56: {  	_ =	swait.ge [sflag:s13], $0x4000  }
0x57: {  	[sflag:s13] =	ssyncset.done $0x0  }
.Ltmp4:
0x58: {  	_ = 	snop;
	(pc) =	sbr.rel .LBB2_7-.Ltmp4, $1  }
0x59: {  	_ =	sdelay $0x3  }
.LBB2_2:
0x5a: {  	[tilespmem:s16], [sflag:$0x1] =	stream.indirect.gather [hbm4b:s4+s15], $0x80, s24, s15, $0xb8;
	[tilespmem:$0x17400] =	vst v63  }
0x5b: {  	_ =	swait.ge [sflag:s17], $0x4000  }
0x5c: {  	[sflag:s17] =	ssyncset.done $0x0  }
0x5d: {  	s28 =	simm.s32 $0x80;
	[sflag:s17] =	ssyncadd.s32 $0xFFFFC000  }
0x5e: {  	[tilespmem:s18], [sflag:$0x2] =	stream.indirect.gather [hbm4b:s4+s15], $0x80, s28, s15, $0xb8;
	[tilespmem:$0x17400] =	vst v63  }
0x5f: {  	s29 =	simm.s32 $0x2800  }
0x60: {  	[spmem:s1] =	stream.indirect.scatter.add.f32 [tilespmem:s16], [sflag:$0x3], $0x80, s29, s15, $0xb8;
	[tilespmem:$0x17400] =	vst v63  }
0x61: {  	_ =	swait.ge [sflag:s13], $0x4000  }
0x62: {  	[sflag:s13] =	ssyncset.done $0x0  }
0x63: {  	s30 =	simm.s32 $0x100;
	[sflag:s13] =	ssyncadd.s32 $0xFFFFC000  }
0x64: {  	[tilespmem:s16], [sflag:$0x1] =	stream.indirect.gather [hbm4b:s4+s15], $0x80, s30, s15, $0xb8;
	[tilespmem:$0x17400] =	vst v63  }
0x65: {  	_ =	swait.ge [sflag:s19], $0x4000  }
0x66: {  	[sflag:s19] =	ssyncset.done $0x0  }
0x67: {  	s31 =	simm.s32 $0x2880;
	[sflag:s19] =	ssyncadd.s32 $0xFFFFC000  }
0x68: {  	[spmem:s1] =	stream.indirect.scatter.add.f32 [tilespmem:s18], [sflag:$0x3], $0x80, s31, s15, $0xb8;
	[tilespmem:$0x17400] =	vst v63  }
0x69: {  	_ =	swait.ge [sflag:s13], $0x4000  }
0x6a: {  	s24 =	simm.s32 $0x400;
	[sflag:s13] =	ssyncset.done $0x0  }
.LBB2_3:
0x6b: {  	p1 =	seq.s32 s24, $0x9800  }
0x6c: {  	[sflag:s13] =	ssyncadd.s32 $0xFFFFC000;
	s25 =	smov.u32 s24;
	s24 =	sadd.s32 $0x400, s24  }
0x6d: {  	_ =	swait.ge [sflag:s17], $0x4000  }
0x6e: {  	s25 =	sshra.s32 s25, $0x2;
	[sflag:s17] =	ssyncset.done $0x0  }
0x6f: {  	s26 =	sadd.s32 $0x80, s25;
	[sflag:s17] =	ssyncadd.s32 $0xFFFFC000  }
0x70: {  	[tilespmem:s18], [sflag:$0x2] =	stream.indirect.gather [hbm4b:s4+s15], $0x80, s26, s15, $0xb8;
	[tilespmem:$0x17400] =	vst v63  }
0x71: {  	s26 =	sadd.s32 $0x2800, s25  }
0x72: {  	[spmem:s1] =	stream.indirect.scatter.add.f32 [tilespmem:s16], [sflag:$0x3], $0x80, s26, s15, $0xb8;
	[tilespmem:$0x17400] =	vst v63  }
0x73: {  	_ =	swait.ge [sflag:s13], $0x4000  }
0x74: {  	[sflag:s13] =	ssyncset.done $0x0  }
0x75: {  	s26 =	sadd.s32 $0x100, s25;
	[sflag:s13] =	ssyncadd.s32 $0xFFFFC000  }
0x76: {  	[tilespmem:s16], [sflag:$0x1] =	stream.indirect.gather [hbm4b:s4+s15], $0x80, s26, s15, $0xb8;
	[tilespmem:$0x17400] =	vst v63  }
0x77: {  	_ =	swait.ge [sflag:s19], $0x4000  }
.Ltmp5:
0x78: {  	[sflag:s19] =	ssyncset.done $0x0;
	(pc) =	sbr.rel @!p1 .LBB2_3-.Ltmp5, $4  }
0x79: {  	s25 =	sadd.s32 $0x2880, s25;
	[sflag:s19] =	ssyncadd.s32 $0xFFFFC000  }
0x7a: {  	[spmem:s1] =	stream.indirect.scatter.add.f32 [tilespmem:s18], [sflag:$0x3], $0x80, s25, s15, $0xb8;
	[tilespmem:$0x17400] =	vst v63  }
0x7b: {  	_ =	swait.ge [sflag:s13], $0x4000  }
0x7c: {  	[sflag:s13] =	ssyncset.done $0x0  }
.Ltmp6:
0x7d: {  	[sflag:s13] =	ssyncadd.s32 $0xFFFFC000;
	(pc) =	sbr.rel .LBB2_8-.Ltmp6, $4  }
0x7e: {  	_ =	swait.ge [sflag:s17], $0x4000  }
0x7f: {  	[sflag:s17] =	ssyncset.done $0x0  }
0x80: {  	[sflag:s17] =	ssyncadd.s32 $0xFFFFC000  }
0x81: {  	[tilespmem:s18], [sflag:$0x2] =	stream.indirect.gather [hbm4b:s4+s15], $0x80, s20, s15, $0xb8;
	[tilespmem:$0x17400] =	vst v63  }
.LBB2_9:
0x82: {  	_ =	sfence.sel $0x180000  }
0x83: {  	[bflag:$0x0] =	sbarrier.arrive $0xFFFF  }
0x84: {  	p0 =	sne.s32 s2, $0x0;
	_ =	strace $0x90000050  }
0x85: {  	s0 =	sadd.s32 @!p0 $0x100000, s0;
	[bflag:$0x2] =	sbarrier.arrive $0xFFFF  }
0x86: {  	[sflag:s0] =	ssyncadd.tile.s32 @!p0 $0x1;
	_ =	shalt  }
.Lfunc_end2:
_tile_overlayer_lowered:
.L_overlay_start_2:
0x87: {  	(tag) =	ssettag $0x2  }
0x88: {  	s0 =	rddreg [dreg:$0x0];
	s2 =	stileid.u32  }
0x89: {  	s1 =	rddreg [dreg:$0x1];
	p0 =	sne.s32 s2, $0x0  }
0x8a: {  	s3 =	rddreg [dreg:$0x2];
	[bflag:$0x3] =	sbarrier.arrive $0xFFFF;
	s2 =	simm.s32 @!p0 $0x1C03  }
0x8b: {  	[timem:s3], [sflag:s2] =	dma.local @!p0 [hbm:s0], s1  }
0x8c: {  	s0 =	simm.s32 @!p0 $0x3  }
0x8d: {  	_ =	swait.ge @!p0 [sflag:s0], s1  }
0x8e: {  	s1 =	ssub.s32 @!p0 $0x0, s1;
	[sflag:s0] =	ssyncset.done @!p0 $0x0  }
0x8f: {  	[sflag:s0] =	ssyncadd.s32 @!p0 s1  }
0x90: {  	[bflag:$0x3] =	sbarrier.arrive $0xFFFF  }
0x91: {  	_ =	shalt  }

// kernel: kernel.19.cloned.1.call-start
scs
__scs_entry_jumppad:
0x0: {  	(pc) =	sbr.rel $0x88, $3  }
0x1: {  	(tag) =	ssettag $0x0;
	lr =	simm.s32 $0x1  }
0x2: {  	[smem:$0x3F99] =	sst lr;
	_ =	strace $0xD0000000  }
0x3: {  	_ = 	snop  }
0x4: {  	_ = 	snop  }
0x5: {  	_ = 	snop  }
0x6: {  	_ = 	snop  }
0x7: {  	_ = 	snop  }
__scs_overlays_trampoline_lowered:
0x8: {  	[smem:$0x3FA8] =	sst s0  }
0x9: {  	[smem:$0x3FA9] =	sst s1  }
0xa: {  	[smem:$0x3FAA] =	sst s2  }
0xb: {  	[smem:$0x3FAB] =	sst s3  }
0xc: {  	[smem:$0x3FAC] =	sst s4  }
0xd: {  	[smem:$0x3FAD] =	sst s5  }
0xe: {  	[smem:$0x3FAE] =	sst s6  }
0xf: {  	[smem:$0x3FAF] =	sst s7  }
0x10: {  	[smem:$0x3FB0] =	sst s8  }
0x11: {  	[smem:$0x3FB1] =	sst s9;
	s0 =	simm.s32 @!p0 $0x0  }
0x12: {  	s1 =	sld [smem:$0x3F97];
	s0 =	simm.s32 @p0 $0x1  }
0x13: {  	[smem:$0x3FB2] =	sst s0;
	s0 =	simm.s32 @!p1 $0x0  }
0x14: {  	s2 =	sld [smem:$0x3F96];
	s0 =	simm.s32 @p1 $0x1  }
0x15: {  	[smem:$0x3FB3] =	sst s0;
	s0 =	simm.s32 @!p2 $0x0  }
0x16: {  	s3 =	sld [smem:$0x3FDB];
	s0 =	simm.s32 @p2 $0x1  }
0x17: {  	s4 =	simm.s32 $0x1BF5;
	[smem:$0x3FB5] =	sst s0  }
0x18: {  	s0 =	sld [smem:$0x3F98];
	_ =	swait.ge [sflag:s4], $0x0  }
0x19: {  	s7 =	sld [smem:$0x3F99]  }
0x1a: {  	s8 =	sadd.s32 $0xFFFFE003, lr  }
0x1b: {  	s9 =	sadd.s32 $0xFFFFFEF7, lr;
	s5 =	simm.s32 $0xFFFFFFFF;
	p2 =	slt.u32 s8, $0xFFFFF086  }
0x1c: {  	p1 =	slt.u32 s9, $0xF7A;
	s5 =	simm.s32 @!p2 $0x0  }
0x1d: {  	s5 =	simm.s32 @p1 $0x1;
	p0 =	seq.s32 s7, s2  }
0x1e: {  	s7 =	smul.u32 @!p0 $0xF7A, s2;
	p2 =	seq.s32 @!p0 s5, $0x0  }
0x1f: {  	s9 =	smul.u32 $0xF7A, s1;
	s8 =	simm.s32 @!p0 $0x1BF5;
	p2 =	por !p2, p0  }
0x20: {  	[sflag:s8] =	ssyncset.s32 @!p0 $0xFFFFF086;
	s6 =	sadd.s32 @!p0 s3, s7;
	s7 =	simm.s32 @!p0 $0x108  }
0x21: {  	s3 =	sadd.s32 s3, s9;
	s6 =	sadd.s32 @!p0 $0x88, s6;
	s7 =	simm.s32 @p2 $0x1082  }
0x22: {  	[simem:s7], [sflag:s8] =	dma.local @!p0 [hbm:s6], $0xF7A  }
0x23: {  	s9 =	sor.u32 $0xD0000000, s2;
	s6 =	simm.s32 $0x108;
	_ =	swait.ge @!p0 [sflag:s8], $0x0  }
0x24: {  	s3 =	sadd.s32 $0x88, s3;
	s6 =	simm.s32 @!p1 $0x1082;
	[sflag:s4] =	ssyncset.s32 $0xFFFFF086  }
0x25: {  	[simem:s6], [sflag:s4] =	dma.local [hbm:s3], $0xF7A  }
0x26: {  	[smem:$0x3F99] =	sst s1;
	(tag) =	ssettag s2;
	_ =	strace s9  }
0x27: {  	s1 =	sld [smem:$0x3FA9]  }
0x28: {  	s2 =	sld [smem:$0x3FAA]  }
0x29: {  	s4 =	sld [smem:$0x3FAC]  }
0x2a: {  	p0 =	seq.s32 s5, $0x0;
	s5 =	sld [smem:$0x3FAD]  }
0x2b: {  	s6 =	sld [smem:$0x3FAE]  }
0x2c: {  	s7 =	sld [smem:$0x3FAF]  }
0x2d: {  	s3 =	simm.s32 $0x108;
	s8 =	sld [smem:$0x3FB0]  }
0x2e: {  	s3 =	simm.s32 @!p0 $0x1082;
	s9 =	sld [smem:$0x3FB1]  }
0x2f: {  	lr =	sadd.s32 s0, s3;
	s0 =	sld [smem:$0x3FA8]  }
0x30: {  	s3 =	sld [smem:$0x3FAB]  }
0x31: {  	[smem:$0x3FB4] =	sst s10  }
0x32: {  	s10 =	sld [smem:$0x3FB2];
	_ =	sdelay $0x3  }
0x33: {  	p0 =	seq.s32 s10, $0x1;
	s10 =	sld [smem:$0x3FB4];
	_ =	sdelay $0x3  }
0x34: {  	[smem:$0x3FB4] =	sst s10  }
0x35: {  	s10 =	sld [smem:$0x3FB3];
	_ =	sdelay $0x3  }
0x36: {  	p1 =	seq.s32 s10, $0x1;
	s10 =	sld [smem:$0x3FB4];
	_ =	sdelay $0x3  }
0x37: {  	[smem:$0x3FB4] =	sst s10  }
0x38: {  	s10 =	sld [smem:$0x3FB5]  }
0x39: {  	_ = 	snop;
	(pc) =	sbr.ind lr, $3  }
0x3a: {  	_ = 	snop  }
0x3b: {  	_ = 	snop  }
0x3c: {  	p2 =	seq.s32 s10, $0x1;
	s10 =	sld [smem:$0x3FB4]  }
0x3d: {  	_ =	shalt  }
0x3e: {  	_ =	shalt  }
0x3f: {  	_ =	shalt  }
0x40: {  	_ =	shalt  }
0x41: {  	_ =	shalt  }
0x42: {  	_ =	shalt  }
0x43: {  	_ =	shalt  }
0x44: {  	_ =	shalt  }
0x45: {  	_ =	shalt  }
0x46: {  	_ =	shalt  }
0x47: {  	_ =	shalt  }
0x48: {  	_ =	shalt  }
0x49: {  	_ =	shalt  }
0x4a: {  	_ =	shalt  }
0x4b: {  	_ =	shalt  }
0x4c: {  	_ =	shalt  }
0x4d: {  	_ =	shalt  }
0x4e: {  	_ =	shalt  }
0x4f: {  	_ =	shalt  }
0x50: {  	_ =	shalt  }
0x51: {  	_ =	shalt  }
0x52: {  	_ =	shalt  }
0x53: {  	_ =	shalt  }
0x54: {  	_ =	shalt  }
0x55: {  	_ =	shalt  }
0x56: {  	_ =	shalt  }
0x57: {  	_ =	shalt  }
0x58: {  	_ =	shalt  }
0x59: {  	_ =	shalt  }
0x5a: {  	_ =	shalt  }
0x5b: {  	_ =	shalt  }
0x5c: {  	_ =	shalt  }
0x5d: {  	_ =	shalt  }
0x5e: {  	_ =	shalt  }
0x5f: {  	_ =	shalt  }
0x60: {  	_ =	shalt  }
0x61: {  	_ =	shalt  }
0x62: {  	_ =	shalt  }
0x63: {  	_ =	shalt  }
0x64: {  	_ =	shalt  }
0x65: {  	_ =	shalt  }
0x66: {  	_ =	shalt  }
0x67: {  	_ =	shalt  }
0x68: {  	_ =	shalt  }
0x69: {  	_ =	shalt  }
0x6a: {  	_ =	shalt  }
0x6b: {  	_ =	shalt  }
0x6c: {  	_ =	shalt  }
0x6d: {  	_ =	shalt  }
0x6e: {  	_ =	shalt  }
0x6f: {  	_ =	shalt  }
0x70: {  	_ =	shalt  }
0x71: {  	_ =	shalt  }
0x72: {  	_ =	shalt  }
0x73: {  	_ =	shalt  }
0x74: {  	_ =	shalt  }
0x75: {  	_ =	shalt  }
0x76: {  	_ =	shalt  }
0x77: {  	_ =	shalt  }
0x78: {  	_ =	shalt  }
0x79: {  	_ =	shalt  }
0x7a: {  	_ =	shalt  }
0x7b: {  	_ =	shalt  }
0x7c: {  	_ =	shalt  }
0x7d: {  	_ =	shalt  }
0x7e: {  	_ =	shalt  }
0x7f: {  	_ =	shalt  }
0x80: {  	_ =	shalt  }
0x81: {  	_ =	shalt  }
0x82: {  	_ =	shalt  }
0x83: {  	_ =	shalt  }
0x84: {  	_ =	shalt  }
0x85: {  	_ =	shalt  }
0x86: {  	_ =	shalt  }
0x87: {  	_ =	shalt  }
.Lfunc_end0:
.L_simem_size_0:
called_computation.3_lowered:
.L_overlay_start_0:
0x88: {  	s2 =	sld [smem:$0x3FD9]  }
0x89: {  	s3 =	sld [smem:$0x3FFE];
	_ =	sdelay $0x1  }
0x8a: {  	s1 =	srdreg.scid  }
0x8b: {  	s0 =	sand.u32 $0x1, s1  }
0x8c: {  	s17 =	sshll.u32 s0, $0xA;
	s2 =	sadd.s32 s3, s2  }
0x8d: {  	s2 =	sadd.s32 s2, s17  }
0x8e: {  	[smem:$0x3FC0] =	sst s2  }
0x8f: {  	_ = 	snop  }
0x90: {  	(tm) =	ssettm $0x1  }
0x91: {  	s18 =	sld [smem:$0x3FFB];
	_ =	sdelay $0x3  }
0x92: {  	_ =	strace s18  }
0x93: {  	s2 =	sld [smem:$0x3FFC];
	_ =	sdelay $0x3  }
0x94: {  	_ =	strace s2  }
0x95: {  	s2 =	sld [smem:$0x3FFD];
	_ =	sdelay $0x3  }
0x96: {  	_ =	strace s2  }
0x97: {  	_ =	strace $0x8FFFFFFF  }
0x98: {  	s19 =	sld [smem:$0x3FDB];
	_ =	sdelay $0x1  }
0x99: {  	s20 =	simm.s32 $_scs_section_size  }
0x9a: {  	s4 =	simm.s32 $_size__tile_overlayer_lowered;
	s5 =	simm.s32 $_tile_overlayer_lowered  }
0x9b: {  	s6 =	simm.s32 $0x1BFF;
	s21 =	sshll.u32 s5, $0x1;
	s3 =	sadd.s32 s20, s19  }
0x9c: {  	s22 =	simm.s32 $0x0;
	s4 =	sshll.u32 s4, $0x1;
	s5 =	sadd.s32 s21, s3  }
0x9d: {  	[timem:s22], [sflag:s6] =	dma.local [hbm:s5], s4  }
0x9e: {  	_ =	swait.ge [sflag:s6], s4  }
0x9f: {  	s4 =	ssub.s32 $0x0, s4;
	[sflag:s6] =	ssyncset.done $0x0  }
0xa0: {  	[sflag:s6] =	ssyncadd.s32 s4;
	_ =	sdelay $0x1  }
0xa1: {  	s23 =	simm.s32 $0x1B8B  }
0xa2: {  	_ =	swait.ge [sflag:s23], $0x1  }
0xa3: {  	[sflag:s23] =	ssyncset.done $0x0  }
0xa4: {  	[sflag:s23] =	ssyncadd.s32 $0xFFFFFFFF  }
0xa5: {  	s4 =	sld [smem:$0x0]  }
0xa6: {  	s5 =	sand.u32 $0xFFFFFFFE, s1  }
0xa7: {  	p0 =	sne.s32 s1, s5  }
0xa8: {  	s5 =	sshll.u32 @p0 s5, $0xE  }
0xa9: {  	s5 =	sadd.s32 @p0 $0x11B8D, s5;
	s6 =	sshll.u32 @p0 s4, $0x11  }
0xaa: {  	s5 =	sor.u32 @p0 s6, s5  }
0xab: {  	[sflag:s5] =	ssyncadd.remote.s32 @p0 $0x1;
	_ =	sdelay $0x1  }
0xac: {  	s5 =	simm.s32 @p0 $0x1B8D  }
0xad: {  	_ =	swait.eq @p0 [sflag:s5], $0x1  }
0xae: {  	[sflag:s5] =	ssyncadd.s32 @p0 $0xFFFFFFFF  }
0xaf: {  	s6 =	sshll.u32 @!p0 s1, $0xE  }
0xb0: {  	s6 =	sor.u32 @!p0 $0x4000, s6;
	s5 =	simm.s32 @!p0 $0x1B8D  }
0xb1: {  	s4 =	sshll.u32 @!p0 s4, $0x11;
	s6 =	sadd.s32 @!p0 $0x11B8D, s6;
	_ =	swait.eq @!p0 [sflag:s5], $0x1  }
0xb2: {  	s4 =	sor.u32 @!p0 s4, s6;
	[sflag:s5] =	ssyncadd.s32 @!p0 $0xFFFFFFFF  }
0xb3: {  	s25 =	simm.s32 $0x1B8E;
	s24 =	sld [smem:$0x3FFE];
	[sflag:s4] =	ssyncadd.remote.s32 @!p0 $0x1  }
0xb4: {  	s26 =	simm.s32 $execute0_lowered;
	[smem:$0x3FD2] =	sst s25  }
0xb5: {  	s5 =	sshll.u32 s26, $0x1;
	_ =	strace $0x8000004C;
	[dreg:$0x1] =	wrdreg $0xFFFFFFFF  }
0xb6: {  	s28 =	simm.s32 $_size_execute0_lowered;
	s3 =	sadd.s32 s3, s5;
	[dreg:$0x0] =	wrdreg $0x0  }
0xb7: {  	s5 =	sshll.u32 s28, $0x1;
	[dreg:$0x2] =	wrdreg s3  }
0xb8: {  	[dreg:$0x3] =	wrdreg s5  }
0xb9: {  	[dreg:$0x4] =	wrdreg $0xC0  }
0xba: {  	_ =	task [dreg:s22], $0x5FFFF  }
0xbb: {  	[dreg:$0x1] =	wrdreg $0xFFFFFFFF  }
0xbc: {  	[dreg:$0x0] =	wrdreg $0x60  }
0xbd: {  	[dreg:$0x2] =	wrdreg s24  }
0xbe: {  	[dreg:$0x3] =	wrdreg $0xD0000  }
0xbf: {  	[dreg:$0x4] =	wrdreg $0xC  }
0xc0: {  	_ =	task.clear_ibuf [dreg:s22], $0x5FFFF;
	_ =	strace $0x9000004C  }
0xc1: {  	s29 =	simm.s32 $0xC;
	_ =	strace $0x8000004E  }
0xc2: {  	_ =	swait.ge [sflag:s29], $0x1  }
0xc3: {  	[sflag:s29] =	ssyncadd.s32 $0xFFFFFFFF  }
0xc4: {  	_ =	strace $0x9000004E  }
0xc5: {  	_ =	sfence  }
0xc6: {  	s30 =	sld [smem:$0x0];
	_ =	sdelay $0x2  }
0xc7: {  	s31 =	sshll.u32 s1, $0xD;
	s1 =	sshrl.u32 s1, $0x2  }
0xc8: {  	s4 =	sand.u32 $0x4000, s31;
	s1 =	sadd.s32 s1, s30  }
0xc9: {  	s0 =	sor.u32 s4, s0;
	s1 =	sshll.u32 s1, $0x11  }
0xca: {  	s0 =	sor.u32 s1, s0  }
0xcb: {  	s0 =	sadd.s32 $0x8F2B, s0  }
0xcc: {  	[sflag:s0] =	ssyncadd.remote.s32 $0x1  }
0xcd: {  	_ =	sfence.sel $0xFFFF  }
0xce: {  	[dreg:$0x0] =	wrdreg $0xFFFFFFFF;
	(pc) =	sbr.abs _section_cstart, $3  }
0xcf: {  	[dreg:$0x1] =	wrdreg $0xFFFFFFFF  }
0xd0: {  	_ =	task.clear_ibuf [dreg:s22], $0x2FFFF;
	_ =	strace $0x9FFFFFFF  }
0xd1: {  	(tm) =	ssettm $0x7FFFFFFF  }
tec
execute0_lowered:
.L_overlay_start_1:
0x0: {  	(tag) =	ssettag $0x1  }
0x1: {  	s7 =	rddreg [dreg:$0x0]  }
0x2: {  	s0 =	stileid.u32;
	s1 =	srdreg.scid  }
0x3: {  	s2 =	rddreg [dreg:$0x1];
	s3 =	simm.s32 $0x0;
	s15 =	simm.s32 $0x80  }
0x4: {  	s16 =	simm.s32 $0x5000;
	s17 =	simm.s32 $0x1;
	s18 =	simm.s32 $0x9000  }
0x5: {  	s19 =	simm.s32 $0x2;
	s20 =	simm.s32 $0x2780;
	s21 =	simm.s32 $0x4F00  }
0x6: {  	s22 =	simm.s32 $0x4F80;
	s23 =	simm.s32 $0x0;
	s6 =	smul.u32 $0x500, s0  }
0x7: {  	s10 =	sand.u32 $0x1, s1;
	s1 =	rddreg [dreg:$0x2];
	s9 =	smul.u32 $0xA400, s0  }
0x8: {  	[smem:$0x7FF] =	sst s3;
	s4 =	sadd.s32 $0x8EA00, s7;
	s28 =	smul.u32 $0x29000, s0  }
0x9: {  	s5 =	sadd.s32 $0x66A00, s7;
	s31 =	sshll.u32 s0, $0x6;
	s8 =	smul.u32 $0xA4000, s10  }
0xa: {  	_ =	strace $0x8000004D;
	s12 =	ssub.s32 $0x2, s10;
	p0 =	seq.s32 s10, $0x1  }
0xb: {  	s11 =	sadd.s32 s6, s7;
	s6 =	sadd.s32 $0xE400, s7;
	s29 =	sshrl.u32 s12, $0x1  }
.Ltmp0:
0xc: {  	s30 =	sshrl.u32 s28, $0x2;
	s8 =	sadd.s32 s9, s8;
	(pc) =	sbr.rel .LBB2_1-.Ltmp0, $4  }
0xd: {  	s12 =	ssub.s32 s12, s29;
	s14 =	sadd.s32 s30, s2;
	s8 =	sshrl.u32 s8, $0x3  }
0xe: {  	s9 =	sadd.s32 $0x3C00, s11;
	s13 =	sadd.s32 s8, s7;
	s7 =	sor.u32 $0x1C03, s31  }
0xf: {  	s8 =	sadd.s32 $0x61A00, s11;
	s11 =	smax.u32 s12, $0x1;
	s12 =	sshrl.u32 s14, $0x3  }
0x10: {  	s14 =	simm.s32 $0x2800;
	s10 =	sadd.s32 $0xB6A00, s13;
	s13 =	simm.s32 $0x3  }
.LBB2_7:
0x11: {  	[sflag:s13] =	ssyncadd.s32 $0xFFFFC000  }
0x12: {  	_ =	swait.ge [sflag:s17], $0x4000  }
0x13: {  	[sflag:s17] =	ssyncset.done $0x0  }
0x14: {  	[sflag:s17] =	ssyncadd.s32 $0xFFFFC000  }
0x15: {  	[tilespmem:s18], [sflag:$0x2] =	stream.indirect.gather [hbm4b:s5+s15], $0x80, s20, s15, $0xb8;
	[tilespmem:$0x17400] =	vst v63  }
.LBB2_8:
0x16: {  	[spmem:s2] =	stream.indirect.scatter.add.f32 [tilespmem:s16], [sflag:$0x3], $0x80, s21, s15, $0xb8;
	[tilespmem:$0x17400] =	vst v63  }
0x17: {  	_ =	swait.ge [sflag:s13], $0x4000  }
0x18: {  	[sflag:s13] =	ssyncset.done $0x0  }
0x19: {  	[sflag:s13] =	ssyncadd.s32 $0xFFFFC000  }
0x1a: {  	_ =	swait.ge [sflag:s19], $0x4000  }
0x1b: {  	[sflag:s19] =	ssyncset.done $0x0  }
0x1c: {  	[sflag:s19] =	ssyncadd.s32 $0xFFFFC000  }
0x1d: {  	[spmem:s2] =	stream.indirect.scatter.add.f32 [tilespmem:s18], [sflag:$0x3], $0x80, s22, s15, $0xb8;
	[tilespmem:$0x17400] =	vst v63  }
0x1e: {  	_ =	swait.ge [sflag:s13], $0x4000  }
0x1f: {  	s23 =	sadd.s32 $0x1, s23;
	[sflag:s13] =	ssyncset.done $0x0  }
0x20: {  	p1 =	sne.s32 s23, s11;
	[sflag:s13] =	ssyncadd.s32 $0xFFFFC000  }
.Ltmp1:
0x21: {  	[bflag:$0x0] =	sbarrier.arrive $0xFFFF;
	(pc) =	sbr.rel @!p1 .LBB2_9-.Ltmp1, $4  }
0x22: {  	[hbm:s10], [sflag:s7] =	dma.local [spmem:s12], $0x1480  }
0x23: {  	_ =	swait.ge [sflag:s13], $0x1480  }
0x24: {  	[sflag:s13] =	ssyncset.done $0x0  }
0x25: {  	[sflag:s13] =	ssyncadd.s32 $0xFFFFEB80  }
.LBB2_1:
0x26: {  	[spmem:s12], [sflag:s7] =	dma.local [hbm:s6], $0x1480  }
0x27: {  	_ =	swait.ge [sflag:s13], $0x1480  }
0x28: {  	[sflag:s13] =	ssyncset.done $0x0  }
0x29: {  	[sflag:s13] =	ssyncadd.s32 $0xFFFFEB80  }
0x2a: {  	[tilespmem:s3], [sflag:$0x3] =	stream.linear.gather [hbm4b:s8+s3], $0x2800, $0x38;
	[tilespmem:$0x17400] =	vst v63  }
0x2b: {  	_ =	swait.ge [sflag:s13], $0x2800  }
0x2c: {  	[sflag:s13] =	ssyncset.done $0x0  }
0x2d: {  	[sflag:s13] =	ssyncadd.s32 $0xFFFFD800  }
0x2e: {  	[tilespmem:s14], [sflag:$0x3] =	stream.linear.gather [hbm4b:s9+s3], $0x2800, $0x38;
	[tilespmem:$0x17400] =	vst v63  }
.Ltmp2:
0x2f: {  	_ =	swait.ge [sflag:s13], $0x2800;
	(pc) =	sbr.rel @!p0 .LBB2_2-.Ltmp2, $4  }
0x30: {  	[sflag:s13] =	ssyncset.done $0x0  }
0x31: {  	[sflag:s13] =	ssyncadd.s32 $0xFFFFD800  }
0x32: {  	[bflag:$0x0] =	sbarrier.arrive $0xFFFF  }
0x33: {  	s24 =	simm.s32 $0x0  }
0x34: {  	[tilespmem:s16], [sflag:$0x1] =	stream.indirect.gather [hbm4b:s5+s15], $0x80, s24, s15, $0xb8;
	[tilespmem:$0x17400] =	vst v63  }
0x35: {  	_ =	swait.ge [sflag:s17], $0x4000  }
0x36: {  	[sflag:s17] =	ssyncset.done $0x0  }
0x37: {  	s28 =	simm.s32 $0x80;
	[sflag:s17] =	ssyncadd.s32 $0xFFFFC000  }
0x38: {  	[tilespmem:s18], [sflag:$0x2] =	stream.indirect.gather [hbm4b:s5+s15], $0x80, s28, s15, $0xb8;
	[tilespmem:$0x17400] =	vst v63  }
0x39: {  	s29 =	simm.s32 $0x2800  }
0x3a: {  	[spmem:s2] =	stream.indirect.scatter.add.f32 [tilespmem:s16], [sflag:$0x3], $0x80, s29, s15, $0xb8;
	[tilespmem:$0x17400] =	vst v63  }
0x3b: {  	_ =	swait.ge [sflag:s13], $0x4000  }
0x3c: {  	[sflag:s13] =	ssyncset.done $0x0  }
0x3d: {  	s30 =	simm.s32 $0x100;
	[sflag:s13] =	ssyncadd.s32 $0xFFFFC000  }
0x3e: {  	[tilespmem:s16], [sflag:$0x1] =	stream.indirect.gather [hbm4b:s5+s15], $0x80, s30, s15, $0xb8;
	[tilespmem:$0x17400] =	vst v63  }
0x3f: {  	_ =	swait.ge [sflag:s19], $0x4000  }
0x40: {  	[sflag:s19] =	ssyncset.done $0x0  }
0x41: {  	s31 =	simm.s32 $0x2880;
	[sflag:s19] =	ssyncadd.s32 $0xFFFFC000  }
0x42: {  	[spmem:s2] =	stream.indirect.scatter.add.f32 [tilespmem:s18], [sflag:$0x3], $0x80, s31, s15, $0xb8;
	[tilespmem:$0x17400] =	vst v63  }
0x43: {  	_ =	swait.ge [sflag:s13], $0x4000  }
0x44: {  	s24 =	simm.s32 $0x400;
	[sflag:s13] =	ssyncset.done $0x0  }
.LBB2_6:
0x45: {  	p1 =	sne.s32 s24, $0x9800  }
0x46: {  	[sflag:s13] =	ssyncadd.s32 $0xFFFFC000;
	s25 =	smov.u32 s24;
	s24 =	sadd.s32 $0x400, s24  }
0x47: {  	_ =	swait.ge [sflag:s17], $0x4000  }
0x48: {  	s25 =	sshra.s32 s25, $0x2;
	[sflag:s17] =	ssyncset.done $0x0  }
0x49: {  	s26 =	sadd.s32 $0x80, s25;
	[sflag:s17] =	ssyncadd.s32 $0xFFFFC000  }
0x4a: {  	[tilespmem:s18], [sflag:$0x2] =	stream.indirect.gather [hbm4b:s5+s15], $0x80, s26, s15, $0xb8;
	[tilespmem:$0x17400] =	vst v63  }
0x4b: {  	s26 =	sadd.s32 $0x2800, s25  }
0x4c: {  	[spmem:s2] =	stream.indirect.scatter.add.f32 [tilespmem:s16], [sflag:$0x3], $0x80, s26, s15, $0xb8;
	[tilespmem:$0x17400] =	vst v63  }
0x4d: {  	_ =	swait.ge [sflag:s13], $0x4000  }
0x4e: {  	[sflag:s13] =	ssyncset.done $0x0  }
0x4f: {  	s26 =	sadd.s32 $0x100, s25;
	[sflag:s13] =	ssyncadd.s32 $0xFFFFC000  }
0x50: {  	[tilespmem:s16], [sflag:$0x1] =	stream.indirect.gather [hbm4b:s5+s15], $0x80, s26, s15, $0xb8;
	[tilespmem:$0x17400] =	vst v63  }
0x51: {  	_ =	swait.ge [sflag:s19], $0x4000  }
.Ltmp3:
0x52: {  	[sflag:s19] =	ssyncset.done $0x0;
	(pc) =	sbr.rel @p1 .LBB2_6-.Ltmp3, $4  }
0x53: {  	s25 =	sadd.s32 $0x2880, s25;
	[sflag:s19] =	ssyncadd.s32 $0xFFFFC000  }
0x54: {  	[spmem:s2] =	stream.indirect.scatter.add.f32 [tilespmem:s18], [sflag:$0x3], $0x80, s25, s15, $0xb8;
	[tilespmem:$0x17400] =	vst v63  }
0x55: {  	_ =	swait.ge [sflag:s13], $0x4000  }
0x56: {  	[sflag:s13] =	ssyncset.done $0x0  }
.Ltmp4:
0x57: {  	_ = 	snop;
	(pc) =	sbr.rel .LBB2_7-.Ltmp4, $1  }
0x58: {  	_ =	sdelay $0x3  }
.LBB2_2:
0x59: {  	[tilespmem:s16], [sflag:$0x1] =	stream.indirect.gather [hbm4b:s4+s15], $0x80, s24, s15, $0xb8;
	[tilespmem:$0x17400] =	vst v63  }
0x5a: {  	_ =	swait.ge [sflag:s17], $0x4000  }
0x5b: {  	[sflag:s17] =	ssyncset.done $0x0  }
0x5c: {  	s28 =	simm.s32 $0x80;
	[sflag:s17] =	ssyncadd.s32 $0xFFFFC000  }
0x5d: {  	[tilespmem:s18], [sflag:$0x2] =	stream.indirect.gather [hbm4b:s4+s15], $0x80, s28, s15, $0xb8;
	[tilespmem:$0x17400] =	vst v63  }
0x5e: {  	s29 =	simm.s32 $0x2800  }
0x5f: {  	[spmem:s2] =	stream.indirect.scatter.add.f32 [tilespmem:s16], [sflag:$0x3], $0x80, s29, s15, $0xb8;
	[tilespmem:$0x17400] =	vst v63  }
0x60: {  	_ =	swait.ge [sflag:s13], $0x4000  }
0x61: {  	[sflag:s13] =	ssyncset.done $0x0  }
0x62: {  	s30 =	simm.s32 $0x100;
	[sflag:s13] =	ssyncadd.s32 $0xFFFFC000  }
0x63: {  	[tilespmem:s16], [sflag:$0x1] =	stream.indirect.gather [hbm4b:s4+s15], $0x80, s30, s15, $0xb8;
	[tilespmem:$0x17400] =	vst v63  }
0x64: {  	_ =	swait.ge [sflag:s19], $0x4000  }
0x65: {  	[sflag:s19] =	ssyncset.done $0x0  }
0x66: {  	s31 =	simm.s32 $0x2880;
	[sflag:s19] =	ssyncadd.s32 $0xFFFFC000  }
0x67: {  	[spmem:s2] =	stream.indirect.scatter.add.f32 [tilespmem:s18], [sflag:$0x3], $0x80, s31, s15, $0xb8;
	[tilespmem:$0x17400] =	vst v63  }
0x68: {  	_ =	swait.ge [sflag:s13], $0x4000  }
0x69: {  	s24 =	simm.s32 $0x400;
	[sflag:s13] =	ssyncset.done $0x0  }
.LBB2_3:
0x6a: {  	p1 =	seq.s32 s24, $0x9800  }
0x6b: {  	[sflag:s13] =	ssyncadd.s32 $0xFFFFC000;
	s25 =	smov.u32 s24;
	s24 =	sadd.s32 $0x400, s24  }
0x6c: {  	_ =	swait.ge [sflag:s17], $0x4000  }
0x6d: {  	s25 =	sshra.s32 s25, $0x2;
	[sflag:s17] =	ssyncset.done $0x0  }
0x6e: {  	s26 =	sadd.s32 $0x80, s25;
	[sflag:s17] =	ssyncadd.s32 $0xFFFFC000  }
0x6f: {  	[tilespmem:s18], [sflag:$0x2] =	stream.indirect.gather [hbm4b:s4+s15], $0x80, s26, s15, $0xb8;
	[tilespmem:$0x17400] =	vst v63  }
0x70: {  	s26 =	sadd.s32 $0x2800, s25  }
0x71: {  	[spmem:s2] =	stream.indirect.scatter.add.f32 [tilespmem:s16], [sflag:$0x3], $0x80, s26, s15, $0xb8;
	[tilespmem:$0x17400] =	vst v63  }
0x72: {  	_ =	swait.ge [sflag:s13], $0x4000  }
0x73: {  	[sflag:s13] =	ssyncset.done $0x0  }
0x74: {  	s26 =	sadd.s32 $0x100, s25;
	[sflag:s13] =	ssyncadd.s32 $0xFFFFC000  }
0x75: {  	[tilespmem:s16], [sflag:$0x1] =	stream.indirect.gather [hbm4b:s4+s15], $0x80, s26, s15, $0xb8;
	[tilespmem:$0x17400] =	vst v63  }
0x76: {  	_ =	swait.ge [sflag:s19], $0x4000  }
.Ltmp5:
0x77: {  	[sflag:s19] =	ssyncset.done $0x0;
	(pc) =	sbr.rel @!p1 .LBB2_3-.Ltmp5, $4  }
0x78: {  	s25 =	sadd.s32 $0x2880, s25;
	[sflag:s19] =	ssyncadd.s32 $0xFFFFC000  }
0x79: {  	[spmem:s2] =	stream.indirect.scatter.add.f32 [tilespmem:s18], [sflag:$0x3], $0x80, s25, s15, $0xb8;
	[tilespmem:$0x17400] =	vst v63  }
0x7a: {  	_ =	swait.ge [sflag:s13], $0x4000  }
0x7b: {  	[sflag:s13] =	ssyncset.done $0x0  }
.Ltmp6:
0x7c: {  	[sflag:s13] =	ssyncadd.s32 $0xFFFFC000;
	(pc) =	sbr.rel .LBB2_8-.Ltmp6, $4  }
0x7d: {  	_ =	swait.ge [sflag:s17], $0x4000  }
0x7e: {  	[sflag:s17] =	ssyncset.done $0x0  }
0x7f: {  	[sflag:s17] =	ssyncadd.s32 $0xFFFFC000  }
0x80: {  	[tilespmem:s18], [sflag:$0x2] =	stream.indirect.gather [hbm4b:s4+s15], $0x80, s20, s15, $0xb8;
	[tilespmem:$0x17400] =	vst v63  }
.LBB2_9:
0x81: {  	_ =	sfence.sel $0x180000  }
0x82: {  	[bflag:$0x0] =	sbarrier.arrive $0xFFFF  }
0x83: {  	p0 =	sne.s32 s0, $0x0;
	_ =	strace $0x9000004D  }
0x84: {  	s0 =	sadd.s32 @!p0 $0x100000, s1;
	[bflag:$0x2] =	sbarrier.arrive $0xFFFF  }
0x85: {  	[sflag:s0] =	ssyncadd.tile.s32 @!p0 $0x1;
	_ =	shalt  }
.Lfunc_end2:
_tile_overlayer_lowered:
.L_overlay_start_2:
0x86: {  	(tag) =	ssettag $0x2  }
0x87: {  	s0 =	rddreg [dreg:$0x0];
	s2 =	stileid.u32  }
0x88: {  	s1 =	rddreg [dreg:$0x1];
	p0 =	sne.s32 s2, $0x0  }
0x89: {  	s3 =	rddreg [dreg:$0x2];
	[bflag:$0x3] =	sbarrier.arrive $0xFFFF;
	s2 =	simm.s32 @!p0 $0x1C03  }
0x8a: {  	[timem:s3], [sflag:s2] =	dma.local @!p0 [hbm:s0], s1  }
0x8b: {  	s0 =	simm.s32 @!p0 $0x3  }
0x8c: {  	_ =	swait.ge @!p0 [sflag:s0], s1  }
0x8d: {  	s1 =	ssub.s32 @!p0 $0x0, s1;
	[sflag:s0] =	ssyncset.done @!p0 $0x0  }
0x8e: {  	[sflag:s0] =	ssyncadd.s32 @!p0 s1  }
0x8f: {  	[bflag:$0x3] =	sbarrier.arrive $0xFFFF  }
0x90: {  	_ =	shalt  }

// kernel: kernel.22.cloned.1.call-start
scs
__scs_entry_jumppad:
0x0: {  	(pc) =	sbr.rel $0x88, $3  }
0x1: {  	(tag) =	ssettag $0x0;
	lr =	simm.s32 $0x1  }
0x2: {  	[smem:$0x3F99] =	sst lr;
	_ =	strace $0xD0000000  }
0x3: {  	_ = 	snop  }
0x4: {  	_ = 	snop  }
0x5: {  	_ = 	snop  }
0x6: {  	_ = 	snop  }
0x7: {  	_ = 	snop  }
__scs_overlays_trampoline_lowered:
0x8: {  	[smem:$0x3FA8] =	sst s0  }
0x9: {  	[smem:$0x3FA9] =	sst s1  }
0xa: {  	[smem:$0x3FAA] =	sst s2  }
0xb: {  	[smem:$0x3FAB] =	sst s3  }
0xc: {  	[smem:$0x3FAC] =	sst s4  }
0xd: {  	[smem:$0x3FAD] =	sst s5  }
0xe: {  	[smem:$0x3FAE] =	sst s6  }
0xf: {  	[smem:$0x3FAF] =	sst s7  }
0x10: {  	[smem:$0x3FB0] =	sst s8  }
0x11: {  	[smem:$0x3FB1] =	sst s9;
	s0 =	simm.s32 @!p0 $0x0  }
0x12: {  	s1 =	sld [smem:$0x3F97];
	s0 =	simm.s32 @p0 $0x1  }
0x13: {  	[smem:$0x3FB2] =	sst s0;
	s0 =	simm.s32 @!p1 $0x0  }
0x14: {  	s2 =	sld [smem:$0x3F96];
	s0 =	simm.s32 @p1 $0x1  }
0x15: {  	[smem:$0x3FB3] =	sst s0;
	s0 =	simm.s32 @!p2 $0x0  }
0x16: {  	s3 =	sld [smem:$0x3FDB];
	s0 =	simm.s32 @p2 $0x1  }
0x17: {  	s4 =	simm.s32 $0x1BF5;
	[smem:$0x3FB5] =	sst s0  }
0x18: {  	s0 =	sld [smem:$0x3F98];
	_ =	swait.ge [sflag:s4], $0x0  }
0x19: {  	s7 =	sld [smem:$0x3F99]  }
0x1a: {  	s8 =	sadd.s32 $0xFFFFE003, lr  }
0x1b: {  	s9 =	sadd.s32 $0xFFFFFEF7, lr;
	s5 =	simm.s32 $0xFFFFFFFF;
	p2 =	slt.u32 s8, $0xFFFFF086  }
0x1c: {  	p1 =	slt.u32 s9, $0xF7A;
	s5 =	simm.s32 @!p2 $0x0  }
0x1d: {  	s5 =	simm.s32 @p1 $0x1;
	p0 =	seq.s32 s7, s2  }
0x1e: {  	s7 =	smul.u32 @!p0 $0xF7A, s2;
	p2 =	seq.s32 @!p0 s5, $0x0  }
0x1f: {  	s9 =	smul.u32 $0xF7A, s1;
	s8 =	simm.s32 @!p0 $0x1BF5;
	p2 =	por !p2, p0  }
0x20: {  	[sflag:s8] =	ssyncset.s32 @!p0 $0xFFFFF086;
	s6 =	sadd.s32 @!p0 s3, s7;
	s7 =	simm.s32 @!p0 $0x108  }
0x21: {  	s3 =	sadd.s32 s3, s9;
	s6 =	sadd.s32 @!p0 $0x88, s6;
	s7 =	simm.s32 @p2 $0x1082  }
0x22: {  	[simem:s7], [sflag:s8] =	dma.local @!p0 [hbm:s6], $0xF7A  }
0x23: {  	s9 =	sor.u32 $0xD0000000, s2;
	s6 =	simm.s32 $0x108;
	_ =	swait.ge @!p0 [sflag:s8], $0x0  }
0x24: {  	s3 =	sadd.s32 $0x88, s3;
	s6 =	simm.s32 @!p1 $0x1082;
	[sflag:s4] =	ssyncset.s32 $0xFFFFF086  }
0x25: {  	[simem:s6], [sflag:s4] =	dma.local [hbm:s3], $0xF7A  }
0x26: {  	[smem:$0x3F99] =	sst s1;
	(tag) =	ssettag s2;
	_ =	strace s9  }
0x27: {  	s1 =	sld [smem:$0x3FA9]  }
0x28: {  	s2 =	sld [smem:$0x3FAA]  }
0x29: {  	s4 =	sld [smem:$0x3FAC]  }
0x2a: {  	p0 =	seq.s32 s5, $0x0;
	s5 =	sld [smem:$0x3FAD]  }
0x2b: {  	s6 =	sld [smem:$0x3FAE]  }
0x2c: {  	s7 =	sld [smem:$0x3FAF]  }
0x2d: {  	s3 =	simm.s32 $0x108;
	s8 =	sld [smem:$0x3FB0]  }
0x2e: {  	s3 =	simm.s32 @!p0 $0x1082;
	s9 =	sld [smem:$0x3FB1]  }
0x2f: {  	lr =	sadd.s32 s0, s3;
	s0 =	sld [smem:$0x3FA8]  }
0x30: {  	s3 =	sld [smem:$0x3FAB]  }
0x31: {  	[smem:$0x3FB4] =	sst s10  }
0x32: {  	s10 =	sld [smem:$0x3FB2];
	_ =	sdelay $0x3  }
0x33: {  	p0 =	seq.s32 s10, $0x1;
	s10 =	sld [smem:$0x3FB4];
	_ =	sdelay $0x3  }
0x34: {  	[smem:$0x3FB4] =	sst s10  }
0x35: {  	s10 =	sld [smem:$0x3FB3];
	_ =	sdelay $0x3  }
0x36: {  	p1 =	seq.s32 s10, $0x1;
	s10 =	sld [smem:$0x3FB4];
	_ =	sdelay $0x3  }
0x37: {  	[smem:$0x3FB4] =	sst s10  }
0x38: {  	s10 =	sld [smem:$0x3FB5]  }
0x39: {  	_ = 	snop;
	(pc) =	sbr.ind lr, $3  }
0x3a: {  	_ = 	snop  }
0x3b: {  	_ = 	snop  }
0x3c: {  	p2 =	seq.s32 s10, $0x1;
	s10 =	sld [smem:$0x3FB4]  }
0x3d: {  	_ =	shalt  }
0x3e: {  	_ =	shalt  }
0x3f: {  	_ =	shalt  }
0x40: {  	_ =	shalt  }
0x41: {  	_ =	shalt  }
0x42: {  	_ =	shalt  }
0x43: {  	_ =	shalt  }
0x44: {  	_ =	shalt  }
0x45: {  	_ =	shalt  }
0x46: {  	_ =	shalt  }
0x47: {  	_ =	shalt  }
0x48: {  	_ =	shalt  }
0x49: {  	_ =	shalt  }
0x4a: {  	_ =	shalt  }
0x4b: {  	_ =	shalt  }
0x4c: {  	_ =	shalt  }
0x4d: {  	_ =	shalt  }
0x4e: {  	_ =	shalt  }
0x4f: {  	_ =	shalt  }
0x50: {  	_ =	shalt  }
0x51: {  	_ =	shalt  }
0x52: {  	_ =	shalt  }
0x53: {  	_ =	shalt  }
0x54: {  	_ =	shalt  }
0x55: {  	_ =	shalt  }
0x56: {  	_ =	shalt  }
0x57: {  	_ =	shalt  }
0x58: {  	_ =	shalt  }
0x59: {  	_ =	shalt  }
0x5a: {  	_ =	shalt  }
0x5b: {  	_ =	shalt  }
0x5c: {  	_ =	shalt  }
0x5d: {  	_ =	shalt  }
0x5e: {  	_ =	shalt  }
0x5f: {  	_ =	shalt  }
0x60: {  	_ =	shalt  }
0x61: {  	_ =	shalt  }
0x62: {  	_ =	shalt  }
0x63: {  	_ =	shalt  }
0x64: {  	_ =	shalt  }
0x65: {  	_ =	shalt  }
0x66: {  	_ =	shalt  }
0x67: {  	_ =	shalt  }
0x68: {  	_ =	shalt  }
0x69: {  	_ =	shalt  }
0x6a: {  	_ =	shalt  }
0x6b: {  	_ =	shalt  }
0x6c: {  	_ =	shalt  }
0x6d: {  	_ =	shalt  }
0x6e: {  	_ =	shalt  }
0x6f: {  	_ =	shalt  }
0x70: {  	_ =	shalt  }
0x71: {  	_ =	shalt  }
0x72: {  	_ =	shalt  }
0x73: {  	_ =	shalt  }
0x74: {  	_ =	shalt  }
0x75: {  	_ =	shalt  }
0x76: {  	_ =	shalt  }
0x77: {  	_ =	shalt  }
0x78: {  	_ =	shalt  }
0x79: {  	_ =	shalt  }
0x7a: {  	_ =	shalt  }
0x7b: {  	_ =	shalt  }
0x7c: {  	_ =	shalt  }
0x7d: {  	_ =	shalt  }
0x7e: {  	_ =	shalt  }
0x7f: {  	_ =	shalt  }
0x80: {  	_ =	shalt  }
0x81: {  	_ =	shalt  }
0x82: {  	_ =	shalt  }
0x83: {  	_ =	shalt  }
0x84: {  	_ =	shalt  }
0x85: {  	_ =	shalt  }
0x86: {  	_ =	shalt  }
0x87: {  	_ =	shalt  }
.Lfunc_end0:
.L_simem_size_0:
called_computation.4_lowered:
.L_overlay_start_0:
0x88: {  	s2 =	sld [smem:$0x3FD9]  }
0x89: {  	s3 =	sld [smem:$0x3FFE];
	_ =	sdelay $0x1  }
0x8a: {  	s1 =	srdreg.scid  }
0x8b: {  	s0 =	sand.u32 $0x1, s1  }
0x8c: {  	s17 =	sshll.u32 s0, $0xA;
	s2 =	sadd.s32 s3, s2  }
0x8d: {  	s2 =	sadd.s32 s2, s17  }
0x8e: {  	[smem:$0x3FC0] =	sst s2  }
0x8f: {  	_ = 	snop  }
0x90: {  	s18 =	sld [smem:$0x3FD0];
	(tm) =	ssettm $0x1  }
0x91: {  	s19 =	sld [smem:$0x3FFB];
	_ =	sdelay $0x3  }
0x92: {  	_ =	strace s19  }
0x93: {  	s2 =	sld [smem:$0x3FFC];
	_ =	sdelay $0x3  }
0x94: {  	_ =	strace s2  }
0x95: {  	s2 =	sld [smem:$0x3FFD];
	_ =	sdelay $0x3  }
0x96: {  	_ =	strace s2  }
0x97: {  	_ =	strace $0x8FFFFFFF  }
0x98: {  	s20 =	sld [smem:$0x3FDB];
	_ =	sdelay $0x1  }
0x99: {  	s4 =	simm.s32 $_scs_section_size  }
0x9a: {  	s5 =	simm.s32 $_size__tile_overlayer_lowered;
	s6 =	simm.s32 $_tile_overlayer_lowered  }
0x9b: {  	s7 =	simm.s32 $0x1BFF;
	s21 =	sshll.u32 s6, $0x1;
	s4 =	sadd.s32 s4, s20  }
0x9c: {  	s22 =	simm.s32 $0x0;
	s5 =	sshll.u32 s5, $0x1;
	s6 =	sadd.s32 s21, s4  }
0x9d: {  	[timem:s22], [sflag:s7] =	dma.local [hbm:s6], s5  }
0x9e: {  	_ =	swait.ge [sflag:s7], s5  }
0x9f: {  	s5 =	ssub.s32 $0x0, s5;
	[sflag:s7] =	ssyncset.done $0x0  }
0xa0: {  	[sflag:s7] =	ssyncadd.s32 s5;
	_ =	sdelay $0x1  }
0xa1: {  	s23 =	simm.s32 $0x1B8B  }
0xa2: {  	_ =	swait.ge [sflag:s23], $0x1  }
0xa3: {  	[sflag:s23] =	ssyncset.done $0x0  }
0xa4: {  	[sflag:s23] =	ssyncadd.s32 $0xFFFFFFFF  }
0xa5: {  	s5 =	sld [smem:$0x0]  }
0xa6: {  	s6 =	sand.u32 $0xFFFFFFFE, s1  }
0xa7: {  	p0 =	sne.s32 s1, s6  }
0xa8: {  	s6 =	sshll.u32 @p0 s6, $0xE  }
0xa9: {  	s6 =	sadd.s32 @p0 $0x11B8D, s6;
	s7 =	sshll.u32 @p0 s5, $0x11  }
0xaa: {  	s6 =	sor.u32 @p0 s7, s6  }
0xab: {  	[sflag:s6] =	ssyncadd.remote.s32 @p0 $0x1;
	_ =	sdelay $0x1  }
0xac: {  	s6 =	simm.s32 @p0 $0x1B8D  }
0xad: {  	_ =	swait.eq @p0 [sflag:s6], $0x1  }
0xae: {  	[sflag:s6] =	ssyncadd.s32 @p0 $0xFFFFFFFF  }
0xaf: {  	s7 =	sshll.u32 @!p0 s1, $0xE  }
0xb0: {  	s7 =	sor.u32 @!p0 $0x4000, s7;
	s6 =	simm.s32 @!p0 $0x1B8D  }
0xb1: {  	s5 =	sshll.u32 @!p0 s5, $0x11;
	s7 =	sadd.s32 @!p0 $0x11B8D, s7;
	_ =	swait.eq @!p0 [sflag:s6], $0x1  }
0xb2: {  	s5 =	sor.u32 @!p0 s5, s7;
	[sflag:s6] =	ssyncadd.s32 @!p0 $0xFFFFFFFF  }
0xb3: {  	s25 =	simm.s32 $0x1B8E;
	s24 =	sld [smem:$0x3FFE];
	[sflag:s5] =	ssyncadd.remote.s32 @!p0 $0x1  }
0xb4: {  	s26 =	simm.s32 $execute0_lowered;
	[smem:$0x3FD2] =	sst s25  }
0xb5: {  	s6 =	sshll.u32 s26, $0x1;
	_ =	strace $0x80000055;
	[dreg:$0x1] =	wrdreg $0xFFFFFFFF  }
0xb6: {  	s28 =	simm.s32 $_size_execute0_lowered;
	s4 =	sadd.s32 s4, s6;
	[dreg:$0x0] =	wrdreg $0x0  }
0xb7: {  	s6 =	sshll.u32 s28, $0x1;
	[dreg:$0x2] =	wrdreg s4  }
0xb8: {  	[dreg:$0x3] =	wrdreg s6  }
0xb9: {  	[dreg:$0x4] =	wrdreg $0xC0  }
0xba: {  	_ =	task [dreg:s22], $0x5FFFF  }
0xbb: {  	[dreg:$0x1] =	wrdreg $0xFFFFFFFF  }
0xbc: {  	[dreg:$0x0] =	wrdreg $0x60  }
0xbd: {  	[dreg:$0x2] =	wrdreg s24  }
0xbe: {  	[dreg:$0x3] =	wrdreg s18  }
0xbf: {  	[dreg:$0x4] =	wrdreg $0xD0000  }
0xc0: {  	[dreg:$0x5] =	wrdreg $0x9  }
0xc1: {  	_ =	task.clear_ibuf [dreg:s22], $0x6FFFF;
	_ =	strace $0x90000055  }
0xc2: {  	s29 =	simm.s32 $0x9;
	_ =	strace $0x80000057  }
0xc3: {  	_ =	swait.ge [sflag:s29], $0x1  }
0xc4: {  	[sflag:s29] =	ssyncadd.s32 $0xFFFFFFFF  }
0xc5: {  	_ =	strace $0x90000057  }
0xc6: {  	_ =	sfence  }
0xc7: {  	s30 =	sld [smem:$0x0];
	_ =	sdelay $0x2  }
0xc8: {  	s31 =	sshll.u32 s1, $0xD;
	s1 =	sshrl.u32 s1, $0x2  }
0xc9: {  	s4 =	sand.u32 $0x4000, s31;
	s1 =	sadd.s32 s1, s30  }
0xca: {  	s0 =	sor.u32 s4, s0;
	s1 =	sshll.u32 s1, $0x11  }
0xcb: {  	s0 =	sor.u32 s1, s0  }
0xcc: {  	s0 =	sadd.s32 $0x8F2B, s0  }
0xcd: {  	[sflag:s0] =	ssyncadd.remote.s32 $0x1  }
0xce: {  	_ =	sfence.sel $0xFFFF  }
0xcf: {  	[dreg:$0x0] =	wrdreg $0xFFFFFFFF;
	(pc) =	sbr.abs _section_cstart, $3  }
0xd0: {  	[dreg:$0x1] =	wrdreg $0xFFFFFFFF  }
0xd1: {  	_ =	task.clear_ibuf [dreg:s22], $0x2FFFF;
	_ =	strace $0x9FFFFFFF  }
0xd2: {  	(tm) =	ssettm $0x7FFFFFFF  }
0xd3: {  	_ =	shalt  }
tec
execute0_lowered:
.L_overlay_start_1:
0x0: {  	(tag) =	ssettag $0x1  }
0x1: {  	s6 =	rddreg [dreg:$0x0]  }
0x2: {  	s10 =	rddreg [dreg:$0x1]  }
0x3: {  	s1 =	rddreg [dreg:$0x2]  }
0x4: {  	s0 =	rddreg [dreg:$0x3];
	s3 =	simm.s32 $0x0;
	s2 =	stileid.u32  }
0x5: {  	s8 =	srdreg.scid;
	s16 =	simm.s32 $0x5000;
	s17 =	simm.s32 $0x1  }
0x6: {  	s18 =	simm.s32 $0x9000;
	s19 =	simm.s32 $0x2;
	s20 =	simm.s32 $0x2780  }
0x7: {  	s21 =	simm.s32 $0x4F00;
	s22 =	simm.s32 $0x4F80;
	s23 =	simm.s32 $0x0  }
0x8: {  	[smem:$0x7FF] =	sst s3;
	s4 =	sadd.s32 $0x37A00, s6;
	s7 =	smul.u32 $0x500, s2  }
0x9: {  	s5 =	sadd.s32 $0xB6A00, s6;
	s11 =	sand.u32 $0x1, s8;
	s28 =	smul.u32 $0x29000, s2  }
0xa: {  	s14 =	smul.u32 $0xA400, s2;
	s31 =	sshll.u32 s2, $0x6;
	_ =	strace $0x80000056  }
0xb: {  	s29 =	ssub.s32 $0x2, s11;
	s12 =	smul.u32 $0xA4000, s11;
	p0 =	seq.s32 s11, $0x1  }
0xc: {  	s9 =	sadd.s32 s7, s6;
	s6 =	sadd.s32 $0xE400, s6;
	s13 =	sshrl.u32 s29, $0x1  }
.Ltmp0:
0xd: {  	s30 =	sshrl.u32 s28, $0x2;
	s7 =	sor.u32 $0x1C03, s31;
	(pc) =	sbr.rel .LBB2_1-.Ltmp0, $4  }
0xe: {  	s13 =	ssub.s32 s29, s13;
	s15 =	sadd.s32 s30, s1;
	s12 =	sadd.s32 s14, s12  }
0xf: {  	s8 =	sadd.s32 $0x61A00, s9;
	s9 =	sadd.s32 $0x8C00, s9;
	s14 =	simm.s32 $0x2800  }
0x10: {  	s12 =	sshrl.u32 s12, $0x3;
	s11 =	smax.u32 s13, $0x1;
	s13 =	simm.s32 $0x3  }
0x11: {  	s10 =	sadd.s32 s10, s12;
	s12 =	sshrl.u32 s15, $0x3;
	s15 =	simm.s32 $0x80  }
.LBB2_7:
0x12: {  	[sflag:s13] =	ssyncadd.s32 $0xFFFFC000  }
0x13: {  	_ =	swait.ge [sflag:s17], $0x4000  }
0x14: {  	[sflag:s17] =	ssyncset.done $0x0  }
0x15: {  	[sflag:s17] =	ssyncadd.s32 $0xFFFFC000  }
0x16: {  	[tilespmem:s18], [sflag:$0x2] =	stream.indirect.gather [hbm4b:s5+s15], $0x80, s20, s15, $0xb8;
	[tilespmem:$0x17400] =	vst v63  }
.LBB2_8:
0x17: {  	[spmem:s1] =	stream.indirect.scatter.add.f32 [tilespmem:s16], [sflag:$0x3], $0x80, s21, s15, $0xb8;
	[tilespmem:$0x17400] =	vst v63  }
0x18: {  	_ =	swait.ge [sflag:s13], $0x4000  }
0x19: {  	[sflag:s13] =	ssyncset.done $0x0  }
0x1a: {  	[sflag:s13] =	ssyncadd.s32 $0xFFFFC000  }
0x1b: {  	_ =	swait.ge [sflag:s19], $0x4000  }
0x1c: {  	[sflag:s19] =	ssyncset.done $0x0  }
0x1d: {  	[sflag:s19] =	ssyncadd.s32 $0xFFFFC000  }
0x1e: {  	[spmem:s1] =	stream.indirect.scatter.add.f32 [tilespmem:s18], [sflag:$0x3], $0x80, s22, s15, $0xb8;
	[tilespmem:$0x17400] =	vst v63  }
0x1f: {  	_ =	swait.ge [sflag:s13], $0x4000  }
0x20: {  	s23 =	sadd.s32 $0x1, s23;
	[sflag:s13] =	ssyncset.done $0x0  }
0x21: {  	p1 =	sne.s32 s23, s11;
	[sflag:s13] =	ssyncadd.s32 $0xFFFFC000  }
.Ltmp1:
0x22: {  	[bflag:$0x0] =	sbarrier.arrive $0xFFFF;
	(pc) =	sbr.rel @!p1 .LBB2_9-.Ltmp1, $4  }
0x23: {  	[hbm:s10], [sflag:s7] =	dma.local [spmem:s12], $0x1480  }
0x24: {  	_ =	swait.ge [sflag:s13], $0x1480  }
0x25: {  	[sflag:s13] =	ssyncset.done $0x0  }
0x26: {  	[sflag:s13] =	ssyncadd.s32 $0xFFFFEB80  }
.LBB2_1:
0x27: {  	[spmem:s12], [sflag:s7] =	dma.local [hbm:s6], $0x1480  }
0x28: {  	_ =	swait.ge [sflag:s13], $0x1480  }
0x29: {  	[sflag:s13] =	ssyncset.done $0x0  }
0x2a: {  	[sflag:s13] =	ssyncadd.s32 $0xFFFFEB80  }
0x2b: {  	[tilespmem:s3], [sflag:$0x3] =	stream.linear.gather [hbm4b:s8+s3], $0x2800, $0x38;
	[tilespmem:$0x17400] =	vst v63  }
0x2c: {  	_ =	swait.ge [sflag:s13], $0x2800  }
0x2d: {  	[sflag:s13] =	ssyncset.done $0x0  }
0x2e: {  	[sflag:s13] =	ssyncadd.s32 $0xFFFFD800  }
0x2f: {  	[tilespmem:s14], [sflag:$0x3] =	stream.linear.gather [hbm4b:s9+s3], $0x2800, $0x38;
	[tilespmem:$0x17400] =	vst v63  }
.Ltmp2:
0x30: {  	_ =	swait.ge [sflag:s13], $0x2800;
	(pc) =	sbr.rel @!p0 .LBB2_2-.Ltmp2, $4  }
0x31: {  	[sflag:s13] =	ssyncset.done $0x0  }
0x32: {  	[sflag:s13] =	ssyncadd.s32 $0xFFFFD800  }
0x33: {  	[bflag:$0x0] =	sbarrier.arrive $0xFFFF  }
0x34: {  	s24 =	simm.s32 $0x0  }
0x35: {  	[tilespmem:s16], [sflag:$0x1] =	stream.indirect.gather [hbm4b:s5+s15], $0x80, s24, s15, $0xb8;
	[tilespmem:$0x17400] =	vst v63  }
0x36: {  	_ =	swait.ge [sflag:s17], $0x4000  }
0x37: {  	[sflag:s17] =	ssyncset.done $0x0  }
0x38: {  	s28 =	simm.s32 $0x80;
	[sflag:s17] =	ssyncadd.s32 $0xFFFFC000  }
0x39: {  	[tilespmem:s18], [sflag:$0x2] =	stream.indirect.gather [hbm4b:s5+s15], $0x80, s28, s15, $0xb8;
	[tilespmem:$0x17400] =	vst v63  }
0x3a: {  	s29 =	simm.s32 $0x2800  }
0x3b: {  	[spmem:s1] =	stream.indirect.scatter.add.f32 [tilespmem:s16], [sflag:$0x3], $0x80, s29, s15, $0xb8;
	[tilespmem:$0x17400] =	vst v63  }
0x3c: {  	_ =	swait.ge [sflag:s13], $0x4000  }
0x3d: {  	[sflag:s13] =	ssyncset.done $0x0  }
0x3e: {  	s30 =	simm.s32 $0x100;
	[sflag:s13] =	ssyncadd.s32 $0xFFFFC000  }
0x3f: {  	[tilespmem:s16], [sflag:$0x1] =	stream.indirect.gather [hbm4b:s5+s15], $0x80, s30, s15, $0xb8;
	[tilespmem:$0x17400] =	vst v63  }
0x40: {  	_ =	swait.ge [sflag:s19], $0x4000  }
0x41: {  	[sflag:s19] =	ssyncset.done $0x0  }
0x42: {  	s31 =	simm.s32 $0x2880;
	[sflag:s19] =	ssyncadd.s32 $0xFFFFC000  }
0x43: {  	[spmem:s1] =	stream.indirect.scatter.add.f32 [tilespmem:s18], [sflag:$0x3], $0x80, s31, s15, $0xb8;
	[tilespmem:$0x17400] =	vst v63  }
0x44: {  	_ =	swait.ge [sflag:s13], $0x4000  }
0x45: {  	s24 =	simm.s32 $0x400;
	[sflag:s13] =	ssyncset.done $0x0  }
.LBB2_6:
0x46: {  	p1 =	sne.s32 s24, $0x9800  }
0x47: {  	[sflag:s13] =	ssyncadd.s32 $0xFFFFC000;
	s25 =	smov.u32 s24;
	s24 =	sadd.s32 $0x400, s24  }
0x48: {  	_ =	swait.ge [sflag:s17], $0x4000  }
0x49: {  	s25 =	sshra.s32 s25, $0x2;
	[sflag:s17] =	ssyncset.done $0x0  }
0x4a: {  	s26 =	sadd.s32 $0x80, s25;
	[sflag:s17] =	ssyncadd.s32 $0xFFFFC000  }
0x4b: {  	[tilespmem:s18], [sflag:$0x2] =	stream.indirect.gather [hbm4b:s5+s15], $0x80, s26, s15, $0xb8;
	[tilespmem:$0x17400] =	vst v63  }
0x4c: {  	s26 =	sadd.s32 $0x2800, s25  }
0x4d: {  	[spmem:s1] =	stream.indirect.scatter.add.f32 [tilespmem:s16], [sflag:$0x3], $0x80, s26, s15, $0xb8;
	[tilespmem:$0x17400] =	vst v63  }
0x4e: {  	_ =	swait.ge [sflag:s13], $0x4000  }
0x4f: {  	[sflag:s13] =	ssyncset.done $0x0  }
0x50: {  	s26 =	sadd.s32 $0x100, s25;
	[sflag:s13] =	ssyncadd.s32 $0xFFFFC000  }
0x51: {  	[tilespmem:s16], [sflag:$0x1] =	stream.indirect.gather [hbm4b:s5+s15], $0x80, s26, s15, $0xb8;
	[tilespmem:$0x17400] =	vst v63  }
0x52: {  	_ =	swait.ge [sflag:s19], $0x4000  }
.Ltmp3:
0x53: {  	[sflag:s19] =	ssyncset.done $0x0;
	(pc) =	sbr.rel @p1 .LBB2_6-.Ltmp3, $4  }
0x54: {  	s25 =	sadd.s32 $0x2880, s25;
	[sflag:s19] =	ssyncadd.s32 $0xFFFFC000  }
0x55: {  	[spmem:s1] =	stream.indirect.scatter.add.f32 [tilespmem:s18], [sflag:$0x3], $0x80, s25, s15, $0xb8;
	[tilespmem:$0x17400] =	vst v63  }
0x56: {  	_ =	swait.ge [sflag:s13], $0x4000  }
0x57: {  	[sflag:s13] =	ssyncset.done $0x0  }
.Ltmp4:
0x58: {  	_ = 	snop;
	(pc) =	sbr.rel .LBB2_7-.Ltmp4, $1  }
0x59: {  	_ =	sdelay $0x3  }
.LBB2_2:
0x5a: {  	[tilespmem:s16], [sflag:$0x1] =	stream.indirect.gather [hbm4b:s4+s15], $0x80, s24, s15, $0xb8;
	[tilespmem:$0x17400] =	vst v63  }
0x5b: {  	_ =	swait.ge [sflag:s17], $0x4000  }
0x5c: {  	[sflag:s17] =	ssyncset.done $0x0  }
0x5d: {  	s28 =	simm.s32 $0x80;
	[sflag:s17] =	ssyncadd.s32 $0xFFFFC000  }
0x5e: {  	[tilespmem:s18], [sflag:$0x2] =	stream.indirect.gather [hbm4b:s4+s15], $0x80, s28, s15, $0xb8;
	[tilespmem:$0x17400] =	vst v63  }
0x5f: {  	s29 =	simm.s32 $0x2800  }
0x60: {  	[spmem:s1] =	stream.indirect.scatter.add.f32 [tilespmem:s16], [sflag:$0x3], $0x80, s29, s15, $0xb8;
	[tilespmem:$0x17400] =	vst v63  }
0x61: {  	_ =	swait.ge [sflag:s13], $0x4000  }
0x62: {  	[sflag:s13] =	ssyncset.done $0x0  }
0x63: {  	s30 =	simm.s32 $0x100;
	[sflag:s13] =	ssyncadd.s32 $0xFFFFC000  }
0x64: {  	[tilespmem:s16], [sflag:$0x1] =	stream.indirect.gather [hbm4b:s4+s15], $0x80, s30, s15, $0xb8;
	[tilespmem:$0x17400] =	vst v63  }
0x65: {  	_ =	swait.ge [sflag:s19], $0x4000  }
0x66: {  	[sflag:s19] =	ssyncset.done $0x0  }
0x67: {  	s31 =	simm.s32 $0x2880;
	[sflag:s19] =	ssyncadd.s32 $0xFFFFC000  }
0x68: {  	[spmem:s1] =	stream.indirect.scatter.add.f32 [tilespmem:s18], [sflag:$0x3], $0x80, s31, s15, $0xb8;
	[tilespmem:$0x17400] =	vst v63  }
0x69: {  	_ =	swait.ge [sflag:s13], $0x4000  }
0x6a: {  	s24 =	simm.s32 $0x400;
	[sflag:s13] =	ssyncset.done $0x0  }
.LBB2_3:
0x6b: {  	p1 =	seq.s32 s24, $0x9800  }
0x6c: {  	[sflag:s13] =	ssyncadd.s32 $0xFFFFC000;
	s25 =	smov.u32 s24;
	s24 =	sadd.s32 $0x400, s24  }
0x6d: {  	_ =	swait.ge [sflag:s17], $0x4000  }
0x6e: {  	s25 =	sshra.s32 s25, $0x2;
	[sflag:s17] =	ssyncset.done $0x0  }
0x6f: {  	s26 =	sadd.s32 $0x80, s25;
	[sflag:s17] =	ssyncadd.s32 $0xFFFFC000  }
0x70: {  	[tilespmem:s18], [sflag:$0x2] =	stream.indirect.gather [hbm4b:s4+s15], $0x80, s26, s15, $0xb8;
	[tilespmem:$0x17400] =	vst v63  }
0x71: {  	s26 =	sadd.s32 $0x2800, s25  }
0x72: {  	[spmem:s1] =	stream.indirect.scatter.add.f32 [tilespmem:s16], [sflag:$0x3], $0x80, s26, s15, $0xb8;
	[tilespmem:$0x17400] =	vst v63  }
0x73: {  	_ =	swait.ge [sflag:s13], $0x4000  }
0x74: {  	[sflag:s13] =	ssyncset.done $0x0  }
0x75: {  	s26 =	sadd.s32 $0x100, s25;
	[sflag:s13] =	ssyncadd.s32 $0xFFFFC000  }
0x76: {  	[tilespmem:s16], [sflag:$0x1] =	stream.indirect.gather [hbm4b:s4+s15], $0x80, s26, s15, $0xb8;
	[tilespmem:$0x17400] =	vst v63  }
0x77: {  	_ =	swait.ge [sflag:s19], $0x4000  }
.Ltmp5:
0x78: {  	[sflag:s19] =	ssyncset.done $0x0;
	(pc) =	sbr.rel @!p1 .LBB2_3-.Ltmp5, $4  }
0x79: {  	s25 =	sadd.s32 $0x2880, s25;
	[sflag:s19] =	ssyncadd.s32 $0xFFFFC000  }
0x7a: {  	[spmem:s1] =	stream.indirect.scatter.add.f32 [tilespmem:s18], [sflag:$0x3], $0x80, s25, s15, $0xb8;
	[tilespmem:$0x17400] =	vst v63  }
0x7b: {  	_ =	swait.ge [sflag:s13], $0x4000  }
0x7c: {  	[sflag:s13] =	ssyncset.done $0x0  }
.Ltmp6:
0x7d: {  	[sflag:s13] =	ssyncadd.s32 $0xFFFFC000;
	(pc) =	sbr.rel .LBB2_8-.Ltmp6, $4  }
0x7e: {  	_ =	swait.ge [sflag:s17], $0x4000  }
0x7f: {  	[sflag:s17] =	ssyncset.done $0x0  }
0x80: {  	[sflag:s17] =	ssyncadd.s32 $0xFFFFC000  }
0x81: {  	[tilespmem:s18], [sflag:$0x2] =	stream.indirect.gather [hbm4b:s4+s15], $0x80, s20, s15, $0xb8;
	[tilespmem:$0x17400] =	vst v63  }
.LBB2_9:
0x82: {  	_ =	sfence.sel $0x180000  }
0x83: {  	[bflag:$0x0] =	sbarrier.arrive $0xFFFF  }
0x84: {  	p0 =	sne.s32 s2, $0x0;
	_ =	strace $0x90000056  }
0x85: {  	s0 =	sadd.s32 @!p0 $0x100000, s0;
	[bflag:$0x2] =	sbarrier.arrive $0xFFFF  }
0x86: {  	[sflag:s0] =	ssyncadd.tile.s32 @!p0 $0x1;
	_ =	shalt  }
.Lfunc_end2:
_tile_overlayer_lowered:
.L_overlay_start_2:
0x87: {  	(tag) =	ssettag $0x2  }
0x88: {  	s0 =	rddreg [dreg:$0x0];
	s2 =	stileid.u32  }
0x89: {  	s1 =	rddreg [dreg:$0x1];
	p0 =	sne.s32 s2, $0x0  }
0x8a: {  	s3 =	rddreg [dreg:$0x2];
	[bflag:$0x3] =	sbarrier.arrive $0xFFFF;
	s2 =	simm.s32 @!p0 $0x1C03  }
0x8b: {  	[timem:s3], [sflag:s2] =	dma.local @!p0 [hbm:s0], s1  }
0x8c: {  	s0 =	simm.s32 @!p0 $0x3  }
0x8d: {  	_ =	swait.ge @!p0 [sflag:s0], s1  }
0x8e: {  	s1 =	ssub.s32 @!p0 $0x0, s1;
	[sflag:s0] =	ssyncset.done @!p0 $0x0  }
0x8f: {  	[sflag:s0] =	ssyncadd.s32 @!p0 s1  }
0x90: {  	[bflag:$0x3] =	sbarrier.arrive $0xFFFF  }
0x91: {  	_ =	shalt  }

// kernel: kernel.25.cloned.1.call-start
scs
__scs_entry_jumppad:
0x0: {  	(pc) =	sbr.rel $0x88, $3  }
0x1: {  	(tag) =	ssettag $0x0;
	lr =	simm.s32 $0x1  }
0x2: {  	[smem:$0x3F99] =	sst lr;
	_ =	strace $0xD0000000  }
0x3: {  	_ = 	snop  }
0x4: {  	_ = 	snop  }
0x5: {  	_ = 	snop  }
0x6: {  	_ = 	snop  }
0x7: {  	_ = 	snop  }
__scs_overlays_trampoline_lowered:
0x8: {  	[smem:$0x3FA8] =	sst s0  }
0x9: {  	[smem:$0x3FA9] =	sst s1  }
0xa: {  	[smem:$0x3FAA] =	sst s2  }
0xb: {  	[smem:$0x3FAB] =	sst s3  }
0xc: {  	[smem:$0x3FAC] =	sst s4  }
0xd: {  	[smem:$0x3FAD] =	sst s5  }
0xe: {  	[smem:$0x3FAE] =	sst s6  }
0xf: {  	[smem:$0x3FAF] =	sst s7  }
0x10: {  	[smem:$0x3FB0] =	sst s8  }
0x11: {  	[smem:$0x3FB1] =	sst s9;
	s0 =	simm.s32 @!p0 $0x0  }
0x12: {  	s1 =	sld [smem:$0x3F97];
	s0 =	simm.s32 @p0 $0x1  }
0x13: {  	[smem:$0x3FB2] =	sst s0;
	s0 =	simm.s32 @!p1 $0x0  }
0x14: {  	s2 =	sld [smem:$0x3F96];
	s0 =	simm.s32 @p1 $0x1  }
0x15: {  	[smem:$0x3FB3] =	sst s0;
	s0 =	simm.s32 @!p2 $0x0  }
0x16: {  	s3 =	sld [smem:$0x3FDB];
	s0 =	simm.s32 @p2 $0x1  }
0x17: {  	s4 =	simm.s32 $0x1BF5;
	[smem:$0x3FB5] =	sst s0  }
0x18: {  	s0 =	sld [smem:$0x3F98];
	_ =	swait.ge [sflag:s4], $0x0  }
0x19: {  	s7 =	sld [smem:$0x3F99]  }
0x1a: {  	s8 =	sadd.s32 $0xFFFFE003, lr  }
0x1b: {  	s9 =	sadd.s32 $0xFFFFFEF7, lr;
	s5 =	simm.s32 $0xFFFFFFFF;
	p2 =	slt.u32 s8, $0xFFFFF086  }
0x1c: {  	p1 =	slt.u32 s9, $0xF7A;
	s5 =	simm.s32 @!p2 $0x0  }
0x1d: {  	s5 =	simm.s32 @p1 $0x1;
	p0 =	seq.s32 s7, s2  }
0x1e: {  	s7 =	smul.u32 @!p0 $0xF7A, s2;
	p2 =	seq.s32 @!p0 s5, $0x0  }
0x1f: {  	s9 =	smul.u32 $0xF7A, s1;
	s8 =	simm.s32 @!p0 $0x1BF5;
	p2 =	por !p2, p0  }
0x20: {  	[sflag:s8] =	ssyncset.s32 @!p0 $0xFFFFF086;
	s6 =	sadd.s32 @!p0 s3, s7;
	s7 =	simm.s32 @!p0 $0x108  }
0x21: {  	s3 =	sadd.s32 s3, s9;
	s6 =	sadd.s32 @!p0 $0x88, s6;
	s7 =	simm.s32 @p2 $0x1082  }
0x22: {  	[simem:s7], [sflag:s8] =	dma.local @!p0 [hbm:s6], $0xF7A  }
0x23: {  	s9 =	sor.u32 $0xD0000000, s2;
	s6 =	simm.s32 $0x108;
	_ =	swait.ge @!p0 [sflag:s8], $0x0  }
0x24: {  	s3 =	sadd.s32 $0x88, s3;
	s6 =	simm.s32 @!p1 $0x1082;
	[sflag:s4] =	ssyncset.s32 $0xFFFFF086  }
0x25: {  	[simem:s6], [sflag:s4] =	dma.local [hbm:s3], $0xF7A  }
0x26: {  	[smem:$0x3F99] =	sst s1;
	(tag) =	ssettag s2;
	_ =	strace s9  }
0x27: {  	s1 =	sld [smem:$0x3FA9]  }
0x28: {  	s2 =	sld [smem:$0x3FAA]  }
0x29: {  	s4 =	sld [smem:$0x3FAC]  }
0x2a: {  	p0 =	seq.s32 s5, $0x0;
	s5 =	sld [smem:$0x3FAD]  }
0x2b: {  	s6 =	sld [smem:$0x3FAE]  }
0x2c: {  	s7 =	sld [smem:$0x3FAF]  }
0x2d: {  	s3 =	simm.s32 $0x108;
	s8 =	sld [smem:$0x3FB0]  }
0x2e: {  	s3 =	simm.s32 @!p0 $0x1082;
	s9 =	sld [smem:$0x3FB1]  }
0x2f: {  	lr =	sadd.s32 s0, s3;
	s0 =	sld [smem:$0x3FA8]  }
0x30: {  	s3 =	sld [smem:$0x3FAB]  }
0x31: {  	[smem:$0x3FB4] =	sst s10  }
0x32: {  	s10 =	sld [smem:$0x3FB2];
	_ =	sdelay $0x3  }
0x33: {  	p0 =	seq.s32 s10, $0x1;
	s10 =	sld [smem:$0x3FB4];
	_ =	sdelay $0x3  }
0x34: {  	[smem:$0x3FB4] =	sst s10  }
0x35: {  	s10 =	sld [smem:$0x3FB3];
	_ =	sdelay $0x3  }
0x36: {  	p1 =	seq.s32 s10, $0x1;
	s10 =	sld [smem:$0x3FB4];
	_ =	sdelay $0x3  }
0x37: {  	[smem:$0x3FB4] =	sst s10  }
0x38: {  	s10 =	sld [smem:$0x3FB5]  }
0x39: {  	_ = 	snop;
	(pc) =	sbr.ind lr, $3  }
0x3a: {  	_ = 	snop  }
0x3b: {  	_ = 	snop  }
0x3c: {  	p2 =	seq.s32 s10, $0x1;
	s10 =	sld [smem:$0x3FB4]  }
0x3d: {  	_ =	shalt  }
0x3e: {  	_ =	shalt  }
0x3f: {  	_ =	shalt  }
0x40: {  	_ =	shalt  }
0x41: {  	_ =	shalt  }
0x42: {  	_ =	shalt  }
0x43: {  	_ =	shalt  }
0x44: {  	_ =	shalt  }
0x45: {  	_ =	shalt  }
0x46: {  	_ =	shalt  }
0x47: {  	_ =	shalt  }
0x48: {  	_ =	shalt  }
0x49: {  	_ =	shalt  }
0x4a: {  	_ =	shalt  }
0x4b: {  	_ =	shalt  }
0x4c: {  	_ =	shalt  }
0x4d: {  	_ =	shalt  }
0x4e: {  	_ =	shalt  }
0x4f: {  	_ =	shalt  }
0x50: {  	_ =	shalt  }
0x51: {  	_ =	shalt  }
0x52: {  	_ =	shalt  }
0x53: {  	_ =	shalt  }
0x54: {  	_ =	shalt  }
0x55: {  	_ =	shalt  }
0x56: {  	_ =	shalt  }
0x57: {  	_ =	shalt  }
0x58: {  	_ =	shalt  }
0x59: {  	_ =	shalt  }
0x5a: {  	_ =	shalt  }
0x5b: {  	_ =	shalt  }
0x5c: {  	_ =	shalt  }
0x5d: {  	_ =	shalt  }
0x5e: {  	_ =	shalt  }
0x5f: {  	_ =	shalt  }
0x60: {  	_ =	shalt  }
0x61: {  	_ =	shalt  }
0x62: {  	_ =	shalt  }
0x63: {  	_ =	shalt  }
0x64: {  	_ =	shalt  }
0x65: {  	_ =	shalt  }
0x66: {  	_ =	shalt  }
0x67: {  	_ =	shalt  }
0x68: {  	_ =	shalt  }
0x69: {  	_ =	shalt  }
0x6a: {  	_ =	shalt  }
0x6b: {  	_ =	shalt  }
0x6c: {  	_ =	shalt  }
0x6d: {  	_ =	shalt  }
0x6e: {  	_ =	shalt  }
0x6f: {  	_ =	shalt  }
0x70: {  	_ =	shalt  }
0x71: {  	_ =	shalt  }
0x72: {  	_ =	shalt  }
0x73: {  	_ =	shalt  }
0x74: {  	_ =	shalt  }
0x75: {  	_ =	shalt  }
0x76: {  	_ =	shalt  }
0x77: {  	_ =	shalt  }
0x78: {  	_ =	shalt  }
0x79: {  	_ =	shalt  }
0x7a: {  	_ =	shalt  }
0x7b: {  	_ =	shalt  }
0x7c: {  	_ =	shalt  }
0x7d: {  	_ =	shalt  }
0x7e: {  	_ =	shalt  }
0x7f: {  	_ =	shalt  }
0x80: {  	_ =	shalt  }
0x81: {  	_ =	shalt  }
0x82: {  	_ =	shalt  }
0x83: {  	_ =	shalt  }
0x84: {  	_ =	shalt  }
0x85: {  	_ =	shalt  }
0x86: {  	_ =	shalt  }
0x87: {  	_ =	shalt  }
.Lfunc_end0:
.L_simem_size_0:
called_computation.5_lowered:
.L_overlay_start_0:
0x88: {  	s2 =	sld [smem:$0x3FD9]  }
0x89: {  	s3 =	sld [smem:$0x3FFE];
	_ =	sdelay $0x1  }
0x8a: {  	s1 =	srdreg.scid  }
0x8b: {  	s0 =	sand.u32 $0x1, s1  }
0x8c: {  	s16 =	sshll.u32 s0, $0xA;
	s2 =	sadd.s32 s3, s2  }
0x8d: {  	s2 =	sadd.s32 s2, s16  }
0x8e: {  	[smem:$0x3FC0] =	sst s2  }
0x8f: {  	_ = 	snop  }
0x90: {  	(tm) =	ssettm $0x1  }
0x91: {  	s17 =	sld [smem:$0x3FFB];
	_ =	sdelay $0x3  }
0x92: {  	_ =	strace s17  }
0x93: {  	s2 =	sld [smem:$0x3FFC];
	_ =	sdelay $0x3  }
0x94: {  	_ =	strace s2  }
0x95: {  	s2 =	sld [smem:$0x3FFD];
	_ =	sdelay $0x3  }
0x96: {  	_ =	strace s2  }
0x97: {  	_ =	strace $0x8FFFFFFF  }
0x98: {  	s18 =	sld [smem:$0x3FDB];
	_ =	sdelay $0x1  }
0x99: {  	s19 =	simm.s32 $_scs_section_size  }
0x9a: {  	s4 =	simm.s32 $_size__tile_overlayer_lowered;
	s5 =	simm.s32 $_tile_overlayer_lowered  }
0x9b: {  	s22 =	simm.s32 $0x1BFF;
	s21 =	sshll.u32 s5, $0x1;
	s2 =	sadd.s32 s19, s18  }
0x9c: {  	s6 =	simm.s32 $0x0;
	s20 =	sshll.u32 s4, $0x1;
	s4 =	sadd.s32 s21, s2  }
0x9d: {  	[timem:s6], [sflag:s22] =	dma.local [hbm:s4], s20  }
0x9e: {  	_ =	swait.ge [sflag:s22], s20  }
0x9f: {  	s3 =	ssub.s32 $0x0, s20;
	[sflag:s22] =	ssyncset.done $0x0  }
0xa0: {  	[sflag:s22] =	ssyncadd.s32 s3;
	_ =	sdelay $0x1  }
0xa1: {  	s23 =	simm.s32 $0x1B8B  }
0xa2: {  	_ =	swait.ge [sflag:s23], $0x1  }
0xa3: {  	[sflag:s23] =	ssyncset.done $0x0  }
0xa4: {  	s25 =	simm.s32 $0x1B8E;
	s24 =	sld [smem:$0x3FFE];
	[sflag:s23] =	ssyncadd.s32 $0xFFFFFFFF  }
0xa5: {  	s26 =	simm.s32 $execute0_lowered;
	[smem:$0x3FD2] =	sst s25  }
0xa6: {  	s4 =	sshll.u32 s26, $0x1;
	_ =	strace $0x80000052;
	[dreg:$0x1] =	wrdreg $0xFFFFFFFF  }
0xa7: {  	s28 =	simm.s32 $_size_execute0_lowered;
	s2 =	sadd.s32 s2, s4;
	[dreg:$0x0] =	wrdreg $0x0  }
0xa8: {  	s4 =	sshll.u32 s28, $0x1;
	[dreg:$0x2] =	wrdreg s2  }
0xa9: {  	[dreg:$0x3] =	wrdreg s4  }
0xaa: {  	[dreg:$0x4] =	wrdreg $0xC0  }
0xab: {  	_ =	task [dreg:s6], $0x5FFFF  }
0xac: {  	[dreg:$0x1] =	wrdreg $0xFFFFFFFF  }
0xad: {  	[dreg:$0x0] =	wrdreg $0x60  }
0xae: {  	[dreg:$0x2] =	wrdreg s24  }
0xaf: {  	[dreg:$0x3] =	wrdreg $0xD0000  }
0xb0: {  	[dreg:$0x4] =	wrdreg $0xA  }
0xb1: {  	_ =	task.clear_ibuf [dreg:s6], $0x5FFFF;
	_ =	strace $0x90000052  }
0xb2: {  	s29 =	simm.s32 $0xA;
	_ =	strace $0x80000054  }
0xb3: {  	_ =	swait.ge [sflag:s29], $0x1  }
0xb4: {  	[sflag:s29] =	ssyncadd.s32 $0xFFFFFFFF  }
0xb5: {  	_ =	strace $0x90000054  }
0xb6: {  	_ =	sfence  }
0xb7: {  	s30 =	sld [smem:$0x0];
	_ =	sdelay $0x2  }
0xb8: {  	s31 =	sshll.u32 s1, $0xD;
	s1 =	sshrl.u32 s1, $0x2  }
0xb9: {  	s3 =	sand.u32 $0x4000, s31;
	s1 =	sadd.s32 s1, s30  }
0xba: {  	s0 =	sor.u32 s3, s0;
	s1 =	sshll.u32 s1, $0x11  }
0xbb: {  	s0 =	sor.u32 s1, s0  }
0xbc: {  	s0 =	sadd.s32 $0x8F2B, s0  }
0xbd: {  	[sflag:s0] =	ssyncadd.remote.s32 $0x1  }
0xbe: {  	_ =	sfence.sel $0xFFFF  }
0xbf: {  	[dreg:$0x0] =	wrdreg $0xFFFFFFFF;
	(pc) =	sbr.abs _section_cstart, $3  }
0xc0: {  	[dreg:$0x1] =	wrdreg $0xFFFFFFFF  }
0xc1: {  	_ =	task.clear_ibuf [dreg:s6], $0x2FFFF;
	_ =	strace $0x9FFFFFFF  }
0xc2: {  	(tm) =	ssettm $0x7FFFFFFF  }
0xc3: {  	_ =	shalt  }
tec
execute0_lowered:
.L_overlay_start_1:
0x0: {  	(tag) =	ssettag $0x1  }
0x1: {  	s7 =	rddreg [dreg:$0x0]  }
0x2: {  	s0 =	stileid.u32;
	s1 =	srdreg.scid  }
0x3: {  	s2 =	rddreg [dreg:$0x1];
	s3 =	simm.s32 $0x0;
	s15 =	simm.s32 $0x80  }
0x4: {  	s16 =	simm.s32 $0x5000;
	s17 =	simm.s32 $0x1;
	s18 =	simm.s32 $0x9000  }
0x5: {  	s19 =	simm.s32 $0x2;
	s20 =	simm.s32 $0x2780;
	s21 =	simm.s32 $0x4F00  }
0x6: {  	s22 =	simm.s32 $0x4F80;
	s23 =	simm.s32 $0x0;
	s6 =	smul.u32 $0x500, s0  }
0x7: {  	s10 =	sand.u32 $0x1, s1;
	s1 =	rddreg [dreg:$0x2];
	s9 =	smul.u32 $0xA400, s0  }
0x8: {  	[smem:$0x7FF] =	sst s3;
	s4 =	sadd.s32 $0x37A00, s7;
	s28 =	smul.u32 $0x29000, s0  }
0x9: {  	s5 =	sadd.s32 $0xB6A00, s7;
	s31 =	sshll.u32 s0, $0x6;
	s8 =	smul.u32 $0xA4000, s10  }
0xa: {  	_ =	strace $0x80000053;
	s12 =	ssub.s32 $0x2, s10;
	p0 =	seq.s32 s10, $0x1  }
0xb: {  	s11 =	sadd.s32 s6, s7;
	s6 =	sadd.s32 $0xE400, s7;
	s29 =	sshrl.u32 s12, $0x1  }
.Ltmp0:
0xc: {  	s30 =	sshrl.u32 s28, $0x2;
	s8 =	sadd.s32 s9, s8;
	(pc) =	sbr.rel .LBB2_1-.Ltmp0, $4  }
0xd: {  	s12 =	ssub.s32 s12, s29;
	s14 =	sadd.s32 s30, s2;
	s8 =	sshrl.u32 s8, $0x3  }
0xe: {  	s9 =	sadd.s32 $0x3C00, s11;
	s13 =	sadd.s32 s8, s7;
	s7 =	sor.u32 $0x1C03, s31  }
0xf: {  	s8 =	sadd.s32 $0x61A00, s11;
	s11 =	smax.u32 s12, $0x1;
	s12 =	sshrl.u32 s14, $0x3  }
0x10: {  	s14 =	simm.s32 $0x2800;
	s10 =	sadd.s32 $0xDEA00, s13;
	s13 =	simm.s32 $0x3  }
.LBB2_7:
0x11: {  	[sflag:s13] =	ssyncadd.s32 $0xFFFFC000  }
0x12: {  	_ =	swait.ge [sflag:s17], $0x4000  }
0x13: {  	[sflag:s17] =	ssyncset.done $0x0  }
0x14: {  	[sflag:s17] =	ssyncadd.s32 $0xFFFFC000  }
0x15: {  	[tilespmem:s18], [sflag:$0x2] =	stream.indirect.gather [hbm4b:s5+s15], $0x80, s20, s15, $0xb8;
	[tilespmem:$0x17400] =	vst v63  }
.LBB2_8:
0x16: {  	[spmem:s2] =	stream.indirect.scatter.add.f32 [tilespmem:s16], [sflag:$0x3], $0x80, s21, s15, $0xb8;
	[tilespmem:$0x17400] =	vst v63  }
0x17: {  	_ =	swait.ge [sflag:s13], $0x4000  }
0x18: {  	[sflag:s13] =	ssyncset.done $0x0  }
0x19: {  	[sflag:s13] =	ssyncadd.s32 $0xFFFFC000  }
0x1a: {  	_ =	swait.ge [sflag:s19], $0x4000  }
0x1b: {  	[sflag:s19] =	ssyncset.done $0x0  }
0x1c: {  	[sflag:s19] =	ssyncadd.s32 $0xFFFFC000  }
0x1d: {  	[spmem:s2] =	stream.indirect.scatter.add.f32 [tilespmem:s18], [sflag:$0x3], $0x80, s22, s15, $0xb8;
	[tilespmem:$0x17400] =	vst v63  }
0x1e: {  	_ =	swait.ge [sflag:s13], $0x4000  }
0x1f: {  	s23 =	sadd.s32 $0x1, s23;
	[sflag:s13] =	ssyncset.done $0x0  }
0x20: {  	p1 =	sne.s32 s23, s11;
	[sflag:s13] =	ssyncadd.s32 $0xFFFFC000  }
.Ltmp1:
0x21: {  	[bflag:$0x0] =	sbarrier.arrive $0xFFFF;
	(pc) =	sbr.rel @!p1 .LBB2_9-.Ltmp1, $4  }
0x22: {  	[hbm:s10], [sflag:s7] =	dma.local [spmem:s12], $0x1480  }
0x23: {  	_ =	swait.ge [sflag:s13], $0x1480  }
0x24: {  	[sflag:s13] =	ssyncset.done $0x0  }
0x25: {  	[sflag:s13] =	ssyncadd.s32 $0xFFFFEB80  }
.LBB2_1:
0x26: {  	[spmem:s12], [sflag:s7] =	dma.local [hbm:s6], $0x1480  }
0x27: {  	_ =	swait.ge [sflag:s13], $0x1480  }
0x28: {  	[sflag:s13] =	ssyncset.done $0x0  }
0x29: {  	[sflag:s13] =	ssyncadd.s32 $0xFFFFEB80  }
0x2a: {  	[tilespmem:s3], [sflag:$0x3] =	stream.linear.gather [hbm4b:s8+s3], $0x2800, $0x38;
	[tilespmem:$0x17400] =	vst v63  }
0x2b: {  	_ =	swait.ge [sflag:s13], $0x2800  }
0x2c: {  	[sflag:s13] =	ssyncset.done $0x0  }
0x2d: {  	[sflag:s13] =	ssyncadd.s32 $0xFFFFD800  }
0x2e: {  	[tilespmem:s14], [sflag:$0x3] =	stream.linear.gather [hbm4b:s9+s3], $0x2800, $0x38;
	[tilespmem:$0x17400] =	vst v63  }
.Ltmp2:
0x2f: {  	_ =	swait.ge [sflag:s13], $0x2800;
	(pc) =	sbr.rel @!p0 .LBB2_2-.Ltmp2, $4  }
0x30: {  	[sflag:s13] =	ssyncset.done $0x0  }
0x31: {  	[sflag:s13] =	ssyncadd.s32 $0xFFFFD800  }
0x32: {  	[bflag:$0x0] =	sbarrier.arrive $0xFFFF  }
0x33: {  	s24 =	simm.s32 $0x0  }
0x34: {  	[tilespmem:s16], [sflag:$0x1] =	stream.indirect.gather [hbm4b:s5+s15], $0x80, s24, s15, $0xb8;
	[tilespmem:$0x17400] =	vst v63  }
0x35: {  	_ =	swait.ge [sflag:s17], $0x4000  }
0x36: {  	[sflag:s17] =	ssyncset.done $0x0  }
0x37: {  	s28 =	simm.s32 $0x80;
	[sflag:s17] =	ssyncadd.s32 $0xFFFFC000  }
0x38: {  	[tilespmem:s18], [sflag:$0x2] =	stream.indirect.gather [hbm4b:s5+s15], $0x80, s28, s15, $0xb8;
	[tilespmem:$0x17400] =	vst v63  }
0x39: {  	s29 =	simm.s32 $0x2800  }
0x3a: {  	[spmem:s2] =	stream.indirect.scatter.add.f32 [tilespmem:s16], [sflag:$0x3], $0x80, s29, s15, $0xb8;
	[tilespmem:$0x17400] =	vst v63  }
0x3b: {  	_ =	swait.ge [sflag:s13], $0x4000  }
0x3c: {  	[sflag:s13] =	ssyncset.done $0x0  }
0x3d: {  	s30 =	simm.s32 $0x100;
	[sflag:s13] =	ssyncadd.s32 $0xFFFFC000  }
0x3e: {  	[tilespmem:s16], [sflag:$0x1] =	stream.indirect.gather [hbm4b:s5+s15], $0x80, s30, s15, $0xb8;
	[tilespmem:$0x17400] =	vst v63  }
0x3f: {  	_ =	swait.ge [sflag:s19], $0x4000  }
0x40: {  	[sflag:s19] =	ssyncset.done $0x0  }
0x41: {  	s31 =	simm.s32 $0x2880;
	[sflag:s19] =	ssyncadd.s32 $0xFFFFC000  }
0x42: {  	[spmem:s2] =	stream.indirect.scatter.add.f32 [tilespmem:s18], [sflag:$0x3], $0x80, s31, s15, $0xb8;
	[tilespmem:$0x17400] =	vst v63  }
0x43: {  	_ =	swait.ge [sflag:s13], $0x4000  }
0x44: {  	s24 =	simm.s32 $0x400;
	[sflag:s13] =	ssyncset.done $0x0  }
.LBB2_6:
0x45: {  	p1 =	sne.s32 s24, $0x9800  }
0x46: {  	[sflag:s13] =	ssyncadd.s32 $0xFFFFC000;
	s25 =	smov.u32 s24;
	s24 =	sadd.s32 $0x400, s24  }
0x47: {  	_ =	swait.ge [sflag:s17], $0x4000  }
0x48: {  	s25 =	sshra.s32 s25, $0x2;
	[sflag:s17] =	ssyncset.done $0x0  }
0x49: {  	s26 =	sadd.s32 $0x80, s25;
	[sflag:s17] =	ssyncadd.s32 $0xFFFFC000  }
0x4a: {  	[tilespmem:s18], [sflag:$0x2] =	stream.indirect.gather [hbm4b:s5+s15], $0x80, s26, s15, $0xb8;
	[tilespmem:$0x17400] =	vst v63  }
0x4b: {  	s26 =	sadd.s32 $0x2800, s25  }
0x4c: {  	[spmem:s2] =	stream.indirect.scatter.add.f32 [tilespmem:s16], [sflag:$0x3], $0x80, s26, s15, $0xb8;
	[tilespmem:$0x17400] =	vst v63  }
0x4d: {  	_ =	swait.ge [sflag:s13], $0x4000  }
0x4e: {  	[sflag:s13] =	ssyncset.done $0x0  }
0x4f: {  	s26 =	sadd.s32 $0x100, s25;
	[sflag:s13] =	ssyncadd.s32 $0xFFFFC000  }
0x50: {  	[tilespmem:s16], [sflag:$0x1] =	stream.indirect.gather [hbm4b:s5+s15], $0x80, s26, s15, $0xb8;
	[tilespmem:$0x17400] =	vst v63  }
0x51: {  	_ =	swait.ge [sflag:s19], $0x4000  }
.Ltmp3:
0x52: {  	[sflag:s19] =	ssyncset.done $0x0;
	(pc) =	sbr.rel @p1 .LBB2_6-.Ltmp3, $4  }
0x53: {  	s25 =	sadd.s32 $0x2880, s25;
	[sflag:s19] =	ssyncadd.s32 $0xFFFFC000  }
0x54: {  	[spmem:s2] =	stream.indirect.scatter.add.f32 [tilespmem:s18], [sflag:$0x3], $0x80, s25, s15, $0xb8;
	[tilespmem:$0x17400] =	vst v63  }
0x55: {  	_ =	swait.ge [sflag:s13], $0x4000  }
0x56: {  	[sflag:s13] =	ssyncset.done $0x0  }
.Ltmp4:
0x57: {  	_ = 	snop;
	(pc) =	sbr.rel .LBB2_7-.Ltmp4, $1  }
0x58: {  	_ =	sdelay $0x3  }
.LBB2_2:
0x59: {  	[tilespmem:s16], [sflag:$0x1] =	stream.indirect.gather [hbm4b:s4+s15], $0x80, s24, s15, $0xb8;
	[tilespmem:$0x17400] =	vst v63  }
0x5a: {  	_ =	swait.ge [sflag:s17], $0x4000  }
0x5b: {  	[sflag:s17] =	ssyncset.done $0x0  }
0x5c: {  	s28 =	simm.s32 $0x80;
	[sflag:s17] =	ssyncadd.s32 $0xFFFFC000  }
0x5d: {  	[tilespmem:s18], [sflag:$0x2] =	stream.indirect.gather [hbm4b:s4+s15], $0x80, s28, s15, $0xb8;
	[tilespmem:$0x17400] =	vst v63  }
0x5e: {  	s29 =	simm.s32 $0x2800  }
0x5f: {  	[spmem:s2] =	stream.indirect.scatter.add.f32 [tilespmem:s16], [sflag:$0x3], $0x80, s29, s15, $0xb8;
	[tilespmem:$0x17400] =	vst v63  }
0x60: {  	_ =	swait.ge [sflag:s13], $0x4000  }
0x61: {  	[sflag:s13] =	ssyncset.done $0x0  }
0x62: {  	s30 =	simm.s32 $0x100;
	[sflag:s13] =	ssyncadd.s32 $0xFFFFC000  }
0x63: {  	[tilespmem:s16], [sflag:$0x1] =	stream.indirect.gather [hbm4b:s4+s15], $0x80, s30, s15, $0xb8;
	[tilespmem:$0x17400] =	vst v63  }
0x64: {  	_ =	swait.ge [sflag:s19], $0x4000  }
0x65: {  	[sflag:s19] =	ssyncset.done $0x0  }
0x66: {  	s31 =	simm.s32 $0x2880;
	[sflag:s19] =	ssyncadd.s32 $0xFFFFC000  }
0x67: {  	[spmem:s2] =	stream.indirect.scatter.add.f32 [tilespmem:s18], [sflag:$0x3], $0x80, s31, s15, $0xb8;
	[tilespmem:$0x17400] =	vst v63  }
0x68: {  	_ =	swait.ge [sflag:s13], $0x4000  }
0x69: {  	s24 =	simm.s32 $0x400;
	[sflag:s13] =	ssyncset.done $0x0  }
.LBB2_3:
0x6a: {  	p1 =	seq.s32 s24, $0x9800  }
0x6b: {  	[sflag:s13] =	ssyncadd.s32 $0xFFFFC000;
	s25 =	smov.u32 s24;
	s24 =	sadd.s32 $0x400, s24  }
0x6c: {  	_ =	swait.ge [sflag:s17], $0x4000  }
0x6d: {  	s25 =	sshra.s32 s25, $0x2;
	[sflag:s17] =	ssyncset.done $0x0  }
0x6e: {  	s26 =	sadd.s32 $0x80, s25;
	[sflag:s17] =	ssyncadd.s32 $0xFFFFC000  }
0x6f: {  	[tilespmem:s18], [sflag:$0x2] =	stream.indirect.gather [hbm4b:s4+s15], $0x80, s26, s15, $0xb8;
	[tilespmem:$0x17400] =	vst v63  }
0x70: {  	s26 =	sadd.s32 $0x2800, s25  }
0x71: {  	[spmem:s2] =	stream.indirect.scatter.add.f32 [tilespmem:s16], [sflag:$0x3], $0x80, s26, s15, $0xb8;
	[tilespmem:$0x17400] =	vst v63  }
0x72: {  	_ =	swait.ge [sflag:s13], $0x4000  }
0x73: {  	[sflag:s13] =	ssyncset.done $0x0  }
0x74: {  	s26 =	sadd.s32 $0x100, s25;
	[sflag:s13] =	ssyncadd.s32 $0xFFFFC000  }
0x75: {  	[tilespmem:s16], [sflag:$0x1] =	stream.indirect.gather [hbm4b:s4+s15], $0x80, s26, s15, $0xb8;
	[tilespmem:$0x17400] =	vst v63  }
0x76: {  	_ =	swait.ge [sflag:s19], $0x4000  }
.Ltmp5:
0x77: {  	[sflag:s19] =	ssyncset.done $0x0;
	(pc) =	sbr.rel @!p1 .LBB2_3-.Ltmp5, $4  }
0x78: {  	s25 =	sadd.s32 $0x2880, s25;
	[sflag:s19] =	ssyncadd.s32 $0xFFFFC000  }
0x79: {  	[spmem:s2] =	stream.indirect.scatter.add.f32 [tilespmem:s18], [sflag:$0x3], $0x80, s25, s15, $0xb8;
	[tilespmem:$0x17400] =	vst v63  }
0x7a: {  	_ =	swait.ge [sflag:s13], $0x4000  }
0x7b: {  	[sflag:s13] =	ssyncset.done $0x0  }
.Ltmp6:
0x7c: {  	[sflag:s13] =	ssyncadd.s32 $0xFFFFC000;
	(pc) =	sbr.rel .LBB2_8-.Ltmp6, $4  }
0x7d: {  	_ =	swait.ge [sflag:s17], $0x4000  }
0x7e: {  	[sflag:s17] =	ssyncset.done $0x0  }
0x7f: {  	[sflag:s17] =	ssyncadd.s32 $0xFFFFC000  }
0x80: {  	[tilespmem:s18], [sflag:$0x2] =	stream.indirect.gather [hbm4b:s4+s15], $0x80, s20, s15, $0xb8;
	[tilespmem:$0x17400] =	vst v63  }
.LBB2_9:
0x81: {  	_ =	sfence.sel $0x180000  }
0x82: {  	[bflag:$0x0] =	sbarrier.arrive $0xFFFF  }
0x83: {  	p0 =	sne.s32 s0, $0x0;
	_ =	strace $0x90000053  }
0x84: {  	s0 =	sadd.s32 @!p0 $0x100000, s1;
	[bflag:$0x2] =	sbarrier.arrive $0xFFFF  }
0x85: {  	[sflag:s0] =	ssyncadd.tile.s32 @!p0 $0x1;
	_ =	shalt  }
.Lfunc_end2:
_tile_overlayer_lowered:
.L_overlay_start_2:
0x86: {  	(tag) =	ssettag $0x2  }
0x87: {  	s0 =	rddreg [dreg:$0x0];
	s2 =	stileid.u32  }
0x88: {  	s1 =	rddreg [dreg:$0x1];
	p0 =	sne.s32 s2, $0x0  }
0x89: {  	s3 =	rddreg [dreg:$0x2];
	[bflag:$0x3] =	sbarrier.arrive $0xFFFF;
	s2 =	simm.s32 @!p0 $0x1C03  }
0x8a: {  	[timem:s3], [sflag:s2] =	dma.local @!p0 [hbm:s0], s1  }
0x8b: {  	s0 =	simm.s32 @!p0 $0x3  }
0x8c: {  	_ =	swait.ge @!p0 [sflag:s0], s1  }
0x8d: {  	s1 =	ssub.s32 @!p0 $0x0, s1;
	[sflag:s0] =	ssyncset.done @!p0 $0x0  }
0x8e: {  	[sflag:s0] =	ssyncadd.s32 @!p0 s1  }
0x8f: {  	[bflag:$0x3] =	sbarrier.arrive $0xFFFF  }
0x90: {  	_ =	shalt  }

</sc_bundles>
